<compile_context>
chip_gen: v7x
topology: tpu7x:2x2x1
jax: 0.10.2.dev20260603
libtpu: 0.0.44.dev20260713+nightly
codegen_flags: <defaults>
</compile_context>

<pallas_src>
import functools

import jax
import jax.numpy as jnp
from jax import lax
from jax.experimental import pallas as pl
from jax.experimental.pallas import tpu as pltpu
from jax.experimental.pallas import tpu_sc as plsc

DIM = 32
N_POS = 2048
WMAX = 16
EXPM_SCALE_LOG2 = 4
EXPM_ORDER = 20


def _eye(n, dtype=jnp.float32):
    r = lax.broadcasted_iota(jnp.int32, (n, n), 0)
    c = lax.broadcasted_iota(jnp.int32, (n, n), 1)
    return (r == c).astype(dtype)


def _floor_log2(v):
    f = v.astype(jnp.float32)
    return ((lax.bitcast_convert_type(f, jnp.int32) >> 23) & 0xFF) - 127


def _prims_kernel(raw_ref, raw_t_ref, w_ref):
    eye = _eye(DIM)
    inv_scale = jnp.float32(2.0 ** -EXPM_SCALE_LOG2)

    def _mm(a, b):
        return jnp.dot(a, b, preferred_element_type=jnp.float32,
                       precision=lax.Precision.HIGHEST)

    xs = [(raw_ref[b] - raw_t_ref[b]) * inv_scale for b in range(2)]
    rs = [eye, eye]
    for k in range(EXPM_ORDER, 0, -1):
        inv_k = jnp.float32(1.0 / k)
        rs = [eye + _mm(xs[b], rs[b]) * inv_k for b in range(2)]
    for _ in range(EXPM_SCALE_LOG2):
        rs = [_mm(r, r) for r in rs]
    w_ref[0] = rs[0]
    w_ref[1] = rs[1]


_BLKN = 1024
_LOG_BLKN = 10


def _maps_kernel(pos_ref, w_ref, maps_ref):
    ncols = DIM * _BLKN
    pos_t = jnp.broadcast_to(pos_ref[...].reshape(1, 1, _BLKN),
                             (1, DIM, _BLKN)).reshape(1, ncols)
    m = pos_t + 1
    d = _floor_log2(m)
    s_iota = lax.broadcasted_iota(jnp.int32, (WMAX, ncols), 0)
    m_b = jnp.broadcast_to(m, (WMAX, ncols))
    d_b = jnp.broadcast_to(d, (WMAX, ncols))
    shift = jnp.maximum(d_b - 1 - s_iota, 0)
    bit = (m_b >> shift) & 1
    words = jnp.where(s_iota < d_b, bit, 2)

    a_cat = w_ref[...].reshape(2 * DIM, DIM).astype(jnp.bfloat16)

    row_a = lax.broadcasted_iota(jnp.int32, (DIM, ncols), 0)
    col_c = lax.broadcasted_iota(jnp.int32, (DIM, ncols), 1) >> _LOG_BLKN
    t = (row_a == col_c).astype(jnp.bfloat16)

    for s in range(WMAX):
        u = lax.dot_general(a_cat, t, (((1,), (0,)), ((), ())),
                            preferred_element_type=jnp.float32
                            ).astype(jnp.bfloat16)
        w_row = words[s:s + 1, :]
        t = jnp.where(w_row == 0, u[:DIM],
                      jnp.where(w_row == 1, u[DIM:], t))
    t3 = t.astype(jnp.float32).reshape(DIM, DIM, _BLKN)
    maps_ref[...] = lax.transpose(t3, (1, 0, 2)).reshape(1, DIM, DIM, _BLKN)


def _compute_prims(raw01, raw01_t):
    return pl.pallas_call(
        _prims_kernel,
        out_shape=jax.ShapeDtypeStruct((2, DIM, DIM), jnp.float32),
    )(raw01, raw01_t)


def _compute_maps(pos_row, w):
    maps4 = pl.pallas_call(
        _maps_kernel,
        grid=(N_POS // _BLKN,),
        in_specs=[
            pl.BlockSpec((1, _BLKN), lambda i: (0, i)),
            pl.BlockSpec((2, DIM, DIM), lambda i: (0, 0, 0)),
        ],
        out_specs=pl.BlockSpec((1, DIM, DIM, _BLKN), lambda i: (0, 0, 0, i)),
        out_shape=jax.ShapeDtypeStruct((1, DIM, DIM, N_POS), jnp.float32),
    )(pos_row, w)
    return jnp.transpose(maps4, (3, 0, 1, 2))



_SC_WORKERS = 32
_SC_ROWS = N_POS // _SC_WORKERS
_SC_GRP = 16
_SC_CHUNKS = N_POS // 16


def _steps_sc_body(pos_hbm, out_hbm, m_v, xkey_v, dep_v, cmin_v, buf_v):
    wid = lax.axis_index("s") * 2 + lax.axis_index("c")
    pltpu.sync_copy(pos_hbm, m_v)

    def col_body(i, maxd):
        sl = pl.ds(i * 16, 16)
        m = m_v[sl] + 1
        f = m.astype(jnp.float32)
        d = ((lax.bitcast_convert_type(f, jnp.int32) >> 23) & 0xFF) - 127
        m_v[sl] = m
        xkey_v[sl] = m << (WMAX - d)
        dep_v[sl] = d
        return jnp.maximum(maxd, d)

    maxd = lax.fori_loop(0, _SC_CHUNKS, col_body,
                         jnp.zeros((16,), jnp.int32))
    _dn = lax.GatherDimensionNumbers(offset_dims=(), collapsed_slice_dims=(0,),
                                     start_index_map=(0,))
    for _sh in (8, 4, 2, 1):
        idx = (lax.iota(jnp.int32, 16) + _sh) % 16
        rot = lax.gather(maxd, idx[:, None], _dn, slice_sizes=(1,),
                         mode=lax.GatherScatterMode.PROMISE_IN_BOUNDS)
        maxd = jnp.maximum(maxd, rot)
    lens_v = jnp.maximum(maxd, 1)

    @plsc.parallel_loop(0, _SC_CHUNKS)
    def _(i):
        sl = pl.ds(i * 16, 16)
        cmin_v[sl] = jnp.minimum(dep_v[sl], lens_v)

    row0 = wid * _SC_ROWS

    def grp_body(g, _):
        base = row0 + g * _SC_GRP
        mr16 = m_v[pl.ds(base, _SC_GRP)]
        xr16 = xkey_v[pl.ds(base, _SC_GRP)]
        rm16 = cmin_v[pl.ds(base, _SC_GRP)]

        for half in range(2):
            rows = list(range(half * 8, half * 8 + 8))
            splats = [(jnp.full((16,), mr16[r], jnp.int32),
                       jnp.full((16,), xr16[r], jnp.int32),
                       jnp.full((16,), rm16[r], jnp.int32)) for r in rows]

            @plsc.parallel_loop(0, _SC_CHUNKS, unroll=2)
            def _(i, rows=rows, splats=splats):
                sl = pl.ds(i * 16, 16)
                xc = xkey_v[sl]
                mc = m_v[sl]
                cm = cmin_v[sl]
                for r, (mr_v, xr_v, rm_v) in zip(rows, splats):
                    fo = (xr_v ^ xc).astype(jnp.float32)
                    e = lax.bitcast_convert_type(fo, jnp.int32) >> 23
                    val = jnp.minimum(jnp.minimum(142 - e, rm_v), cm)
                    cpl = jnp.where(mc == mr_v, lens_v, val)
                    buf_v[r, sl] = (lens_v - cpl) << 1

        pltpu.sync_copy(buf_v, out_hbm.at[pl.ds(base, _SC_GRP)])
        return 0

    lax.fori_loop(0, _SC_ROWS // _SC_GRP, grp_body, 0)


def _compute_steps_sc(pos):
    mesh = plsc.VectorSubcoreMesh(core_axis_name="c", subcore_axis_name="s")
    return pl.kernel(
        _steps_sc_body,
        out_type=jax.ShapeDtypeStruct((N_POS, N_POS), jnp.int32),
        mesh=mesh,
        scratch_types=[
            pltpu.VMEM((N_POS,), jnp.int32),
            pltpu.VMEM((N_POS,), jnp.int32),
            pltpu.VMEM((N_POS,), jnp.int32),
            pltpu.VMEM((N_POS,), jnp.int32),
            pltpu.VMEM((_SC_GRP, N_POS), jnp.int32),
        ],
    )(pos)


@jax.jit
def kernel(primitives_raw, positions):
    raw01 = primitives_raw[:2]
    raw01_t = jnp.swapaxes(raw01, -1, -2)
    w = _compute_prims(raw01, raw01_t)

    pos = positions.astype(jnp.int32)
    maps = _compute_maps(pos.reshape(1, N_POS), w)
    steps = _compute_steps_sc(pos)
    return maps, steps

# --- scband reference (transcript-rebuilt; emitter-appended) ---
"""Pipeline reference for scband-unitary-branching-35708358099360 (READ-ONLY COPY).

The authoritative reference and input builder live on the scoring server;
editing this copy changes nothing except your own understanding.
"""

import jax, jax.numpy as jnp
import numpy as np
from jax.scipy.linalg import expm

DIM = 32
BF = 2
NUM_HEADS = 16
N_POS = 2048
MAX_POS = 65534


def _node_path(idx):
    # path of node idx in the implicit BF-ary tree (matches create_paths)
    p = []
    while idx > 0:
        p.append((idx - 1) % BF)
        idx = (idx - 1) // BF
    return p[::-1]


def _path_words(positions):
    # node idx has path equal to the binary digits of (idx + 1) after the
    # leading bit; depth(idx) = bit_length(idx + 1) - 1
    m = positions + 1
    Wmax = int(MAX_POS).bit_length()
    ks = jnp.arange(1, Wmax + 1)
    depth = ((m[:, None] >> ks[None, :]) > 0).sum(-1)
    s = jnp.arange(Wmax)
    shift = jnp.clip(depth[:, None] - 1 - s[None, :], 0, None)
    bits = (m[:, None] >> shift) & 1
    pw = jnp.where(s[None, :] < depth[:, None], bits, BF).astype(jnp.int32)
    return pw, depth


def _create_steps(path_words, depth):
    point_mask = path_words != (BF + 1)
    mask = point_mask[:, None, :] & point_mask[None, :, :]
    pointwise_equal = path_words[:, None, :] == path_words[None, :, :]
    common_prefix = jnp.logical_and(
        jnp.cumprod(pointwise_equal.astype(jnp.int32), axis=-1).astype(bool), mask)
    lens_val = jnp.maximum(depth.max(), 1)
    sum_lens = lens_val + lens_val
    cpl = common_prefix.sum(-1)
    cpl = jnp.minimum(cpl, lens_val)
    return sum_lens - 2 * cpl


def setup_inputs(seed: int = 0) -> dict:
    key = jax.random.key(seed)
    k1, k2 = jax.random.split(key)
    positions = jax.random.randint(k1, (N_POS,), 0, MAX_POS)
    raw = jax.random.uniform(k2, (BF * NUM_HEADS + 1, DIM, DIM), dtype=jnp.float32)
    # mirrors torch.rand(...).softmax(-1).cumsum(-1)
    primitives_raw = jnp.cumsum(jax.nn.softmax(raw, axis=-1), axis=-1)
    return {"primitives_raw": primitives_raw, "positions": positions}


def reference(primitives_raw, positions):
    # primitives = matrix_exp(P - P^H)  (real skew-symmetric -> orthogonal)
    hermitian = primitives_raw - jnp.swapaxes(primitives_raw, -1, -2)
    primitives = jax.vmap(expm)(hermitian)

    path_words, depth = _path_words(positions)
    steps = _create_steps(path_words, depth)

    n = path_words.shape[0]
    maps = jnp.broadcast_to(jnp.eye(DIM, dtype=primitives.dtype)[None, None],
                            (n, 1, DIM, DIM))
    for step in range(path_words.shape[1]):
        for branch in range(BF):
            sel = path_words[:, step] == branch
            # F.linear(maps_sel, primitives[branch]) == maps_sel @ primitives[branch].T
            updated = jnp.einsum('nhij,kj->nhik', maps, primitives[branch])
            maps = jnp.where(sel[:, None, None, None], updated, maps)
    return maps, steps

if __name__ == "__main__":
    import jax
    _d = setup_inputs()
    print(jax.jit(kernel)(*tuple(_d.values())))

</pallas_src>

<mosaic_0001>
#map = affine_map<(d0, d1) -> (0)>
#map1 = affine_map<(d0, d1) -> (0, 0)>
module attributes {stable_mosaic.version = 14 : i64} {
  func.func @_steps_sc_body(%arg0: i32, %arg1: i32, %arg2: memref<2048xi32, #tpu.memory_space<hbm>>, %arg3: memref<2048x2048xi32, #tpu.memory_space<hbm>>, %arg4: memref<2048xi32, #tpu.memory_space<vmem>>, %arg5: memref<2048xi32, #tpu.memory_space<vmem>>, %arg6: memref<2048xi32, #tpu.memory_space<vmem>>, %arg7: memref<2048xi32, #tpu.memory_space<vmem>>, %arg8: memref<16x2048xi32, #tpu.memory_space<vmem>>) attributes {dimension_semantics = [#tpu.dimension_semantics<core_parallel>, #tpu.dimension_semantics<subcore_parallel>], iteration_bounds = array<i64: 2, 16>, scalar_prefetch = 0 : i64, scratch_operands = 5 : i64, tpu.core_type = #tpu.core_type<sc_vector_subcore>, window_params = [{transform_indices = #map}, {transform_indices = #map1}]} {
    %mul3A = arith.constant 2 : i32
    %mul3A_0 = arith.muli %arg1, %mul3A : i32
    %add3A = arith.addi %mul3A_0, %arg0 : i32
    "tpu.region"() ({
      %run_scoped3A = tpu.sem_alloc : memref<!tpu.dma_semaphore, #tpu.memory_space<semaphore_mem>>
      tpu.enqueue_dma source(%arg2 : memref<2048xi32, #tpu.memory_space<hbm>>) target(%arg4 : memref<2048xi32, #tpu.memory_space<vmem>>) target_semaphore(%run_scoped3A : memref<!tpu.dma_semaphore, #tpu.memory_space<semaphore_mem>>)
      tpu.wait_dma2 semaphore(%run_scoped3A : memref<!tpu.dma_semaphore, #tpu.memory_space<semaphore_mem>>) src(%arg2 : memref<2048xi32, #tpu.memory_space<hbm>>) dst(%arg4 : memref<2048xi32, #tpu.memory_space<vmem>>)
      tpu.yield
    }) : () -> ()
    %broadcast_in_dim3A = arith.constant 0 : i32
    %broadcast_in_dim3A_1 = vector.broadcast %broadcast_in_dim3A : i32 to vector<16xi32>
    %scan3A = arith.constant 0 : i32
    %scan3A_2 = arith.constant 128 : i32
    %scan3A_3 = arith.addi %scan3A, %scan3A_2 : i32
    %scan3A_4 = arith.constant 1 : i32
    %scan3A_5 = scf.for %scan3A_131 = %scan3A to %scan3A_3 step %scan3A_4 iter_args(%scan3A_132 = %broadcast_in_dim3A_1) -> (vector<16xi32>)  : i32 {
      %mul3A_133 = arith.constant 16 : i32
      %mul3A_134 = arith.muli %scan3A_131, %mul3A_133 : i32
      %get3A = arith.index_cast %mul3A_134 : i32 to index
      %get3A_135 = tpu.vector_load %arg4[%get3A] {strides = array<i32>} : memref<2048xi32, #tpu.memory_space<vmem>>, vector<16xi32>,
      %get3A_136 = vector.shape_cast %get3A_135 : vector<16xi32> to vector<16xi32>
      %add3A_137 = arith.constant 1 : i32
      %add3A_138 = vector.broadcast %add3A_137 : i32 to vector<16xi32>
      %add3A_139 = arith.addi %get3A_136, %add3A_138 : vector<16xi32>
      %convert_element_type3A = arith.sitofp %add3A_139 : vector<16xi32> to vector<16xf32>
      %bitcast_convert_type3A = tpu.bitcast %convert_element_type3A : vector<16xf32> -> vector<16xi32>
      %shift_right_arithmetic3A = arith.constant 23 : i32
      %shift_right_arithmetic3A_140 = vector.broadcast %shift_right_arithmetic3A : i32 to vector<16xi32>
      %shift_right_arithmetic3A_141 = arith.shrsi %bitcast_convert_type3A, %shift_right_arithmetic3A_140 : vector<16xi32>
      %and3A_142 = arith.constant 255 : i32
      %and3A_143 = vector.broadcast %and3A_142 : i32 to vector<16xi32>
      %and3A_144 = arith.andi %shift_right_arithmetic3A_141, %and3A_143 : vector<16xi32>
      %sub3A = arith.constant 127 : i32
      %sub3A_145 = vector.broadcast %sub3A : i32 to vector<16xi32>
      %sub3A_146 = arith.subi %and3A_144, %sub3A_145 : vector<16xi32>
      %swap3A = arith.index_cast %mul3A_134 : i32 to index
      %swap3A_147 = tpu.vector_load %arg4[%swap3A] {strides = array<i32>} : memref<2048xi32, #tpu.memory_space<vmem>>, vector<16xi32>,
      %swap3A_148 = vector.shape_cast %swap3A_147 : vector<16xi32> to vector<16xi32>
      %swap3A_149 = vector.shape_cast %add3A_139 : vector<16xi32> to vector<16xi32>
      tpu.vector_store %arg4[%swap3A], %swap3A_149 {strides = array<i32>} : memref<2048xi32, #tpu.memory_space<vmem>>, vector<16xi32>,
      %sub3A_150 = arith.constant 16 : i32
      %sub3A_151 = vector.broadcast %sub3A_150 : i32 to vector<16xi32>
      %sub3A_152 = arith.subi %sub3A_151, %sub3A_146 : vector<16xi32>
      %shift_left3A = arith.shli %add3A_139, %sub3A_152 : vector<16xi32>
      %swap3A_153 = arith.index_cast %mul3A_134 : i32 to index
      %swap3A_154 = tpu.vector_load %arg5[%swap3A_153] {strides = array<i32>} : memref<2048xi32, #tpu.memory_space<vmem>>, vector<16xi32>,
      %swap3A_155 = vector.shape_cast %swap3A_154 : vector<16xi32> to vector<16xi32>
      %swap3A_156 = vector.shape_cast %shift_left3A : vector<16xi32> to vector<16xi32>
      tpu.vector_store %arg5[%swap3A_153], %swap3A_156 {strides = array<i32>} : memref<2048xi32, #tpu.memory_space<vmem>>, vector<16xi32>,
      %swap3A_157 = arith.index_cast %mul3A_134 : i32 to index
      %swap3A_158 = tpu.vector_load %arg6[%swap3A_157] {strides = array<i32>} : memref<2048xi32, #tpu.memory_space<vmem>>, vector<16xi32>,
      %swap3A_159 = vector.shape_cast %swap3A_158 : vector<16xi32> to vector<16xi32>
      %swap3A_160 = vector.shape_cast %sub3A_146 : vector<16xi32> to vector<16xi32>
      tpu.vector_store %arg6[%swap3A_157], %swap3A_160 {strides = array<i32>} : memref<2048xi32, #tpu.memory_space<vmem>>, vector<16xi32>,
      %max3A_161 = arith.maxsi %scan3A_132, %sub3A_146 : vector<16xi32>
      scf.yield %max3A_161 : vector<16xi32>
    }
    %scan3A_6 = arith.constant 128 : i32
    %iota3A = tpu.iota {dimensions = array<i32: 0>} : vector<16xi32>
    %add3A_7 = arith.constant 8 : i32
    %add3A_8 = vector.broadcast %add3A_7 : i32 to vector<16xi32>
    %add3A_9 = arith.addi %iota3A, %add3A_8 : vector<16xi32>
    %jit3A = arith.constant 16 : i32
    %eq3A = arith.constant 0 : i32
    %eq3A_10 = arith.cmpi eq, %jit3A, %eq3A : i32
    %jit3A_11 = arith.constant 1 : i32
    %select_n3A = arith.select %eq3A_10, %jit3A_11, %jit3A : i32
    %rem3A = vector.broadcast %select_n3A : i32 to vector<16xi32>
    %rem3A_12 = arith.remsi %add3A_9, %rem3A : vector<16xi32>
    %ne3A = arith.constant 0 : i32
    %ne3A_13 = vector.broadcast %ne3A : i32 to vector<16xi32>
    %ne3A_14 = arith.cmpi ne, %rem3A_12, %ne3A_13 : vector<16xi32>
    %lt3A = arith.constant 0 : i32
    %lt3A_15 = vector.broadcast %lt3A : i32 to vector<16xi32>
    %lt3A_16 = arith.cmpi slt, %rem3A_12, %lt3A_15 : vector<16xi32>
    %lt3A_17 = arith.constant 0 : i32
    %lt3A_18 = arith.cmpi slt, %select_n3A, %lt3A_17 : i32
    %ne3A_19 = vector.broadcast %lt3A_18 : i1 to vector<16xi1>
    %ne3A_20 = vector.broadcast %ne3A_19 : vector<16xi1> to vector<16xi1>
    %ne3A_21 = arith.xori %lt3A_16, %ne3A_20 : vector<16xi1>
    %and3A = arith.andi %ne3A_21, %ne3A_14 : vector<16xi1>
    %add3A_22 = vector.broadcast %select_n3A : i32 to vector<16xi32>
    %add3A_23 = arith.addi %rem3A_12, %add3A_22 : vector<16xi32>
    %select_n3A_24 = arith.select %and3A, %add3A_23, %rem3A_12 : vector<16xi1>, vector<16xi32>
    %broadcast_in_dim3A_25 = vector.shape_cast %select_n3A_24 : vector<16xi32> to vector<16x1xi32>
    %gather3A = vector.shape_cast %broadcast_in_dim3A_25 : vector<16x1xi32> to vector<16xi32>
    %gather3A_26 = tpu.dynamic_gather %scan3A_5[%gather3A] in [0] : vector<16xi32>, vector<16xi32> -> vector<16xi32>
    %max3A = arith.maxsi %scan3A_5, %gather3A_26 : vector<16xi32>
    %iota3A_27 = tpu.iota {dimensions = array<i32: 0>} : vector<16xi32>
    %add3A_28 = arith.constant 4 : i32
    %add3A_29 = vector.broadcast %add3A_28 : i32 to vector<16xi32>
    %add3A_30 = arith.addi %iota3A_27, %add3A_29 : vector<16xi32>
    %jit3A_31 = arith.constant 16 : i32
    %eq3A_32 = arith.constant 0 : i32
    %eq3A_33 = arith.cmpi eq, %jit3A_31, %eq3A_32 : i32
    %jit3A_34 = arith.constant 1 : i32
    %select_n3A_35 = arith.select %eq3A_33, %jit3A_34, %jit3A_31 : i32
    %rem3A_36 = vector.broadcast %select_n3A_35 : i32 to vector<16xi32>
    %rem3A_37 = arith.remsi %add3A_30, %rem3A_36 : vector<16xi32>
    %ne3A_38 = arith.constant 0 : i32
    %ne3A_39 = vector.broadcast %ne3A_38 : i32 to vector<16xi32>
    %ne3A_40 = arith.cmpi ne, %rem3A_37, %ne3A_39 : vector<16xi32>
    %lt3A_41 = arith.constant 0 : i32
    %lt3A_42 = vector.broadcast %lt3A_41 : i32 to vector<16xi32>
    %lt3A_43 = arith.cmpi slt, %rem3A_37, %lt3A_42 : vector<16xi32>
    %lt3A_44 = arith.constant 0 : i32
    %lt3A_45 = arith.cmpi slt, %select_n3A_35, %lt3A_44 : i32
    %ne3A_46 = vector.broadcast %lt3A_45 : i1 to vector<16xi1>
    %ne3A_47 = vector.broadcast %ne3A_46 : vector<16xi1> to vector<16xi1>
    %ne3A_48 = arith.xori %lt3A_43, %ne3A_47 : vector<16xi1>
    %and3A_49 = arith.andi %ne3A_48, %ne3A_40 : vector<16xi1>
    %add3A_50 = vector.broadcast %select_n3A_35 : i32 to vector<16xi32>
    %add3A_51 = arith.addi %rem3A_37, %add3A_50 : vector<16xi32>
    %select_n3A_52 = arith.select %and3A_49, %add3A_51, %rem3A_37 : vector<16xi1>, vector<16xi32>
    %broadcast_in_dim3A_53 = vector.shape_cast %select_n3A_52 : vector<16xi32> to vector<16x1xi32>
    %gather3A_54 = vector.shape_cast %broadcast_in_dim3A_53 : vector<16x1xi32> to vector<16xi32>
    %gather3A_55 = tpu.dynamic_gather %max3A[%gather3A_54] in [0] : vector<16xi32>, vector<16xi32> -> vector<16xi32>
    %max3A_56 = arith.maxsi %max3A, %gather3A_55 : vector<16xi32>
    %iota3A_57 = tpu.iota {dimensions = array<i32: 0>} : vector<16xi32>
    %add3A_58 = arith.constant 2 : i32
    %add3A_59 = vector.broadcast %add3A_58 : i32 to vector<16xi32>
    %add3A_60 = arith.addi %iota3A_57, %add3A_59 : vector<16xi32>
    %jit3A_61 = arith.constant 16 : i32
    %eq3A_62 = arith.constant 0 : i32
    %eq3A_63 = arith.cmpi eq, %jit3A_61, %eq3A_62 : i32
    %jit3A_64 = arith.constant 1 : i32
    %select_n3A_65 = arith.select %eq3A_63, %jit3A_64, %jit3A_61 : i32
    %rem3A_66 = vector.broadcast %select_n3A_65 : i32 to vector<16xi32>
    %rem3A_67 = arith.remsi %add3A_60, %rem3A_66 : vector<16xi32>
    %ne3A_68 = arith.constant 0 : i32
    %ne3A_69 = vector.broadcast %ne3A_68 : i32 to vector<16xi32>
    %ne3A_70 = arith.cmpi ne, %rem3A_67, %ne3A_69 : vector<16xi32>
    %lt3A_71 = arith.constant 0 : i32
    %lt3A_72 = vector.broadcast %lt3A_71 : i32 to vector<16xi32>
    %lt3A_73 = arith.cmpi slt, %rem3A_67, %lt3A_72 : vector<16xi32>
    %lt3A_74 = arith.constant 0 : i32
    %lt3A_75 = arith.cmpi slt, %select_n3A_65, %lt3A_74 : i32
    %ne3A_76 = vector.broadcast %lt3A_75 : i1 to vector<16xi1>
    %ne3A_77 = vector.broadcast %ne3A_76 : vector<16xi1> to vector<16xi1>
    %ne3A_78 = arith.xori %lt3A_73, %ne3A_77 : vector<16xi1>
    %and3A_79 = arith.andi %ne3A_78, %ne3A_70 : vector<16xi1>
    %add3A_80 = vector.broadcast %select_n3A_65 : i32 to vector<16xi32>
    %add3A_81 = arith.addi %rem3A_67, %add3A_80 : vector<16xi32>
    %select_n3A_82 = arith.select %and3A_79, %add3A_81, %rem3A_67 : vector<16xi1>, vector<16xi32>
    %broadcast_in_dim3A_83 = vector.shape_cast %select_n3A_82 : vector<16xi32> to vector<16x1xi32>
    %gather3A_84 = vector.shape_cast %broadcast_in_dim3A_83 : vector<16x1xi32> to vector<16xi32>
    %gather3A_85 = tpu.dynamic_gather %max3A_56[%gather3A_84] in [0] : vector<16xi32>, vector<16xi32> -> vector<16xi32>
    %max3A_86 = arith.maxsi %max3A_56, %gather3A_85 : vector<16xi32>
    %iota3A_87 = tpu.iota {dimensions = array<i32: 0>} : vector<16xi32>
    %add3A_88 = arith.constant 1 : i32
    %add3A_89 = vector.broadcast %add3A_88 : i32 to vector<16xi32>
    %add3A_90 = arith.addi %iota3A_87, %add3A_89 : vector<16xi32>
    %jit3A_91 = arith.constant 16 : i32
    %eq3A_92 = arith.constant 0 : i32
    %eq3A_93 = arith.cmpi eq, %jit3A_91, %eq3A_92 : i32
    %jit3A_94 = arith.constant 1 : i32
    %select_n3A_95 = arith.select %eq3A_93, %jit3A_94, %jit3A_91 : i32
    %rem3A_96 = vector.broadcast %select_n3A_95 : i32 to vector<16xi32>
    %rem3A_97 = arith.remsi %add3A_90, %rem3A_96 : vector<16xi32>
    %ne3A_98 = arith.constant 0 : i32
    %ne3A_99 = vector.broadcast %ne3A_98 : i32 to vector<16xi32>
    %ne3A_100 = arith.cmpi ne, %rem3A_97, %ne3A_99 : vector<16xi32>
    %lt3A_101 = arith.constant 0 : i32
    %lt3A_102 = vector.broadcast %lt3A_101 : i32 to vector<16xi32>
    %lt3A_103 = arith.cmpi slt, %rem3A_97, %lt3A_102 : vector<16xi32>
    %lt3A_104 = arith.constant 0 : i32
    %lt3A_105 = arith.cmpi slt, %select_n3A_95, %lt3A_104 : i32
    %ne3A_106 = vector.broadcast %lt3A_105 : i1 to vector<16xi1>
    %ne3A_107 = vector.broadcast %ne3A_106 : vector<16xi1> to vector<16xi1>
    %ne3A_108 = arith.xori %lt3A_103, %ne3A_107 : vector<16xi1>
    %and3A_109 = arith.andi %ne3A_108, %ne3A_100 : vector<16xi1>
    %add3A_110 = vector.broadcast %select_n3A_95 : i32 to vector<16xi32>
    %add3A_111 = arith.addi %rem3A_97, %add3A_110 : vector<16xi32>
    %select_n3A_112 = arith.select %and3A_109, %add3A_111, %rem3A_97 : vector<16xi1>, vector<16xi32>
    %broadcast_in_dim3A_113 = vector.shape_cast %select_n3A_112 : vector<16xi32> to vector<16x1xi32>
    %gather3A_114 = vector.shape_cast %broadcast_in_dim3A_113 : vector<16x1xi32> to vector<16xi32>
    %gather3A_115 = tpu.dynamic_gather %max3A_86[%gather3A_114] in [0] : vector<16xi32>, vector<16xi32> -> vector<16xi32>
    %max3A_116 = arith.maxsi %max3A_86, %gather3A_115 : vector<16xi32>
    %max3A_117 = arith.constant 1 : i32
    %max3A_118 = vector.broadcast %max3A_117 : i32 to vector<16xi32>
    %max3A_119 = arith.maxsi %max3A_116, %max3A_118 : vector<16xi32>
    %parallel_loop3A = arith.constant 0 : i32
    %parallel_loop3A_120 = arith.constant 128 : i32
    %parallel_loop3A_121 = arith.constant 1 : i32
    scf.for %parallel_loop3A_131 = %parallel_loop3A to %parallel_loop3A_120 step %parallel_loop3A_121  : i32 {
      %parallel_loop3A_132 = arith.constant 16 : i32
      %parallel_loop3A_133 = arith.muli %parallel_loop3A_131, %parallel_loop3A_132 : i32
      %parallel_loop3A_134 = arith.index_cast %parallel_loop3A_133 : i32 to index
      %parallel_loop3A_135 = tpu.vector_load %arg6[%parallel_loop3A_134] {strides = array<i32>} : memref<2048xi32, #tpu.memory_space<vmem>>, vector<16xi32>,
      %parallel_loop3A_136 = vector.shape_cast %parallel_loop3A_135 : vector<16xi32> to vector<16xi32>
      %parallel_loop3A_137 = arith.minsi %parallel_loop3A_136, %max3A_119 : vector<16xi32>
      %parallel_loop3A_138 = arith.index_cast %parallel_loop3A_133 : i32 to index
      %parallel_loop3A_139 = tpu.vector_load %arg7[%parallel_loop3A_138] {strides = array<i32>} : memref<2048xi32, #tpu.memory_space<vmem>>, vector<16xi32>,
      %parallel_loop3A_140 = vector.shape_cast %parallel_loop3A_139 : vector<16xi32> to vector<16xi32>
      %parallel_loop3A_141 = vector.shape_cast %parallel_loop3A_137 : vector<16xi32> to vector<16xi32>
      tpu.vector_store %arg7[%parallel_loop3A_138], %parallel_loop3A_141 {strides = array<i32>} : memref<2048xi32, #tpu.memory_space<vmem>>, vector<16xi32>,
    } {sc.loop_unroll_factor = 1 : i64, sc.parallel_access}
    %mul3A_122 = arith.constant 64 : i32
    %mul3A_123 = arith.muli %add3A, %mul3A_122 : i32
    %scan3A_124 = arith.constant 0 : i32
    %scan3A_125 = arith.constant 0 : i32
    %scan3A_126 = arith.constant 4 : i32
    %scan3A_127 = arith.addi %scan3A_125, %scan3A_126 : i32
    %scan3A_128 = arith.constant 1 : i32
    %scan3A_129 = scf.for %scan3A_131 = %scan3A_125 to %scan3A_127 step %scan3A_128 iter_args(%scan3A_132 = %scan3A_124) -> (i32)  : i32 {
      %mul3A_133 = arith.constant 16 : i32
      %mul3A_134 = arith.muli %scan3A_131, %mul3A_133 : i32
      %add3A_135 = arith.addi %mul3A_123, %mul3A_134 : i32
      %get3A = arith.index_cast %add3A_135 : i32 to index
      %get3A_136 = tpu.vector_load %arg4[%get3A] {strides = array<i32>} : memref<2048xi32, #tpu.memory_space<vmem>>, vector<16xi32>,
      %get3A_137 = vector.shape_cast %get3A_136 : vector<16xi32> to vector<16xi32>
      %get3A_138 = arith.index_cast %add3A_135 : i32 to index
      %get3A_139 = tpu.vector_load %arg5[%get3A_138] {strides = array<i32>} : memref<2048xi32, #tpu.memory_space<vmem>>, vector<16xi32>,
      %get3A_140 = vector.shape_cast %get3A_139 : vector<16xi32> to vector<16xi32>
      %get3A_141 = arith.index_cast %add3A_135 : i32 to index
      %get3A_142 = tpu.vector_load %arg7[%get3A_141] {strides = array<i32>} : memref<2048xi32, #tpu.memory_space<vmem>>, vector<16xi32>,
      %get3A_143 = vector.shape_cast %get3A_142 : vector<16xi32> to vector<16xi32>
      %slice3A = vector.extract_strided_slice %get3A_137 {offsets = [0], sizes = [1], strides = [1]} : vector<16xi32> to vector<1xi32>
      %squeeze3A = vector.extract %slice3A[0] : i32 from vector<1xi32>
      %broadcast_in_dim3A_144 = vector.broadcast %squeeze3A : i32 to vector<16xi32>
      %slice3A_145 = vector.extract_strided_slice %get3A_140 {offsets = [0], sizes = [1], strides = [1]} : vector<16xi32> to vector<1xi32>
      %squeeze3A_146 = vector.extract %slice3A_145[0] : i32 from vector<1xi32>
      %broadcast_in_dim3A_147 = vector.broadcast %squeeze3A_146 : i32 to vector<16xi32>
      %slice3A_148 = vector.extract_strided_slice %get3A_143 {offsets = [0], sizes = [1], strides = [1]} : vector<16xi32> to vector<1xi32>
      %squeeze3A_149 = vector.extract %slice3A_148[0] : i32 from vector<1xi32>
      %broadcast_in_dim3A_150 = vector.broadcast %squeeze3A_149 : i32 to vector<16xi32>
      %slice3A_151 = vector.extract_strided_slice %get3A_137 {offsets = [1], sizes = [1], strides = [1]} : vector<16xi32> to vector<1xi32>
      %squeeze3A_152 = vector.extract %slice3A_151[0] : i32 from vector<1xi32>
      %broadcast_in_dim3A_153 = vector.broadcast %squeeze3A_152 : i32 to vector<16xi32>
      %slice3A_154 = vector.extract_strided_slice %get3A_140 {offsets = [1], sizes = [1], strides = [1]} : vector<16xi32> to vector<1xi32>
      %squeeze3A_155 = vector.extract %slice3A_154[0] : i32 from vector<1xi32>
      %broadcast_in_dim3A_156 = vector.broadcast %squeeze3A_155 : i32 to vector<16xi32>
      %slice3A_157 = vector.extract_strided_slice %get3A_143 {offsets = [1], sizes = [1], strides = [1]} : vector<16xi32> to vector<1xi32>
      %squeeze3A_158 = vector.extract %slice3A_157[0] : i32 from vector<1xi32>
      %broadcast_in_dim3A_159 = vector.broadcast %squeeze3A_158 : i32 to vector<16xi32>
      %slice3A_160 = vector.extract_strided_slice %get3A_137 {offsets = [2], sizes = [1], strides = [1]} : vector<16xi32> to vector<1xi32>
      %squeeze3A_161 = vector.extract %slice3A_160[0] : i32 from vector<1xi32>
      %broadcast_in_dim3A_162 = vector.broadcast %squeeze3A_161 : i32 to vector<16xi32>
      %slice3A_163 = vector.extract_strided_slice %get3A_140 {offsets = [2], sizes = [1], strides = [1]} : vector<16xi32> to vector<1xi32>
      %squeeze3A_164 = vector.extract %slice3A_163[0] : i32 from vector<1xi32>
      %broadcast_in_dim3A_165 = vector.broadcast %squeeze3A_164 : i32 to vector<16xi32>
      %slice3A_166 = vector.extract_strided_slice %get3A_143 {offsets = [2], sizes = [1], strides = [1]} : vector<16xi32> to vector<1xi32>
      %squeeze3A_167 = vector.extract %slice3A_166[0] : i32 from vector<1xi32>
      %broadcast_in_dim3A_168 = vector.broadcast %squeeze3A_167 : i32 to vector<16xi32>
      %slice3A_169 = vector.extract_strided_slice %get3A_137 {offsets = [3], sizes = [1], strides = [1]} : vector<16xi32> to vector<1xi32>
      %squeeze3A_170 = vector.extract %slice3A_169[0] : i32 from vector<1xi32>
      %broadcast_in_dim3A_171 = vector.broadcast %squeeze3A_170 : i32 to vector<16xi32>
      %slice3A_172 = vector.extract_strided_slice %get3A_140 {offsets = [3], sizes = [1], strides = [1]} : vector<16xi32> to vector<1xi32>
      %squeeze3A_173 = vector.extract %slice3A_172[0] : i32 from vector<1xi32>
      %broadcast_in_dim3A_174 = vector.broadcast %squeeze3A_173 : i32 to vector<16xi32>
      %slice3A_175 = vector.extract_strided_slice %get3A_143 {offsets = [3], sizes = [1], strides = [1]} : vector<16xi32> to vector<1xi32>
      %squeeze3A_176 = vector.extract %slice3A_175[0] : i32 from vector<1xi32>
      %broadcast_in_dim3A_177 = vector.broadcast %squeeze3A_176 : i32 to vector<16xi32>
      %slice3A_178 = vector.extract_strided_slice %get3A_137 {offsets = [4], sizes = [1], strides = [1]} : vector<16xi32> to vector<1xi32>
      %squeeze3A_179 = vector.extract %slice3A_178[0] : i32 from vector<1xi32>
      %broadcast_in_dim3A_180 = vector.broadcast %squeeze3A_179 : i32 to vector<16xi32>
      %slice3A_181 = vector.extract_strided_slice %get3A_140 {offsets = [4], sizes = [1], strides = [1]} : vector<16xi32> to vector<1xi32>
      %squeeze3A_182 = vector.extract %slice3A_181[0] : i32 from vector<1xi32>
      %broadcast_in_dim3A_183 = vector.broadcast %squeeze3A_182 : i32 to vector<16xi32>
      %slice3A_184 = vector.extract_strided_slice %get3A_143 {offsets = [4], sizes = [1], strides = [1]} : vector<16xi32> to vector<1xi32>
      %squeeze3A_185 = vector.extract %slice3A_184[0] : i32 from vector<1xi32>
      %broadcast_in_dim3A_186 = vector.broadcast %squeeze3A_185 : i32 to vector<16xi32>
      %slice3A_187 = vector.extract_strided_slice %get3A_137 {offsets = [5], sizes = [1], strides = [1]} : vector<16xi32> to vector<1xi32>
      %squeeze3A_188 = vector.extract %slice3A_187[0] : i32 from vector<1xi32>
      %broadcast_in_dim3A_189 = vector.broadcast %squeeze3A_188 : i32 to vector<16xi32>
      %slice3A_190 = vector.extract_strided_slice %get3A_140 {offsets = [5], sizes = [1], strides = [1]} : vector<16xi32> to vector<1xi32>
      %squeeze3A_191 = vector.extract %slice3A_190[0] : i32 from vector<1xi32>
      %broadcast_in_dim3A_192 = vector.broadcast %squeeze3A_191 : i32 to vector<16xi32>
      %slice3A_193 = vector.extract_strided_slice %get3A_143 {offsets = [5], sizes = [1], strides = [1]} : vector<16xi32> to vector<1xi32>
      %squeeze3A_194 = vector.extract %slice3A_193[0] : i32 from vector<1xi32>
      %broadcast_in_dim3A_195 = vector.broadcast %squeeze3A_194 : i32 to vector<16xi32>
      %slice3A_196 = vector.extract_strided_slice %get3A_137 {offsets = [6], sizes = [1], strides = [1]} : vector<16xi32> to vector<1xi32>
      %squeeze3A_197 = vector.extract %slice3A_196[0] : i32 from vector<1xi32>
      %broadcast_in_dim3A_198 = vector.broadcast %squeeze3A_197 : i32 to vector<16xi32>
      %slice3A_199 = vector.extract_strided_slice %get3A_140 {offsets = [6], sizes = [1], strides = [1]} : vector<16xi32> to vector<1xi32>
      %squeeze3A_200 = vector.extract %slice3A_199[0] : i32 from vector<1xi32>
      %broadcast_in_dim3A_201 = vector.broadcast %squeeze3A_200 : i32 to vector<16xi32>
      %slice3A_202 = vector.extract_strided_slice %get3A_143 {offsets = [6], sizes = [1], strides = [1]} : vector<16xi32> to vector<1xi32>
      %squeeze3A_203 = vector.extract %slice3A_202[0] : i32 from vector<1xi32>
      %broadcast_in_dim3A_204 = vector.broadcast %squeeze3A_203 : i32 to vector<16xi32>
      %slice3A_205 = vector.extract_strided_slice %get3A_137 {offsets = [7], sizes = [1], strides = [1]} : vector<16xi32> to vector<1xi32>
      %squeeze3A_206 = vector.extract %slice3A_205[0] : i32 from vector<1xi32>
      %broadcast_in_dim3A_207 = vector.broadcast %squeeze3A_206 : i32 to vector<16xi32>
      %slice3A_208 = vector.extract_strided_slice %get3A_140 {offsets = [7], sizes = [1], strides = [1]} : vector<16xi32> to vector<1xi32>
      %squeeze3A_209 = vector.extract %slice3A_208[0] : i32 from vector<1xi32>
      %broadcast_in_dim3A_210 = vector.broadcast %squeeze3A_209 : i32 to vector<16xi32>
      %slice3A_211 = vector.extract_strided_slice %get3A_143 {offsets = [7], sizes = [1], strides = [1]} : vector<16xi32> to vector<1xi32>
      %squeeze3A_212 = vector.extract %slice3A_211[0] : i32 from vector<1xi32>
      %broadcast_in_dim3A_213 = vector.broadcast %squeeze3A_212 : i32 to vector<16xi32>
      %parallel_loop3A_214 = arith.constant 0 : i32
      %parallel_loop3A_215 = arith.constant 128 : i32
      %parallel_loop3A_216 = arith.constant 1 : i32
      scf.for %parallel_loop3A_293 = %parallel_loop3A_214 to %parallel_loop3A_215 step %parallel_loop3A_216  : i32 {
        %parallel_loop3A_294 = arith.constant 16 : i32
        %parallel_loop3A_295 = arith.muli %parallel_loop3A_293, %parallel_loop3A_294 : i32
        %parallel_loop3A_296 = arith.index_cast %parallel_loop3A_295 : i32 to index
        %parallel_loop3A_297 = tpu.vector_load %arg5[%parallel_loop3A_296] {strides = array<i32>} : memref<2048xi32, #tpu.memory_space<vmem>>, vector<16xi32>,
        %parallel_loop3A_298 = vector.shape_cast %parallel_loop3A_297 : vector<16xi32> to vector<16xi32>
        %parallel_loop3A_299 = arith.index_cast %parallel_loop3A_295 : i32 to index
        %parallel_loop3A_300 = tpu.vector_load %arg4[%parallel_loop3A_299] {strides = array<i32>} : memref<2048xi32, #tpu.memory_space<vmem>>, vector<16xi32>,
        %parallel_loop3A_301 = vector.shape_cast %parallel_loop3A_300 : vector<16xi32> to vector<16xi32>
        %parallel_loop3A_302 = arith.index_cast %parallel_loop3A_295 : i32 to index
        %parallel_loop3A_303 = tpu.vector_load %arg7[%parallel_loop3A_302] {strides = array<i32>} : memref<2048xi32, #tpu.memory_space<vmem>>, vector<16xi32>,
        %parallel_loop3A_304 = vector.shape_cast %parallel_loop3A_303 : vector<16xi32> to vector<16xi32>
        %parallel_loop3A_305 = arith.xori %broadcast_in_dim3A_147, %parallel_loop3A_298 : vector<16xi32>
        %parallel_loop3A_306 = arith.sitofp %parallel_loop3A_305 : vector<16xi32> to vector<16xf32>
        %parallel_loop3A_307 = tpu.bitcast %parallel_loop3A_306 : vector<16xf32> -> vector<16xi32>
        %parallel_loop3A_308 = arith.constant 23 : i32
        %parallel_loop3A_309 = vector.broadcast %parallel_loop3A_308 : i32 to vector<16xi32>
        %parallel_loop3A_310 = arith.shrsi %parallel_loop3A_307, %parallel_loop3A_309 : vector<16xi32>
        %parallel_loop3A_311 = arith.constant 142 : i32
        %parallel_loop3A_312 = vector.broadcast %parallel_loop3A_311 : i32 to vector<16xi32>
        %parallel_loop3A_313 = arith.subi %parallel_loop3A_312, %parallel_loop3A_310 : vector<16xi32>
        %parallel_loop3A_314 = arith.minsi %parallel_loop3A_313, %broadcast_in_dim3A_150 : vector<16xi32>
        %parallel_loop3A_315 = arith.minsi %parallel_loop3A_314, %parallel_loop3A_304 : vector<16xi32>
        %parallel_loop3A_316 = arith.cmpi eq, %parallel_loop3A_301, %broadcast_in_dim3A_144 : vector<16xi32>
        %parallel_loop3A_317 = arith.select %parallel_loop3A_316, %max3A_119, %parallel_loop3A_315 : vector<16xi1>, vector<16xi32>
        %parallel_loop3A_318 = arith.subi %max3A_119, %parallel_loop3A_317 : vector<16xi32>
        %parallel_loop3A_319 = arith.constant 1 : i32
        %parallel_loop3A_320 = vector.broadcast %parallel_loop3A_319 : i32 to vector<16xi32>
        %parallel_loop3A_321 = arith.shli %parallel_loop3A_318, %parallel_loop3A_320 : vector<16xi32>
        %parallel_loop3A_322 = arith.constant 0 : i32
        %parallel_loop3A_323 = arith.index_cast %parallel_loop3A_322 : i32 to index
        %parallel_loop3A_324 = arith.index_cast %parallel_loop3A_295 : i32 to index
        %parallel_loop3A_325 = tpu.vector_load %arg8[%parallel_loop3A_323, %parallel_loop3A_324] {strides = array<i32>} : memref<16x2048xi32, #tpu.memory_space<vmem>>, vector<1x16xi32>,
        %parallel_loop3A_326 = vector.shape_cast %parallel_loop3A_325 : vector<1x16xi32> to vector<16xi32>
        %parallel_loop3A_327 = vector.shape_cast %parallel_loop3A_321 : vector<16xi32> to vector<1x16xi32>
        tpu.vector_store %arg8[%parallel_loop3A_323, %parallel_loop3A_324], %parallel_loop3A_327 {strides = array<i32>} : memref<16x2048xi32, #tpu.memory_space<vmem>>, vector<1x16xi32>,
        %parallel_loop3A_328 = arith.xori %broadcast_in_dim3A_156, %parallel_loop3A_298 : vector<16xi32>
        %parallel_loop3A_329 = arith.sitofp %parallel_loop3A_328 : vector<16xi32> to vector<16xf32>
        %parallel_loop3A_330 = tpu.bitcast %parallel_loop3A_329 : vector<16xf32> -> vector<16xi32>
        %parallel_loop3A_331 = arith.constant 23 : i32
        %parallel_loop3A_332 = vector.broadcast %parallel_loop3A_331 : i32 to vector<16xi32>
        %parallel_loop3A_333 = arith.shrsi %parallel_loop3A_330, %parallel_loop3A_332 : vector<16xi32>
        %parallel_loop3A_334 = arith.constant 142 : i32
        %parallel_loop3A_335 = vector.broadcast %parallel_loop3A_334 : i32 to vector<16xi32>
        %parallel_loop3A_336 = arith.subi %parallel_loop3A_335, %parallel_loop3A_333 : vector<16xi32>
        %parallel_loop3A_337 = arith.minsi %parallel_loop3A_336, %broadcast_in_dim3A_159 : vector<16xi32>
        %parallel_loop3A_338 = arith.minsi %parallel_loop3A_337, %parallel_loop3A_304 : vector<16xi32>
        %parallel_loop3A_339 = arith.cmpi eq, %parallel_loop3A_301, %broadcast_in_dim3A_153 : vector<16xi32>
        %parallel_loop3A_340 = arith.select %parallel_loop3A_339, %max3A_119, %parallel_loop3A_338 : vector<16xi1>, vector<16xi32>
        %parallel_loop3A_341 = arith.subi %max3A_119, %parallel_loop3A_340 : vector<16xi32>
        %parallel_loop3A_342 = arith.constant 1 : i32
        %parallel_loop3A_343 = vector.broadcast %parallel_loop3A_342 : i32 to vector<16xi32>
        %parallel_loop3A_344 = arith.shli %parallel_loop3A_341, %parallel_loop3A_343 : vector<16xi32>
        %parallel_loop3A_345 = arith.constant 1 : i32
        %parallel_loop3A_346 = arith.index_cast %parallel_loop3A_345 : i32 to index
        %parallel_loop3A_347 = arith.index_cast %parallel_loop3A_295 : i32 to index
        %parallel_loop3A_348 = tpu.vector_load %arg8[%parallel_loop3A_346, %parallel_loop3A_347] {strides = array<i32>} : memref<16x2048xi32, #tpu.memory_space<vmem>>, vector<1x16xi32>,
        %parallel_loop3A_349 = vector.shape_cast %parallel_loop3A_348 : vector<1x16xi32> to vector<16xi32>
        %parallel_loop3A_350 = vector.shape_cast %parallel_loop3A_344 : vector<16xi32> to vector<1x16xi32>
        tpu.vector_store %arg8[%parallel_loop3A_346, %parallel_loop3A_347], %parallel_loop3A_350 {strides = array<i32>} : memref<16x2048xi32, #tpu.memory_space<vmem>>, vector<1x16xi32>,
        %parallel_loop3A_351 = arith.xori %broadcast_in_dim3A_165, %parallel_loop3A_298 : vector<16xi32>
        %parallel_loop3A_352 = arith.sitofp %parallel_loop3A_351 : vector<16xi32> to vector<16xf32>
        %parallel_loop3A_353 = tpu.bitcast %parallel_loop3A_352 : vector<16xf32> -> vector<16xi32>
        %parallel_loop3A_354 = arith.constant 23 : i32
        %parallel_loop3A_355 = vector.broadcast %parallel_loop3A_354 : i32 to vector<16xi32>
        %parallel_loop3A_356 = arith.shrsi %parallel_loop3A_353, %parallel_loop3A_355 : vector<16xi32>
        %parallel_loop3A_357 = arith.constant 142 : i32
        %parallel_loop3A_358 = vector.broadcast %parallel_loop3A_357 : i32 to vector<16xi32>
        %parallel_loop3A_359 = arith.subi %parallel_loop3A_358, %parallel_loop3A_356 : vector<16xi32>
        %parallel_loop3A_360 = arith.minsi %parallel_loop3A_359, %broadcast_in_dim3A_168 : vector<16xi32>
        %parallel_loop3A_361 = arith.minsi %parallel_loop3A_360, %parallel_loop3A_304 : vector<16xi32>
        %parallel_loop3A_362 = arith.cmpi eq, %parallel_loop3A_301, %broadcast_in_dim3A_162 : vector<16xi32>
        %parallel_loop3A_363 = arith.select %parallel_loop3A_362, %max3A_119, %parallel_loop3A_361 : vector<16xi1>, vector<16xi32>
        %parallel_loop3A_364 = arith.subi %max3A_119, %parallel_loop3A_363 : vector<16xi32>
        %parallel_loop3A_365 = arith.constant 1 : i32
        %parallel_loop3A_366 = vector.broadcast %parallel_loop3A_365 : i32 to vector<16xi32>
        %parallel_loop3A_367 = arith.shli %parallel_loop3A_364, %parallel_loop3A_366 : vector<16xi32>
        %parallel_loop3A_368 = arith.constant 2 : i32
        %parallel_loop3A_369 = arith.index_cast %parallel_loop3A_368 : i32 to index
        %parallel_loop3A_370 = arith.index_cast %parallel_loop3A_295 : i32 to index
        %parallel_loop3A_371 = tpu.vector_load %arg8[%parallel_loop3A_369, %parallel_loop3A_370] {strides = array<i32>} : memref<16x2048xi32, #tpu.memory_space<vmem>>, vector<1x16xi32>,
        %parallel_loop3A_372 = vector.shape_cast %parallel_loop3A_371 : vector<1x16xi32> to vector<16xi32>
        %parallel_loop3A_373 = vector.shape_cast %parallel_loop3A_367 : vector<16xi32> to vector<1x16xi32>
        tpu.vector_store %arg8[%parallel_loop3A_369, %parallel_loop3A_370], %parallel_loop3A_373 {strides = array<i32>} : memref<16x2048xi32, #tpu.memory_space<vmem>>, vector<1x16xi32>,
        %parallel_loop3A_374 = arith.xori %broadcast_in_dim3A_174, %parallel_loop3A_298 : vector<16xi32>
        %parallel_loop3A_375 = arith.sitofp %parallel_loop3A_374 : vector<16xi32> to vector<16xf32>
        %parallel_loop3A_376 = tpu.bitcast %parallel_loop3A_375 : vector<16xf32> -> vector<16xi32>
        %parallel_loop3A_377 = arith.constant 23 : i32
        %parallel_loop3A_378 = vector.broadcast %parallel_loop3A_377 : i32 to vector<16xi32>
        %parallel_loop3A_379 = arith.shrsi %parallel_loop3A_376, %parallel_loop3A_378 : vector<16xi32>
        %parallel_loop3A_380 = arith.constant 142 : i32
        %parallel_loop3A_381 = vector.broadcast %parallel_loop3A_380 : i32 to vector<16xi32>
        %parallel_loop3A_382 = arith.subi %parallel_loop3A_381, %parallel_loop3A_379 : vector<16xi32>
        %parallel_loop3A_383 = arith.minsi %parallel_loop3A_382, %broadcast_in_dim3A_177 : vector<16xi32>
        %parallel_loop3A_384 = arith.minsi %parallel_loop3A_383, %parallel_loop3A_304 : vector<16xi32>
        %parallel_loop3A_385 = arith.cmpi eq, %parallel_loop3A_301, %broadcast_in_dim3A_171 : vector<16xi32>
        %parallel_loop3A_386 = arith.select %parallel_loop3A_385, %max3A_119, %parallel_loop3A_384 : vector<16xi1>, vector<16xi32>
        %parallel_loop3A_387 = arith.subi %max3A_119, %parallel_loop3A_386 : vector<16xi32>
        %parallel_loop3A_388 = arith.constant 1 : i32
        %parallel_loop3A_389 = vector.broadcast %parallel_loop3A_388 : i32 to vector<16xi32>
        %parallel_loop3A_390 = arith.shli %parallel_loop3A_387, %parallel_loop3A_389 : vector<16xi32>
        %parallel_loop3A_391 = arith.constant 3 : i32
        %parallel_loop3A_392 = arith.index_cast %parallel_loop3A_391 : i32 to index
        %parallel_loop3A_393 = arith.index_cast %parallel_loop3A_295 : i32 to index
        %parallel_loop3A_394 = tpu.vector_load %arg8[%parallel_loop3A_392, %parallel_loop3A_393] {strides = array<i32>} : memref<16x2048xi32, #tpu.memory_space<vmem>>, vector<1x16xi32>,
        %parallel_loop3A_395 = vector.shape_cast %parallel_loop3A_394 : vector<1x16xi32> to vector<16xi32>
        %parallel_loop3A_396 = vector.shape_cast %parallel_loop3A_390 : vector<16xi32> to vector<1x16xi32>
        tpu.vector_store %arg8[%parallel_loop3A_392, %parallel_loop3A_393], %parallel_loop3A_396 {strides = array<i32>} : memref<16x2048xi32, #tpu.memory_space<vmem>>, vector<1x16xi32>,
        %parallel_loop3A_397 = arith.xori %broadcast_in_dim3A_183, %parallel_loop3A_298 : vector<16xi32>
        %parallel_loop3A_398 = arith.sitofp %parallel_loop3A_397 : vector<16xi32> to vector<16xf32>
        %parallel_loop3A_399 = tpu.bitcast %parallel_loop3A_398 : vector<16xf32> -> vector<16xi32>
        %parallel_loop3A_400 = arith.constant 23 : i32
        %parallel_loop3A_401 = vector.broadcast %parallel_loop3A_400 : i32 to vector<16xi32>
        %parallel_loop3A_402 = arith.shrsi %parallel_loop3A_399, %parallel_loop3A_401 : vector<16xi32>
        %parallel_loop3A_403 = arith.constant 142 : i32
        %parallel_loop3A_404 = vector.broadcast %parallel_loop3A_403 : i32 to vector<16xi32>
        %parallel_loop3A_405 = arith.subi %parallel_loop3A_404, %parallel_loop3A_402 : vector<16xi32>
        %parallel_loop3A_406 = arith.minsi %parallel_loop3A_405, %broadcast_in_dim3A_186 : vector<16xi32>
        %parallel_loop3A_407 = arith.minsi %parallel_loop3A_406, %parallel_loop3A_304 : vector<16xi32>
        %parallel_loop3A_408 = arith.cmpi eq, %parallel_loop3A_301, %broadcast_in_dim3A_180 : vector<16xi32>
        %parallel_loop3A_409 = arith.select %parallel_loop3A_408, %max3A_119, %parallel_loop3A_407 : vector<16xi1>, vector<16xi32>
        %parallel_loop3A_410 = arith.subi %max3A_119, %parallel_loop3A_409 : vector<16xi32>
        %parallel_loop3A_411 = arith.constant 1 : i32
        %parallel_loop3A_412 = vector.broadcast %parallel_loop3A_411 : i32 to vector<16xi32>
        %parallel_loop3A_413 = arith.shli %parallel_loop3A_410, %parallel_loop3A_412 : vector<16xi32>
        %parallel_loop3A_414 = arith.constant 4 : i32
        %parallel_loop3A_415 = arith.index_cast %parallel_loop3A_414 : i32 to index
        %parallel_loop3A_416 = arith.index_cast %parallel_loop3A_295 : i32 to index
        %parallel_loop3A_417 = tpu.vector_load %arg8[%parallel_loop3A_415, %parallel_loop3A_416] {strides = array<i32>} : memref<16x2048xi32, #tpu.memory_space<vmem>>, vector<1x16xi32>,
        %parallel_loop3A_418 = vector.shape_cast %parallel_loop3A_417 : vector<1x16xi32> to vector<16xi32>
        %parallel_loop3A_419 = vector.shape_cast %parallel_loop3A_413 : vector<16xi32> to vector<1x16xi32>
        tpu.vector_store %arg8[%parallel_loop3A_415, %parallel_loop3A_416], %parallel_loop3A_419 {strides = array<i32>} : memref<16x2048xi32, #tpu.memory_space<vmem>>, vector<1x16xi32>,
        %parallel_loop3A_420 = arith.xori %broadcast_in_dim3A_192, %parallel_loop3A_298 : vector<16xi32>
        %parallel_loop3A_421 = arith.sitofp %parallel_loop3A_420 : vector<16xi32> to vector<16xf32>
        %parallel_loop3A_422 = tpu.bitcast %parallel_loop3A_421 : vector<16xf32> -> vector<16xi32>
        %parallel_loop3A_423 = arith.constant 23 : i32
        %parallel_loop3A_424 = vector.broadcast %parallel_loop3A_423 : i32 to vector<16xi32>
        %parallel_loop3A_425 = arith.shrsi %parallel_loop3A_422, %parallel_loop3A_424 : vector<16xi32>
        %parallel_loop3A_426 = arith.constant 142 : i32
        %parallel_loop3A_427 = vector.broadcast %parallel_loop3A_426 : i32 to vector<16xi32>
        %parallel_loop3A_428 = arith.subi %parallel_loop3A_427, %parallel_loop3A_425 : vector<16xi32>
        %parallel_loop3A_429 = arith.minsi %parallel_loop3A_428, %broadcast_in_dim3A_195 : vector<16xi32>
        %parallel_loop3A_430 = arith.minsi %parallel_loop3A_429, %parallel_loop3A_304 : vector<16xi32>
        %parallel_loop3A_431 = arith.cmpi eq, %parallel_loop3A_301, %broadcast_in_dim3A_189 : vector<16xi32>
        %parallel_loop3A_432 = arith.select %parallel_loop3A_431, %max3A_119, %parallel_loop3A_430 : vector<16xi1>, vector<16xi32>
        %parallel_loop3A_433 = arith.subi %max3A_119, %parallel_loop3A_432 : vector<16xi32>
        %parallel_loop3A_434 = arith.constant 1 : i32
        %parallel_loop3A_435 = vector.broadcast %parallel_loop3A_434 : i32 to vector<16xi32>
        %parallel_loop3A_436 = arith.shli %parallel_loop3A_433, %parallel_loop3A_435 : vector<16xi32>
        %parallel_loop3A_437 = arith.constant 5 : i32
        %parallel_loop3A_438 = arith.index_cast %parallel_loop3A_437 : i32 to index
        %parallel_loop3A_439 = arith.index_cast %parallel_loop3A_295 : i32 to index
        %parallel_loop3A_440 = tpu.vector_load %arg8[%parallel_loop3A_438, %parallel_loop3A_439] {strides = array<i32>} : memref<16x2048xi32, #tpu.memory_space<vmem>>, vector<1x16xi32>,
        %parallel_loop3A_441 = vector.shape_cast %parallel_loop3A_440 : vector<1x16xi32> to vector<16xi32>
        %parallel_loop3A_442 = vector.shape_cast %parallel_loop3A_436 : vector<16xi32> to vector<1x16xi32>
        tpu.vector_store %arg8[%parallel_loop3A_438, %parallel_loop3A_439], %parallel_loop3A_442 {strides = array<i32>} : memref<16x2048xi32, #tpu.memory_space<vmem>>, vector<1x16xi32>,
        %parallel_loop3A_443 = arith.xori %broadcast_in_dim3A_201, %parallel_loop3A_298 : vector<16xi32>
        %parallel_loop3A_444 = arith.sitofp %parallel_loop3A_443 : vector<16xi32> to vector<16xf32>
        %parallel_loop3A_445 = tpu.bitcast %parallel_loop3A_444 : vector<16xf32> -> vector<16xi32>
        %parallel_loop3A_446 = arith.constant 23 : i32
        %parallel_loop3A_447 = vector.broadcast %parallel_loop3A_446 : i32 to vector<16xi32>
        %parallel_loop3A_448 = arith.shrsi %parallel_loop3A_445, %parallel_loop3A_447 : vector<16xi32>
        %parallel_loop3A_449 = arith.constant 142 : i32
        %parallel_loop3A_450 = vector.broadcast %parallel_loop3A_449 : i32 to vector<16xi32>
        %parallel_loop3A_451 = arith.subi %parallel_loop3A_450, %parallel_loop3A_448 : vector<16xi32>
        %parallel_loop3A_452 = arith.minsi %parallel_loop3A_451, %broadcast_in_dim3A_204 : vector<16xi32>
        %parallel_loop3A_453 = arith.minsi %parallel_loop3A_452, %parallel_loop3A_304 : vector<16xi32>
        %parallel_loop3A_454 = arith.cmpi eq, %parallel_loop3A_301, %broadcast_in_dim3A_198 : vector<16xi32>
        %parallel_loop3A_455 = arith.select %parallel_loop3A_454, %max3A_119, %parallel_loop3A_453 : vector<16xi1>, vector<16xi32>
        %parallel_loop3A_456 = arith.subi %max3A_119, %parallel_loop3A_455 : vector<16xi32>
        %parallel_loop3A_457 = arith.constant 1 : i32
        %parallel_loop3A_458 = vector.broadcast %parallel_loop3A_457 : i32 to vector<16xi32>
        %parallel_loop3A_459 = arith.shli %parallel_loop3A_456, %parallel_loop3A_458 : vector<16xi32>
        %parallel_loop3A_460 = arith.constant 6 : i32
        %parallel_loop3A_461 = arith.index_cast %parallel_loop3A_460 : i32 to index
        %parallel_loop3A_462 = arith.index_cast %parallel_loop3A_295 : i32 to index
        %parallel_loop3A_463 = tpu.vector_load %arg8[%parallel_loop3A_461, %parallel_loop3A_462] {strides = array<i32>} : memref<16x2048xi32, #tpu.memory_space<vmem>>, vector<1x16xi32>,
        %parallel_loop3A_464 = vector.shape_cast %parallel_loop3A_463 : vector<1x16xi32> to vector<16xi32>
        %parallel_loop3A_465 = vector.shape_cast %parallel_loop3A_459 : vector<16xi32> to vector<1x16xi32>
        tpu.vector_store %arg8[%parallel_loop3A_461, %parallel_loop3A_462], %parallel_loop3A_465 {strides = array<i32>} : memref<16x2048xi32, #tpu.memory_space<vmem>>, vector<1x16xi32>,
        %parallel_loop3A_466 = arith.xori %broadcast_in_dim3A_210, %parallel_loop3A_298 : vector<16xi32>
        %parallel_loop3A_467 = arith.sitofp %parallel_loop3A_466 : vector<16xi32> to vector<16xf32>
        %parallel_loop3A_468 = tpu.bitcast %parallel_loop3A_467 : vector<16xf32> -> vector<16xi32>
        %parallel_loop3A_469 = arith.constant 23 : i32
        %parallel_loop3A_470 = vector.broadcast %parallel_loop3A_469 : i32 to vector<16xi32>
        %parallel_loop3A_471 = arith.shrsi %parallel_loop3A_468, %parallel_loop3A_470 : vector<16xi32>
        %parallel_loop3A_472 = arith.constant 142 : i32
        %parallel_loop3A_473 = vector.broadcast %parallel_loop3A_472 : i32 to vector<16xi32>
        %parallel_loop3A_474 = arith.subi %parallel_loop3A_473, %parallel_loop3A_471 : vector<16xi32>
        %parallel_loop3A_475 = arith.minsi %parallel_loop3A_474, %broadcast_in_dim3A_213 : vector<16xi32>
        %parallel_loop3A_476 = arith.minsi %parallel_loop3A_475, %parallel_loop3A_304 : vector<16xi32>
        %parallel_loop3A_477 = arith.cmpi eq, %parallel_loop3A_301, %broadcast_in_dim3A_207 : vector<16xi32>
        %parallel_loop3A_478 = arith.select %parallel_loop3A_477, %max3A_119, %parallel_loop3A_476 : vector<16xi1>, vector<16xi32>
        %parallel_loop3A_479 = arith.subi %max3A_119, %parallel_loop3A_478 : vector<16xi32>
        %parallel_loop3A_480 = arith.constant 1 : i32
        %parallel_loop3A_481 = vector.broadcast %parallel_loop3A_480 : i32 to vector<16xi32>
        %parallel_loop3A_482 = arith.shli %parallel_loop3A_479, %parallel_loop3A_481 : vector<16xi32>
        %parallel_loop3A_483 = arith.constant 7 : i32
        %parallel_loop3A_484 = arith.index_cast %parallel_loop3A_483 : i32 to index
        %parallel_loop3A_485 = arith.index_cast %parallel_loop3A_295 : i32 to index
        %parallel_loop3A_486 = tpu.vector_load %arg8[%parallel_loop3A_484, %parallel_loop3A_485] {strides = array<i32>} : memref<16x2048xi32, #tpu.memory_space<vmem>>, vector<1x16xi32>,
        %parallel_loop3A_487 = vector.shape_cast %parallel_loop3A_486 : vector<1x16xi32> to vector<16xi32>
        %parallel_loop3A_488 = vector.shape_cast %parallel_loop3A_482 : vector<16xi32> to vector<1x16xi32>
        tpu.vector_store %arg8[%parallel_loop3A_484, %parallel_loop3A_485], %parallel_loop3A_488 {strides = array<i32>} : memref<16x2048xi32, #tpu.memory_space<vmem>>, vector<1x16xi32>,
      } {sc.loop_unroll_factor = 2 : i64, sc.parallel_access}
      %slice3A_217 = vector.extract_strided_slice %get3A_137 {offsets = [8], sizes = [1], strides = [1]} : vector<16xi32> to vector<1xi32>
      %squeeze3A_218 = vector.extract %slice3A_217[0] : i32 from vector<1xi32>
      %broadcast_in_dim3A_219 = vector.broadcast %squeeze3A_218 : i32 to vector<16xi32>
      %slice3A_220 = vector.extract_strided_slice %get3A_140 {offsets = [8], sizes = [1], strides = [1]} : vector<16xi32> to vector<1xi32>
      %squeeze3A_221 = vector.extract %slice3A_220[0] : i32 from vector<1xi32>
      %broadcast_in_dim3A_222 = vector.broadcast %squeeze3A_221 : i32 to vector<16xi32>
      %slice3A_223 = vector.extract_strided_slice %get3A_143 {offsets = [8], sizes = [1], strides = [1]} : vector<16xi32> to vector<1xi32>
      %squeeze3A_224 = vector.extract %slice3A_223[0] : i32 from vector<1xi32>
      %broadcast_in_dim3A_225 = vector.broadcast %squeeze3A_224 : i32 to vector<16xi32>
      %slice3A_226 = vector.extract_strided_slice %get3A_137 {offsets = [9], sizes = [1], strides = [1]} : vector<16xi32> to vector<1xi32>
      %squeeze3A_227 = vector.extract %slice3A_226[0] : i32 from vector<1xi32>
      %broadcast_in_dim3A_228 = vector.broadcast %squeeze3A_227 : i32 to vector<16xi32>
      %slice3A_229 = vector.extract_strided_slice %get3A_140 {offsets = [9], sizes = [1], strides = [1]} : vector<16xi32> to vector<1xi32>
      %squeeze3A_230 = vector.extract %slice3A_229[0] : i32 from vector<1xi32>
      %broadcast_in_dim3A_231 = vector.broadcast %squeeze3A_230 : i32 to vector<16xi32>
      %slice3A_232 = vector.extract_strided_slice %get3A_143 {offsets = [9], sizes = [1], strides = [1]} : vector<16xi32> to vector<1xi32>
      %squeeze3A_233 = vector.extract %slice3A_232[0] : i32 from vector<1xi32>
      %broadcast_in_dim3A_234 = vector.broadcast %squeeze3A_233 : i32 to vector<16xi32>
      %slice3A_235 = vector.extract_strided_slice %get3A_137 {offsets = [10], sizes = [1], strides = [1]} : vector<16xi32> to vector<1xi32>
      %squeeze3A_236 = vector.extract %slice3A_235[0] : i32 from vector<1xi32>
      %broadcast_in_dim3A_237 = vector.broadcast %squeeze3A_236 : i32 to vector<16xi32>
      %slice3A_238 = vector.extract_strided_slice %get3A_140 {offsets = [10], sizes = [1], strides = [1]} : vector<16xi32> to vector<1xi32>
      %squeeze3A_239 = vector.extract %slice3A_238[0] : i32 from vector<1xi32>
      %broadcast_in_dim3A_240 = vector.broadcast %squeeze3A_239 : i32 to vector<16xi32>
      %slice3A_241 = vector.extract_strided_slice %get3A_143 {offsets = [10], sizes = [1], strides = [1]} : vector<16xi32> to vector<1xi32>
      %squeeze3A_242 = vector.extract %slice3A_241[0] : i32 from vector<1xi32>
      %broadcast_in_dim3A_243 = vector.broadcast %squeeze3A_242 : i32 to vector<16xi32>
      %slice3A_244 = vector.extract_strided_slice %get3A_137 {offsets = [11], sizes = [1], strides = [1]} : vector<16xi32> to vector<1xi32>
      %squeeze3A_245 = vector.extract %slice3A_244[0] : i32 from vector<1xi32>
      %broadcast_in_dim3A_246 = vector.broadcast %squeeze3A_245 : i32 to vector<16xi32>
      %slice3A_247 = vector.extract_strided_slice %get3A_140 {offsets = [11], sizes = [1], strides = [1]} : vector<16xi32> to vector<1xi32>
      %squeeze3A_248 = vector.extract %slice3A_247[0] : i32 from vector<1xi32>
      %broadcast_in_dim3A_249 = vector.broadcast %squeeze3A_248 : i32 to vector<16xi32>
      %slice3A_250 = vector.extract_strided_slice %get3A_143 {offsets = [11], sizes = [1], strides = [1]} : vector<16xi32> to vector<1xi32>
      %squeeze3A_251 = vector.extract %slice3A_250[0] : i32 from vector<1xi32>
      %broadcast_in_dim3A_252 = vector.broadcast %squeeze3A_251 : i32 to vector<16xi32>
      %slice3A_253 = vector.extract_strided_slice %get3A_137 {offsets = [12], sizes = [1], strides = [1]} : vector<16xi32> to vector<1xi32>
      %squeeze3A_254 = vector.extract %slice3A_253[0] : i32 from vector<1xi32>
      %broadcast_in_dim3A_255 = vector.broadcast %squeeze3A_254 : i32 to vector<16xi32>
      %slice3A_256 = vector.extract_strided_slice %get3A_140 {offsets = [12], sizes = [1], strides = [1]} : vector<16xi32> to vector<1xi32>
      %squeeze3A_257 = vector.extract %slice3A_256[0] : i32 from vector<1xi32>
      %broadcast_in_dim3A_258 = vector.broadcast %squeeze3A_257 : i32 to vector<16xi32>
      %slice3A_259 = vector.extract_strided_slice %get3A_143 {offsets = [12], sizes = [1], strides = [1]} : vector<16xi32> to vector<1xi32>
      %squeeze3A_260 = vector.extract %slice3A_259[0] : i32 from vector<1xi32>
      %broadcast_in_dim3A_261 = vector.broadcast %squeeze3A_260 : i32 to vector<16xi32>
      %slice3A_262 = vector.extract_strided_slice %get3A_137 {offsets = [13], sizes = [1], strides = [1]} : vector<16xi32> to vector<1xi32>
      %squeeze3A_263 = vector.extract %slice3A_262[0] : i32 from vector<1xi32>
      %broadcast_in_dim3A_264 = vector.broadcast %squeeze3A_263 : i32 to vector<16xi32>
      %slice3A_265 = vector.extract_strided_slice %get3A_140 {offsets = [13], sizes = [1], strides = [1]} : vector<16xi32> to vector<1xi32>
      %squeeze3A_266 = vector.extract %slice3A_265[0] : i32 from vector<1xi32>
      %broadcast_in_dim3A_267 = vector.broadcast %squeeze3A_266 : i32 to vector<16xi32>
      %slice3A_268 = vector.extract_strided_slice %get3A_143 {offsets = [13], sizes = [1], strides = [1]} : vector<16xi32> to vector<1xi32>
      %squeeze3A_269 = vector.extract %slice3A_268[0] : i32 from vector<1xi32>
      %broadcast_in_dim3A_270 = vector.broadcast %squeeze3A_269 : i32 to vector<16xi32>
      %slice3A_271 = vector.extract_strided_slice %get3A_137 {offsets = [14], sizes = [1], strides = [1]} : vector<16xi32> to vector<1xi32>
      %squeeze3A_272 = vector.extract %slice3A_271[0] : i32 from vector<1xi32>
      %broadcast_in_dim3A_273 = vector.broadcast %squeeze3A_272 : i32 to vector<16xi32>
      %slice3A_274 = vector.extract_strided_slice %get3A_140 {offsets = [14], sizes = [1], strides = [1]} : vector<16xi32> to vector<1xi32>
      %squeeze3A_275 = vector.extract %slice3A_274[0] : i32 from vector<1xi32>
      %broadcast_in_dim3A_276 = vector.broadcast %squeeze3A_275 : i32 to vector<16xi32>
      %slice3A_277 = vector.extract_strided_slice %get3A_143 {offsets = [14], sizes = [1], strides = [1]} : vector<16xi32> to vector<1xi32>
      %squeeze3A_278 = vector.extract %slice3A_277[0] : i32 from vector<1xi32>
      %broadcast_in_dim3A_279 = vector.broadcast %squeeze3A_278 : i32 to vector<16xi32>
      %slice3A_280 = vector.extract_strided_slice %get3A_137 {offsets = [15], sizes = [1], strides = [1]} : vector<16xi32> to vector<1xi32>
      %squeeze3A_281 = vector.extract %slice3A_280[0] : i32 from vector<1xi32>
      %broadcast_in_dim3A_282 = vector.broadcast %squeeze3A_281 : i32 to vector<16xi32>
      %slice3A_283 = vector.extract_strided_slice %get3A_140 {offsets = [15], sizes = [1], strides = [1]} : vector<16xi32> to vector<1xi32>
      %squeeze3A_284 = vector.extract %slice3A_283[0] : i32 from vector<1xi32>
      %broadcast_in_dim3A_285 = vector.broadcast %squeeze3A_284 : i32 to vector<16xi32>
      %slice3A_286 = vector.extract_strided_slice %get3A_143 {offsets = [15], sizes = [1], strides = [1]} : vector<16xi32> to vector<1xi32>
      %squeeze3A_287 = vector.extract %slice3A_286[0] : i32 from vector<1xi32>
      %broadcast_in_dim3A_288 = vector.broadcast %squeeze3A_287 : i32 to vector<16xi32>
      %parallel_loop3A_289 = arith.constant 0 : i32
      %parallel_loop3A_290 = arith.constant 128 : i32
      %parallel_loop3A_291 = arith.constant 1 : i32
      scf.for %parallel_loop3A_293 = %parallel_loop3A_289 to %parallel_loop3A_290 step %parallel_loop3A_291  : i32 {
        %parallel_loop3A_294 = arith.constant 16 : i32
        %parallel_loop3A_295 = arith.muli %parallel_loop3A_293, %parallel_loop3A_294 : i32
        %parallel_loop3A_296 = arith.index_cast %parallel_loop3A_295 : i32 to index
        %parallel_loop3A_297 = tpu.vector_load %arg5[%parallel_loop3A_296] {strides = array<i32>} : memref<2048xi32, #tpu.memory_space<vmem>>, vector<16xi32>,
        %parallel_loop3A_298 = vector.shape_cast %parallel_loop3A_297 : vector<16xi32> to vector<16xi32>
        %parallel_loop3A_299 = arith.index_cast %parallel_loop3A_295 : i32 to index
        %parallel_loop3A_300 = tpu.vector_load %arg4[%parallel_loop3A_299] {strides = array<i32>} : memref<2048xi32, #tpu.memory_space<vmem>>, vector<16xi32>,
        %parallel_loop3A_301 = vector.shape_cast %parallel_loop3A_300 : vector<16xi32> to vector<16xi32>
        %parallel_loop3A_302 = arith.index_cast %parallel_loop3A_295 : i32 to index
        %parallel_loop3A_303 = tpu.vector_load %arg7[%parallel_loop3A_302] {strides = array<i32>} : memref<2048xi32, #tpu.memory_space<vmem>>, vector<16xi32>,
        %parallel_loop3A_304 = vector.shape_cast %parallel_loop3A_303 : vector<16xi32> to vector<16xi32>
        %parallel_loop3A_305 = arith.xori %broadcast_in_dim3A_222, %parallel_loop3A_298 : vector<16xi32>
        %parallel_loop3A_306 = arith.sitofp %parallel_loop3A_305 : vector<16xi32> to vector<16xf32>
        %parallel_loop3A_307 = tpu.bitcast %parallel_loop3A_306 : vector<16xf32> -> vector<16xi32>
        %parallel_loop3A_308 = arith.constant 23 : i32
        %parallel_loop3A_309 = vector.broadcast %parallel_loop3A_308 : i32 to vector<16xi32>
        %parallel_loop3A_310 = arith.shrsi %parallel_loop3A_307, %parallel_loop3A_309 : vector<16xi32>
        %parallel_loop3A_311 = arith.constant 142 : i32
        %parallel_loop3A_312 = vector.broadcast %parallel_loop3A_311 : i32 to vector<16xi32>
        %parallel_loop3A_313 = arith.subi %parallel_loop3A_312, %parallel_loop3A_310 : vector<16xi32>
        %parallel_loop3A_314 = arith.minsi %parallel_loop3A_313, %broadcast_in_dim3A_225 : vector<16xi32>
        %parallel_loop3A_315 = arith.minsi %parallel_loop3A_314, %parallel_loop3A_304 : vector<16xi32>
        %parallel_loop3A_316 = arith.cmpi eq, %parallel_loop3A_301, %broadcast_in_dim3A_219 : vector<16xi32>
        %parallel_loop3A_317 = arith.select %parallel_loop3A_316, %max3A_119, %parallel_loop3A_315 : vector<16xi1>, vector<16xi32>
        %parallel_loop3A_318 = arith.subi %max3A_119, %parallel_loop3A_317 : vector<16xi32>
        %parallel_loop3A_319 = arith.constant 1 : i32
        %parallel_loop3A_320 = vector.broadcast %parallel_loop3A_319 : i32 to vector<16xi32>
        %parallel_loop3A_321 = arith.shli %parallel_loop3A_318, %parallel_loop3A_320 : vector<16xi32>
        %parallel_loop3A_322 = arith.constant 8 : i32
        %parallel_loop3A_323 = arith.index_cast %parallel_loop3A_322 : i32 to index
        %parallel_loop3A_324 = arith.index_cast %parallel_loop3A_295 : i32 to index
        %parallel_loop3A_325 = tpu.vector_load %arg8[%parallel_loop3A_323, %parallel_loop3A_324] {strides = array<i32>} : memref<16x2048xi32, #tpu.memory_space<vmem>>, vector<1x16xi32>,
        %parallel_loop3A_326 = vector.shape_cast %parallel_loop3A_325 : vector<1x16xi32> to vector<16xi32>
        %parallel_loop3A_327 = vector.shape_cast %parallel_loop3A_321 : vector<16xi32> to vector<1x16xi32>
        tpu.vector_store %arg8[%parallel_loop3A_323, %parallel_loop3A_324], %parallel_loop3A_327 {strides = array<i32>} : memref<16x2048xi32, #tpu.memory_space<vmem>>, vector<1x16xi32>,
        %parallel_loop3A_328 = arith.xori %broadcast_in_dim3A_231, %parallel_loop3A_298 : vector<16xi32>
        %parallel_loop3A_329 = arith.sitofp %parallel_loop3A_328 : vector<16xi32> to vector<16xf32>
        %parallel_loop3A_330 = tpu.bitcast %parallel_loop3A_329 : vector<16xf32> -> vector<16xi32>
        %parallel_loop3A_331 = arith.constant 23 : i32
        %parallel_loop3A_332 = vector.broadcast %parallel_loop3A_331 : i32 to vector<16xi32>
        %parallel_loop3A_333 = arith.shrsi %parallel_loop3A_330, %parallel_loop3A_332 : vector<16xi32>
        %parallel_loop3A_334 = arith.constant 142 : i32
        %parallel_loop3A_335 = vector.broadcast %parallel_loop3A_334 : i32 to vector<16xi32>
        %parallel_loop3A_336 = arith.subi %parallel_loop3A_335, %parallel_loop3A_333 : vector<16xi32>
        %parallel_loop3A_337 = arith.minsi %parallel_loop3A_336, %broadcast_in_dim3A_234 : vector<16xi32>
        %parallel_loop3A_338 = arith.minsi %parallel_loop3A_337, %parallel_loop3A_304 : vector<16xi32>
        %parallel_loop3A_339 = arith.cmpi eq, %parallel_loop3A_301, %broadcast_in_dim3A_228 : vector<16xi32>
        %parallel_loop3A_340 = arith.select %parallel_loop3A_339, %max3A_119, %parallel_loop3A_338 : vector<16xi1>, vector<16xi32>
        %parallel_loop3A_341 = arith.subi %max3A_119, %parallel_loop3A_340 : vector<16xi32>
        %parallel_loop3A_342 = arith.constant 1 : i32
        %parallel_loop3A_343 = vector.broadcast %parallel_loop3A_342 : i32 to vector<16xi32>
        %parallel_loop3A_344 = arith.shli %parallel_loop3A_341, %parallel_loop3A_343 : vector<16xi32>
        %parallel_loop3A_345 = arith.constant 9 : i32
        %parallel_loop3A_346 = arith.index_cast %parallel_loop3A_345 : i32 to index
        %parallel_loop3A_347 = arith.index_cast %parallel_loop3A_295 : i32 to index
        %parallel_loop3A_348 = tpu.vector_load %arg8[%parallel_loop3A_346, %parallel_loop3A_347] {strides = array<i32>} : memref<16x2048xi32, #tpu.memory_space<vmem>>, vector<1x16xi32>,
        %parallel_loop3A_349 = vector.shape_cast %parallel_loop3A_348 : vector<1x16xi32> to vector<16xi32>
        %parallel_loop3A_350 = vector.shape_cast %parallel_loop3A_344 : vector<16xi32> to vector<1x16xi32>
        tpu.vector_store %arg8[%parallel_loop3A_346, %parallel_loop3A_347], %parallel_loop3A_350 {strides = array<i32>} : memref<16x2048xi32, #tpu.memory_space<vmem>>, vector<1x16xi32>,
        %parallel_loop3A_351 = arith.xori %broadcast_in_dim3A_240, %parallel_loop3A_298 : vector<16xi32>
        %parallel_loop3A_352 = arith.sitofp %parallel_loop3A_351 : vector<16xi32> to vector<16xf32>
        %parallel_loop3A_353 = tpu.bitcast %parallel_loop3A_352 : vector<16xf32> -> vector<16xi32>
        %parallel_loop3A_354 = arith.constant 23 : i32
        %parallel_loop3A_355 = vector.broadcast %parallel_loop3A_354 : i32 to vector<16xi32>
        %parallel_loop3A_356 = arith.shrsi %parallel_loop3A_353, %parallel_loop3A_355 : vector<16xi32>
        %parallel_loop3A_357 = arith.constant 142 : i32
        %parallel_loop3A_358 = vector.broadcast %parallel_loop3A_357 : i32 to vector<16xi32>
        %parallel_loop3A_359 = arith.subi %parallel_loop3A_358, %parallel_loop3A_356 : vector<16xi32>
        %parallel_loop3A_360 = arith.minsi %parallel_loop3A_359, %broadcast_in_dim3A_243 : vector<16xi32>
        %parallel_loop3A_361 = arith.minsi %parallel_loop3A_360, %parallel_loop3A_304 : vector<16xi32>
        %parallel_loop3A_362 = arith.cmpi eq, %parallel_loop3A_301, %broadcast_in_dim3A_237 : vector<16xi32>
        %parallel_loop3A_363 = arith.select %parallel_loop3A_362, %max3A_119, %parallel_loop3A_361 : vector<16xi1>, vector<16xi32>
        %parallel_loop3A_364 = arith.subi %max3A_119, %parallel_loop3A_363 : vector<16xi32>
        %parallel_loop3A_365 = arith.constant 1 : i32
        %parallel_loop3A_366 = vector.broadcast %parallel_loop3A_365 : i32 to vector<16xi32>
        %parallel_loop3A_367 = arith.shli %parallel_loop3A_364, %parallel_loop3A_366 : vector<16xi32>
        %parallel_loop3A_368 = arith.constant 10 : i32
        %parallel_loop3A_369 = arith.index_cast %parallel_loop3A_368 : i32 to index
        %parallel_loop3A_370 = arith.index_cast %parallel_loop3A_295 : i32 to index
        %parallel_loop3A_371 = tpu.vector_load %arg8[%parallel_loop3A_369, %parallel_loop3A_370] {strides = array<i32>} : memref<16x2048xi32, #tpu.memory_space<vmem>>, vector<1x16xi32>,
        %parallel_loop3A_372 = vector.shape_cast %parallel_loop3A_371 : vector<1x16xi32> to vector<16xi32>
        %parallel_loop3A_373 = vector.shape_cast %parallel_loop3A_367 : vector<16xi32> to vector<1x16xi32>
        tpu.vector_store %arg8[%parallel_loop3A_369, %parallel_loop3A_370], %parallel_loop3A_373 {strides = array<i32>} : memref<16x2048xi32, #tpu.memory_space<vmem>>, vector<1x16xi32>,
        %parallel_loop3A_374 = arith.xori %broadcast_in_dim3A_249, %parallel_loop3A_298 : vector<16xi32>
        %parallel_loop3A_375 = arith.sitofp %parallel_loop3A_374 : vector<16xi32> to vector<16xf32>
        %parallel_loop3A_376 = tpu.bitcast %parallel_loop3A_375 : vector<16xf32> -> vector<16xi32>
        %parallel_loop3A_377 = arith.constant 23 : i32
        %parallel_loop3A_378 = vector.broadcast %parallel_loop3A_377 : i32 to vector<16xi32>
        %parallel_loop3A_379 = arith.shrsi %parallel_loop3A_376, %parallel_loop3A_378 : vector<16xi32>
        %parallel_loop3A_380 = arith.constant 142 : i32
        %parallel_loop3A_381 = vector.broadcast %parallel_loop3A_380 : i32 to vector<16xi32>
        %parallel_loop3A_382 = arith.subi %parallel_loop3A_381, %parallel_loop3A_379 : vector<16xi32>
        %parallel_loop3A_383 = arith.minsi %parallel_loop3A_382, %broadcast_in_dim3A_252 : vector<16xi32>
        %parallel_loop3A_384 = arith.minsi %parallel_loop3A_383, %parallel_loop3A_304 : vector<16xi32>
        %parallel_loop3A_385 = arith.cmpi eq, %parallel_loop3A_301, %broadcast_in_dim3A_246 : vector<16xi32>
        %parallel_loop3A_386 = arith.select %parallel_loop3A_385, %max3A_119, %parallel_loop3A_384 : vector<16xi1>, vector<16xi32>
        %parallel_loop3A_387 = arith.subi %max3A_119, %parallel_loop3A_386 : vector<16xi32>
        %parallel_loop3A_388 = arith.constant 1 : i32
        %parallel_loop3A_389 = vector.broadcast %parallel_loop3A_388 : i32 to vector<16xi32>
        %parallel_loop3A_390 = arith.shli %parallel_loop3A_387, %parallel_loop3A_389 : vector<16xi32>
        %parallel_loop3A_391 = arith.constant 11 : i32
        %parallel_loop3A_392 = arith.index_cast %parallel_loop3A_391 : i32 to index
        %parallel_loop3A_393 = arith.index_cast %parallel_loop3A_295 : i32 to index
        %parallel_loop3A_394 = tpu.vector_load %arg8[%parallel_loop3A_392, %parallel_loop3A_393] {strides = array<i32>} : memref<16x2048xi32, #tpu.memory_space<vmem>>, vector<1x16xi32>,
        %parallel_loop3A_395 = vector.shape_cast %parallel_loop3A_394 : vector<1x16xi32> to vector<16xi32>
        %parallel_loop3A_396 = vector.shape_cast %parallel_loop3A_390 : vector<16xi32> to vector<1x16xi32>
        tpu.vector_store %arg8[%parallel_loop3A_392, %parallel_loop3A_393], %parallel_loop3A_396 {strides = array<i32>} : memref<16x2048xi32, #tpu.memory_space<vmem>>, vector<1x16xi32>,
        %parallel_loop3A_397 = arith.xori %broadcast_in_dim3A_258, %parallel_loop3A_298 : vector<16xi32>
        %parallel_loop3A_398 = arith.sitofp %parallel_loop3A_397 : vector<16xi32> to vector<16xf32>
        %parallel_loop3A_399 = tpu.bitcast %parallel_loop3A_398 : vector<16xf32> -> vector<16xi32>
        %parallel_loop3A_400 = arith.constant 23 : i32
        %parallel_loop3A_401 = vector.broadcast %parallel_loop3A_400 : i32 to vector<16xi32>
        %parallel_loop3A_402 = arith.shrsi %parallel_loop3A_399, %parallel_loop3A_401 : vector<16xi32>
        %parallel_loop3A_403 = arith.constant 142 : i32
        %parallel_loop3A_404 = vector.broadcast %parallel_loop3A_403 : i32 to vector<16xi32>
        %parallel_loop3A_405 = arith.subi %parallel_loop3A_404, %parallel_loop3A_402 : vector<16xi32>
        %parallel_loop3A_406 = arith.minsi %parallel_loop3A_405, %broadcast_in_dim3A_261 : vector<16xi32>
        %parallel_loop3A_407 = arith.minsi %parallel_loop3A_406, %parallel_loop3A_304 : vector<16xi32>
        %parallel_loop3A_408 = arith.cmpi eq, %parallel_loop3A_301, %broadcast_in_dim3A_255 : vector<16xi32>
        %parallel_loop3A_409 = arith.select %parallel_loop3A_408, %max3A_119, %parallel_loop3A_407 : vector<16xi1>, vector<16xi32>
        %parallel_loop3A_410 = arith.subi %max3A_119, %parallel_loop3A_409 : vector<16xi32>
        %parallel_loop3A_411 = arith.constant 1 : i32
        %parallel_loop3A_412 = vector.broadcast %parallel_loop3A_411 : i32 to vector<16xi32>
        %parallel_loop3A_413 = arith.shli %parallel_loop3A_410, %parallel_loop3A_412 : vector<16xi32>
        %parallel_loop3A_414 = arith.constant 12 : i32
        %parallel_loop3A_415 = arith.index_cast %parallel_loop3A_414 : i32 to index
        %parallel_loop3A_416 = arith.index_cast %parallel_loop3A_295 : i32 to index
        %parallel_loop3A_417 = tpu.vector_load %arg8[%parallel_loop3A_415, %parallel_loop3A_416] {strides = array<i32>} : memref<16x2048xi32, #tpu.memory_space<vmem>>, vector<1x16xi32>,
        %parallel_loop3A_418 = vector.shape_cast %parallel_loop3A_417 : vector<1x16xi32> to vector<16xi32>
        %parallel_loop3A_419 = vector.shape_cast %parallel_loop3A_413 : vector<16xi32> to vector<1x16xi32>
        tpu.vector_store %arg8[%parallel_loop3A_415, %parallel_loop3A_416], %parallel_loop3A_419 {strides = array<i32>} : memref<16x2048xi32, #tpu.memory_space<vmem>>, vector<1x16xi32>,
        %parallel_loop3A_420 = arith.xori %broadcast_in_dim3A_267, %parallel_loop3A_298 : vector<16xi32>
        %parallel_loop3A_421 = arith.sitofp %parallel_loop3A_420 : vector<16xi32> to vector<16xf32>
        %parallel_loop3A_422 = tpu.bitcast %parallel_loop3A_421 : vector<16xf32> -> vector<16xi32>
        %parallel_loop3A_423 = arith.constant 23 : i32
        %parallel_loop3A_424 = vector.broadcast %parallel_loop3A_423 : i32 to vector<16xi32>
        %parallel_loop3A_425 = arith.shrsi %parallel_loop3A_422, %parallel_loop3A_424 : vector<16xi32>
        %parallel_loop3A_426 = arith.constant 142 : i32
        %parallel_loop3A_427 = vector.broadcast %parallel_loop3A_426 : i32 to vector<16xi32>
        %parallel_loop3A_428 = arith.subi %parallel_loop3A_427, %parallel_loop3A_425 : vector<16xi32>
        %parallel_loop3A_429 = arith.minsi %parallel_loop3A_428, %broadcast_in_dim3A_270 : vector<16xi32>
        %parallel_loop3A_430 = arith.minsi %parallel_loop3A_429, %parallel_loop3A_304 : vector<16xi32>
        %parallel_loop3A_431 = arith.cmpi eq, %parallel_loop3A_301, %broadcast_in_dim3A_264 : vector<16xi32>
        %parallel_loop3A_432 = arith.select %parallel_loop3A_431, %max3A_119, %parallel_loop3A_430 : vector<16xi1>, vector<16xi32>
        %parallel_loop3A_433 = arith.subi %max3A_119, %parallel_loop3A_432 : vector<16xi32>
        %parallel_loop3A_434 = arith.constant 1 : i32
        %parallel_loop3A_435 = vector.broadcast %parallel_loop3A_434 : i32 to vector<16xi32>
        %parallel_loop3A_436 = arith.shli %parallel_loop3A_433, %parallel_loop3A_435 : vector<16xi32>
        %parallel_loop3A_437 = arith.constant 13 : i32
        %parallel_loop3A_438 = arith.index_cast %parallel_loop3A_437 : i32 to index
        %parallel_loop3A_439 = arith.index_cast %parallel_loop3A_295 : i32 to index
        %parallel_loop3A_440 = tpu.vector_load %arg8[%parallel_loop3A_438, %parallel_loop3A_439] {strides = array<i32>} : memref<16x2048xi32, #tpu.memory_space<vmem>>, vector<1x16xi32>,
        %parallel_loop3A_441 = vector.shape_cast %parallel_loop3A_440 : vector<1x16xi32> to vector<16xi32>
        %parallel_loop3A_442 = vector.shape_cast %parallel_loop3A_436 : vector<16xi32> to vector<1x16xi32>
        tpu.vector_store %arg8[%parallel_loop3A_438, %parallel_loop3A_439], %parallel_loop3A_442 {strides = array<i32>} : memref<16x2048xi32, #tpu.memory_space<vmem>>, vector<1x16xi32>,
        %parallel_loop3A_443 = arith.xori %broadcast_in_dim3A_276, %parallel_loop3A_298 : vector<16xi32>
        %parallel_loop3A_444 = arith.sitofp %parallel_loop3A_443 : vector<16xi32> to vector<16xf32>
        %parallel_loop3A_445 = tpu.bitcast %parallel_loop3A_444 : vector<16xf32> -> vector<16xi32>
        %parallel_loop3A_446 = arith.constant 23 : i32
        %parallel_loop3A_447 = vector.broadcast %parallel_loop3A_446 : i32 to vector<16xi32>
        %parallel_loop3A_448 = arith.shrsi %parallel_loop3A_445, %parallel_loop3A_447 : vector<16xi32>
        %parallel_loop3A_449 = arith.constant 142 : i32
        %parallel_loop3A_450 = vector.broadcast %parallel_loop3A_449 : i32 to vector<16xi32>
        %parallel_loop3A_451 = arith.subi %parallel_loop3A_450, %parallel_loop3A_448 : vector<16xi32>
        %parallel_loop3A_452 = arith.minsi %parallel_loop3A_451, %broadcast_in_dim3A_279 : vector<16xi32>
        %parallel_loop3A_453 = arith.minsi %parallel_loop3A_452, %parallel_loop3A_304 : vector<16xi32>
        %parallel_loop3A_454 = arith.cmpi eq, %parallel_loop3A_301, %broadcast_in_dim3A_273 : vector<16xi32>
        %parallel_loop3A_455 = arith.select %parallel_loop3A_454, %max3A_119, %parallel_loop3A_453 : vector<16xi1>, vector<16xi32>
        %parallel_loop3A_456 = arith.subi %max3A_119, %parallel_loop3A_455 : vector<16xi32>
        %parallel_loop3A_457 = arith.constant 1 : i32
        %parallel_loop3A_458 = vector.broadcast %parallel_loop3A_457 : i32 to vector<16xi32>
        %parallel_loop3A_459 = arith.shli %parallel_loop3A_456, %parallel_loop3A_458 : vector<16xi32>
        %parallel_loop3A_460 = arith.constant 14 : i32
        %parallel_loop3A_461 = arith.index_cast %parallel_loop3A_460 : i32 to index
        %parallel_loop3A_462 = arith.index_cast %parallel_loop3A_295 : i32 to index
        %parallel_loop3A_463 = tpu.vector_load %arg8[%parallel_loop3A_461, %parallel_loop3A_462] {strides = array<i32>} : memref<16x2048xi32, #tpu.memory_space<vmem>>, vector<1x16xi32>,
        %parallel_loop3A_464 = vector.shape_cast %parallel_loop3A_463 : vector<1x16xi32> to vector<16xi32>
        %parallel_loop3A_465 = vector.shape_cast %parallel_loop3A_459 : vector<16xi32> to vector<1x16xi32>
        tpu.vector_store %arg8[%parallel_loop3A_461, %parallel_loop3A_462], %parallel_loop3A_465 {strides = array<i32>} : memref<16x2048xi32, #tpu.memory_space<vmem>>, vector<1x16xi32>,
        %parallel_loop3A_466 = arith.xori %broadcast_in_dim3A_285, %parallel_loop3A_298 : vector<16xi32>
        %parallel_loop3A_467 = arith.sitofp %parallel_loop3A_466 : vector<16xi32> to vector<16xf32>
        %parallel_loop3A_468 = tpu.bitcast %parallel_loop3A_467 : vector<16xf32> -> vector<16xi32>
        %parallel_loop3A_469 = arith.constant 23 : i32
        %parallel_loop3A_470 = vector.broadcast %parallel_loop3A_469 : i32 to vector<16xi32>
        %parallel_loop3A_471 = arith.shrsi %parallel_loop3A_468, %parallel_loop3A_470 : vector<16xi32>
        %parallel_loop3A_472 = arith.constant 142 : i32
        %parallel_loop3A_473 = vector.broadcast %parallel_loop3A_472 : i32 to vector<16xi32>
        %parallel_loop3A_474 = arith.subi %parallel_loop3A_473, %parallel_loop3A_471 : vector<16xi32>
        %parallel_loop3A_475 = arith.minsi %parallel_loop3A_474, %broadcast_in_dim3A_288 : vector<16xi32>
        %parallel_loop3A_476 = arith.minsi %parallel_loop3A_475, %parallel_loop3A_304 : vector<16xi32>
        %parallel_loop3A_477 = arith.cmpi eq, %parallel_loop3A_301, %broadcast_in_dim3A_282 : vector<16xi32>
        %parallel_loop3A_478 = arith.select %parallel_loop3A_477, %max3A_119, %parallel_loop3A_476 : vector<16xi1>, vector<16xi32>
        %parallel_loop3A_479 = arith.subi %max3A_119, %parallel_loop3A_478 : vector<16xi32>
        %parallel_loop3A_480 = arith.constant 1 : i32
        %parallel_loop3A_481 = vector.broadcast %parallel_loop3A_480 : i32 to vector<16xi32>
        %parallel_loop3A_482 = arith.shli %parallel_loop3A_479, %parallel_loop3A_481 : vector<16xi32>
        %parallel_loop3A_483 = arith.constant 15 : i32
        %parallel_loop3A_484 = arith.index_cast %parallel_loop3A_483 : i32 to index
        %parallel_loop3A_485 = arith.index_cast %parallel_loop3A_295 : i32 to index
        %parallel_loop3A_486 = tpu.vector_load %arg8[%parallel_loop3A_484, %parallel_loop3A_485] {strides = array<i32>} : memref<16x2048xi32, #tpu.memory_space<vmem>>, vector<1x16xi32>,
        %parallel_loop3A_487 = vector.shape_cast %parallel_loop3A_486 : vector<1x16xi32> to vector<16xi32>
        %parallel_loop3A_488 = vector.shape_cast %parallel_loop3A_482 : vector<16xi32> to vector<1x16xi32>
        tpu.vector_store %arg8[%parallel_loop3A_484, %parallel_loop3A_485], %parallel_loop3A_488 {strides = array<i32>} : memref<16x2048xi32, #tpu.memory_space<vmem>>, vector<1x16xi32>,
      } {sc.loop_unroll_factor = 2 : i64, sc.parallel_access}
      "tpu.region"() ({
        %run_scoped3A = tpu.sem_alloc : memref<!tpu.dma_semaphore, #tpu.memory_space<semaphore_mem>>
        %dma_start3A = arith.constant 0 : i32
        %dma_start3A_293 = tpu.memref_slice %arg3[%add3A_135, %dma_start3A] : memref<2048x2048xi32, #tpu.memory_space<hbm>> -> memref<16x2048xi32, #tpu.memory_space<hbm>>
        %dma_start3A_294 = arith.constant 0 : i32
        %dma_start3A_295 = tpu.memref_slice %arg3[%add3A_135, %dma_start3A_294] : memref<2048x2048xi32, #tpu.memory_space<hbm>> -> memref<16x2048xi32, #tpu.memory_space<hbm>>
        tpu.enqueue_dma source(%arg8 : memref<16x2048xi32, #tpu.memory_space<vmem>>) target(%dma_start3A_295 : memref<16x2048xi32, #tpu.memory_space<hbm>>) target_semaphore(%run_scoped3A : memref<!tpu.dma_semaphore, #tpu.memory_space<semaphore_mem>>)
        %dma_wait3A = arith.constant 0 : i32
        %dma_wait3A_296 = tpu.memref_slice %arg3[%add3A_135, %dma_wait3A] : memref<2048x2048xi32, #tpu.memory_space<hbm>> -> memref<16x2048xi32, #tpu.memory_space<hbm>>
        %dma_wait3A_297 = arith.constant 0 : i32
        %dma_wait3A_298 = tpu.memref_slice %arg3[%add3A_135, %dma_wait3A_297] : memref<2048x2048xi32, #tpu.memory_space<hbm>> -> memref<16x2048xi32, #tpu.memory_space<hbm>>
        tpu.wait_dma2 semaphore(%run_scoped3A : memref<!tpu.dma_semaphore, #tpu.memory_space<semaphore_mem>>) src(%arg8 : memref<16x2048xi32, #tpu.memory_space<vmem>>) dst(%dma_wait3A_298 : memref<16x2048xi32, #tpu.memory_space<hbm>>)
        tpu.yield
      }) : () -> ()
      %scan3A_292 = arith.constant 0 : i32
      scf.yield %scan3A_292 : i32
    }
    %scan3A_130 = arith.constant 4 : i32
    return
  }
}

module attributes {stable_mosaic.version = 14 : i64} {
  func.func @_prims_kernel(%arg0: memref<2x32x32xf32, #tpu.memory_space<vmem>>, %arg1: memref<2x32x32xf32, #tpu.memory_space<vmem>>, %arg2: memref<2x32x32xf32, #tpu.memory_space<vmem>>) attributes {dimension_semantics = [], scalar_prefetch = 0 : i64, scratch_operands = 0 : i64, tpu.core_type = #tpu.core_type<tc>} {
    %iota3A = tpu.iota {dimensions = array<i32: 0>} : vector<32x32xi32>
    %iota3A_0 = tpu.iota {dimensions = array<i32: 1>} : vector<32x32xi32>
    %eq3A = arith.cmpi eq, %iota3A, %iota3A_0 : vector<32x32xi32>
    %convert_element_type3A = arith.extui %eq3A : vector<32x32xi1> to vector<32x32xi32>
    %convert_element_type3A_1 = arith.sitofp %convert_element_type3A : vector<32x32xi32> to vector<32x32xf32>
    %get3A = arith.constant 0 : index
    %get3A_2 = arith.constant 0 : index
    %get3A_3 = arith.constant 0 : index
    %get3A_4 = vector.load %arg0[%get3A, %get3A_2, %get3A_3] : memref<2x32x32xf32, #tpu.memory_space<vmem>>, vector<1x32x32xf32>
    %get3A_5 = vector.shape_cast %get3A_4 : vector<1x32x32xf32> to vector<32x32xf32>
    %get3A_6 = arith.constant 0 : index
    %get3A_7 = arith.constant 0 : index
    %get3A_8 = arith.constant 0 : index
    %get3A_9 = vector.load %arg1[%get3A_6, %get3A_7, %get3A_8] : memref<2x32x32xf32, #tpu.memory_space<vmem>>, vector<1x32x32xf32>
    %get3A_10 = vector.shape_cast %get3A_9 : vector<1x32x32xf32> to vector<32x32xf32>
    %sub3A = arith.subf %get3A_5, %get3A_10 : vector<32x32xf32>
    %mul3A = arith.constant 6.250000e-02 : f32
    %mul3A_11 = vector.broadcast %mul3A : f32 to vector<32x32xf32>
    %mul3A_12 = arith.mulf %sub3A, %mul3A_11 : vector<32x32xf32>
    %get3A_13 = arith.constant 1 : index
    %get3A_14 = arith.constant 0 : index
    %get3A_15 = arith.constant 0 : index
    %get3A_16 = vector.load %arg0[%get3A_13, %get3A_14, %get3A_15] : memref<2x32x32xf32, #tpu.memory_space<vmem>>, vector<1x32x32xf32>
    %get3A_17 = vector.shape_cast %get3A_16 : vector<1x32x32xf32> to vector<32x32xf32>
    %get3A_18 = arith.constant 1 : index
    %get3A_19 = arith.constant 0 : index
    %get3A_20 = arith.constant 0 : index
    %get3A_21 = vector.load %arg1[%get3A_18, %get3A_19, %get3A_20] : memref<2x32x32xf32, #tpu.memory_space<vmem>>, vector<1x32x32xf32>
    %get3A_22 = vector.shape_cast %get3A_21 : vector<1x32x32xf32> to vector<32x32xf32>
    %sub3A_23 = arith.subf %get3A_17, %get3A_22 : vector<32x32xf32>
    %mul3A_24 = arith.constant 6.250000e-02 : f32
    %mul3A_25 = vector.broadcast %mul3A_24 : f32 to vector<32x32xf32>
    %mul3A_26 = arith.mulf %sub3A_23, %mul3A_25 : vector<32x32xf32>
    %dot_general3A = arith.constant dense<0.000000e+00> : vector<32x32xf32>
    %dot_general3A_27 = tpu.matmul %mul3A_12, %convert_element_type3A_1, %dot_general3A {dimension_numbers = #tpu.dot_dimension_numbers<[1], [0], [0], [1], [0, 0, 1, 1], [], []>, precision = #tpu.contract_precision<fp32>, transpose_lhs_hint = false} : vector<32x32xf32>, vector<32x32xf32>, vector<32x32xf32> -> vector<32x32xf32>
    %mul3A_28 = arith.constant 5.000000e-02 : f32
    %mul3A_29 = vector.broadcast %mul3A_28 : f32 to vector<32x32xf32>
    %mul3A_30 = arith.mulf %dot_general3A_27, %mul3A_29 : vector<32x32xf32>
    %add3A = arith.addf %convert_element_type3A_1, %mul3A_30 : vector<32x32xf32>
    %dot_general3A_31 = arith.constant dense<0.000000e+00> : vector<32x32xf32>
    %dot_general3A_32 = tpu.matmul %mul3A_26, %convert_element_type3A_1, %dot_general3A_31 {dimension_numbers = #tpu.dot_dimension_numbers<[1], [0], [0], [1], [0, 0, 1, 1], [], []>, precision = #tpu.contract_precision<fp32>, transpose_lhs_hint = false} : vector<32x32xf32>, vector<32x32xf32>, vector<32x32xf32> -> vector<32x32xf32>
    %mul3A_33 = arith.constant 5.000000e-02 : f32
    %mul3A_34 = vector.broadcast %mul3A_33 : f32 to vector<32x32xf32>
    %mul3A_35 = arith.mulf %dot_general3A_32, %mul3A_34 : vector<32x32xf32>
    %add3A_36 = arith.addf %convert_element_type3A_1, %mul3A_35 : vector<32x32xf32>
    %dot_general3A_37 = arith.constant dense<0.000000e+00> : vector<32x32xf32>
    %dot_general3A_38 = tpu.matmul %mul3A_12, %add3A, %dot_general3A_37 {dimension_numbers = #tpu.dot_dimension_numbers<[1], [0], [0], [1], [0, 0, 1, 1], [], []>, precision = #tpu.contract_precision<fp32>, transpose_lhs_hint = false} : vector<32x32xf32>, vector<32x32xf32>, vector<32x32xf32> -> vector<32x32xf32>
    %mul3A_39 = arith.constant 0.0526315793 : f32
    %mul3A_40 = vector.broadcast %mul3A_39 : f32 to vector<32x32xf32>
    %mul3A_41 = arith.mulf %dot_general3A_38, %mul3A_40 : vector<32x32xf32>
    %add3A_42 = arith.addf %convert_element_type3A_1, %mul3A_41 : vector<32x32xf32>
    %dot_general3A_43 = arith.constant dense<0.000000e+00> : vector<32x32xf32>
    %dot_general3A_44 = tpu.matmul %mul3A_26, %add3A_36, %dot_general3A_43 {dimension_numbers = #tpu.dot_dimension_numbers<[1], [0], [0], [1], [0, 0, 1, 1], [], []>, precision = #tpu.contract_precision<fp32>, transpose_lhs_hint = false} : vector<32x32xf32>, vector<32x32xf32>, vector<32x32xf32> -> vector<32x32xf32>
    %mul3A_45 = arith.constant 0.0526315793 : f32
    %mul3A_46 = vector.broadcast %mul3A_45 : f32 to vector<32x32xf32>
    %mul3A_47 = arith.mulf %dot_general3A_44, %mul3A_46 : vector<32x32xf32>
    %add3A_48 = arith.addf %convert_element_type3A_1, %mul3A_47 : vector<32x32xf32>
    %dot_general3A_49 = arith.constant dense<0.000000e+00> : vector<32x32xf32>
    %dot_general3A_50 = tpu.matmul %mul3A_12, %add3A_42, %dot_general3A_49 {dimension_numbers = #tpu.dot_dimension_numbers<[1], [0], [0], [1], [0, 0, 1, 1], [], []>, precision = #tpu.contract_precision<fp32>, transpose_lhs_hint = false} : vector<32x32xf32>, vector<32x32xf32>, vector<32x32xf32> -> vector<32x32xf32>
    %mul3A_51 = arith.constant 0.055555556 : f32
    %mul3A_52 = vector.broadcast %mul3A_51 : f32 to vector<32x32xf32>
    %mul3A_53 = arith.mulf %dot_general3A_50, %mul3A_52 : vector<32x32xf32>
    %add3A_54 = arith.addf %convert_element_type3A_1, %mul3A_53 : vector<32x32xf32>
    %dot_general3A_55 = arith.constant dense<0.000000e+00> : vector<32x32xf32>
    %dot_general3A_56 = tpu.matmul %mul3A_26, %add3A_48, %dot_general3A_55 {dimension_numbers = #tpu.dot_dimension_numbers<[1], [0], [0], [1], [0, 0, 1, 1], [], []>, precision = #tpu.contract_precision<fp32>, transpose_lhs_hint = false} : vector<32x32xf32>, vector<32x32xf32>, vector<32x32xf32> -> vector<32x32xf32>
    %mul3A_57 = arith.constant 0.055555556 : f32
    %mul3A_58 = vector.broadcast %mul3A_57 : f32 to vector<32x32xf32>
    %mul3A_59 = arith.mulf %dot_general3A_56, %mul3A_58 : vector<32x32xf32>
    %add3A_60 = arith.addf %convert_element_type3A_1, %mul3A_59 : vector<32x32xf32>
    %dot_general3A_61 = arith.constant dense<0.000000e+00> : vector<32x32xf32>
    %dot_general3A_62 = tpu.matmul %mul3A_12, %add3A_54, %dot_general3A_61 {dimension_numbers = #tpu.dot_dimension_numbers<[1], [0], [0], [1], [0, 0, 1, 1], [], []>, precision = #tpu.contract_precision<fp32>, transpose_lhs_hint = false} : vector<32x32xf32>, vector<32x32xf32>, vector<32x32xf32> -> vector<32x32xf32>
    %mul3A_63 = arith.constant 0.0588235296 : f32
    %mul3A_64 = vector.broadcast %mul3A_63 : f32 to vector<32x32xf32>
    %mul3A_65 = arith.mulf %dot_general3A_62, %mul3A_64 : vector<32x32xf32>
    %add3A_66 = arith.addf %convert_element_type3A_1, %mul3A_65 : vector<32x32xf32>
    %dot_general3A_67 = arith.constant dense<0.000000e+00> : vector<32x32xf32>
    %dot_general3A_68 = tpu.matmul %mul3A_26, %add3A_60, %dot_general3A_67 {dimension_numbers = #tpu.dot_dimension_numbers<[1], [0], [0], [1], [0, 0, 1, 1], [], []>, precision = #tpu.contract_precision<fp32>, transpose_lhs_hint = false} : vector<32x32xf32>, vector<32x32xf32>, vector<32x32xf32> -> vector<32x32xf32>
    %mul3A_69 = arith.constant 0.0588235296 : f32
    %mul3A_70 = vector.broadcast %mul3A_69 : f32 to vector<32x32xf32>
    %mul3A_71 = arith.mulf %dot_general3A_68, %mul3A_70 : vector<32x32xf32>
    %add3A_72 = arith.addf %convert_element_type3A_1, %mul3A_71 : vector<32x32xf32>
    %dot_general3A_73 = arith.constant dense<0.000000e+00> : vector<32x32xf32>
    %dot_general3A_74 = tpu.matmul %mul3A_12, %add3A_66, %dot_general3A_73 {dimension_numbers = #tpu.dot_dimension_numbers<[1], [0], [0], [1], [0, 0, 1, 1], [], []>, precision = #tpu.contract_precision<fp32>, transpose_lhs_hint = false} : vector<32x32xf32>, vector<32x32xf32>, vector<32x32xf32> -> vector<32x32xf32>
    %mul3A_75 = arith.constant 6.250000e-02 : f32
    %mul3A_76 = vector.broadcast %mul3A_75 : f32 to vector<32x32xf32>
    %mul3A_77 = arith.mulf %dot_general3A_74, %mul3A_76 : vector<32x32xf32>
    %add3A_78 = arith.addf %convert_element_type3A_1, %mul3A_77 : vector<32x32xf32>
    %dot_general3A_79 = arith.constant dense<0.000000e+00> : vector<32x32xf32>
    %dot_general3A_80 = tpu.matmul %mul3A_26, %add3A_72, %dot_general3A_79 {dimension_numbers = #tpu.dot_dimension_numbers<[1], [0], [0], [1], [0, 0, 1, 1], [], []>, precision = #tpu.contract_precision<fp32>, transpose_lhs_hint = false} : vector<32x32xf32>, vector<32x32xf32>, vector<32x32xf32> -> vector<32x32xf32>
    %mul3A_81 = arith.constant 6.250000e-02 : f32
    %mul3A_82 = vector.broadcast %mul3A_81 : f32 to vector<32x32xf32>
    %mul3A_83 = arith.mulf %dot_general3A_80, %mul3A_82 : vector<32x32xf32>
    %add3A_84 = arith.addf %convert_element_type3A_1, %mul3A_83 : vector<32x32xf32>
    %dot_general3A_85 = arith.constant dense<0.000000e+00> : vector<32x32xf32>
    %dot_general3A_86 = tpu.matmul %mul3A_12, %add3A_78, %dot_general3A_85 {dimension_numbers = #tpu.dot_dimension_numbers<[1], [0], [0], [1], [0, 0, 1, 1], [], []>, precision = #tpu.contract_precision<fp32>, transpose_lhs_hint = false} : vector<32x32xf32>, vector<32x32xf32>, vector<32x32xf32> -> vector<32x32xf32>
    %mul3A_87 = arith.constant 0.0666666701 : f32
    %mul3A_88 = vector.broadcast %mul3A_87 : f32 to vector<32x32xf32>
    %mul3A_89 = arith.mulf %dot_general3A_86, %mul3A_88 : vector<32x32xf32>
    %add3A_90 = arith.addf %convert_element_type3A_1, %mul3A_89 : vector<32x32xf32>
    %dot_general3A_91 = arith.constant dense<0.000000e+00> : vector<32x32xf32>
    %dot_general3A_92 = tpu.matmul %mul3A_26, %add3A_84, %dot_general3A_91 {dimension_numbers = #tpu.dot_dimension_numbers<[1], [0], [0], [1], [0, 0, 1, 1], [], []>, precision = #tpu.contract_precision<fp32>, transpose_lhs_hint = false} : vector<32x32xf32>, vector<32x32xf32>, vector<32x32xf32> -> vector<32x32xf32>
    %mul3A_93 = arith.constant 0.0666666701 : f32
    %mul3A_94 = vector.broadcast %mul3A_93 : f32 to vector<32x32xf32>
    %mul3A_95 = arith.mulf %dot_general3A_92, %mul3A_94 : vector<32x32xf32>
    %add3A_96 = arith.addf %convert_element_type3A_1, %mul3A_95 : vector<32x32xf32>
    %dot_general3A_97 = arith.constant dense<0.000000e+00> : vector<32x32xf32>
    %dot_general3A_98 = tpu.matmul %mul3A_12, %add3A_90, %dot_general3A_97 {dimension_numbers = #tpu.dot_dimension_numbers<[1], [0], [0], [1], [0, 0, 1, 1], [], []>, precision = #tpu.contract_precision<fp32>, transpose_lhs_hint = false} : vector<32x32xf32>, vector<32x32xf32>, vector<32x32xf32> -> vector<32x32xf32>
    %mul3A_99 = arith.constant 0.0714285746 : f32
    %mul3A_100 = vector.broadcast %mul3A_99 : f32 to vector<32x32xf32>
    %mul3A_101 = arith.mulf %dot_general3A_98, %mul3A_100 : vector<32x32xf32>
    %add3A_102 = arith.addf %convert_element_type3A_1, %mul3A_101 : vector<32x32xf32>
    %dot_general3A_103 = arith.constant dense<0.000000e+00> : vector<32x32xf32>
    %dot_general3A_104 = tpu.matmul %mul3A_26, %add3A_96, %dot_general3A_103 {dimension_numbers = #tpu.dot_dimension_numbers<[1], [0], [0], [1], [0, 0, 1, 1], [], []>, precision = #tpu.contract_precision<fp32>, transpose_lhs_hint = false} : vector<32x32xf32>, vector<32x32xf32>, vector<32x32xf32> -> vector<32x32xf32>
    %mul3A_105 = arith.constant 0.0714285746 : f32
    %mul3A_106 = vector.broadcast %mul3A_105 : f32 to vector<32x32xf32>
    %mul3A_107 = arith.mulf %dot_general3A_104, %mul3A_106 : vector<32x32xf32>
    %add3A_108 = arith.addf %convert_element_type3A_1, %mul3A_107 : vector<32x32xf32>
    %dot_general3A_109 = arith.constant dense<0.000000e+00> : vector<32x32xf32>
    %dot_general3A_110 = tpu.matmul %mul3A_12, %add3A_102, %dot_general3A_109 {dimension_numbers = #tpu.dot_dimension_numbers<[1], [0], [0], [1], [0, 0, 1, 1], [], []>, precision = #tpu.contract_precision<fp32>, transpose_lhs_hint = false} : vector<32x32xf32>, vector<32x32xf32>, vector<32x32xf32> -> vector<32x32xf32>
    %mul3A_111 = arith.constant 0.0769230798 : f32
    %mul3A_112 = vector.broadcast %mul3A_111 : f32 to vector<32x32xf32>
    %mul3A_113 = arith.mulf %dot_general3A_110, %mul3A_112 : vector<32x32xf32>
    %add3A_114 = arith.addf %convert_element_type3A_1, %mul3A_113 : vector<32x32xf32>
    %dot_general3A_115 = arith.constant dense<0.000000e+00> : vector<32x32xf32>
    %dot_general3A_116 = tpu.matmul %mul3A_26, %add3A_108, %dot_general3A_115 {dimension_numbers = #tpu.dot_dimension_numbers<[1], [0], [0], [1], [0, 0, 1, 1], [], []>, precision = #tpu.contract_precision<fp32>, transpose_lhs_hint = false} : vector<32x32xf32>, vector<32x32xf32>, vector<32x32xf32> -> vector<32x32xf32>
    %mul3A_117 = arith.constant 0.0769230798 : f32
    %mul3A_118 = vector.broadcast %mul3A_117 : f32 to vector<32x32xf32>
    %mul3A_119 = arith.mulf %dot_general3A_116, %mul3A_118 : vector<32x32xf32>
    %add3A_120 = arith.addf %convert_element_type3A_1, %mul3A_119 : vector<32x32xf32>
    %dot_general3A_121 = arith.constant dense<0.000000e+00> : vector<32x32xf32>
    %dot_general3A_122 = tpu.matmul %mul3A_12, %add3A_114, %dot_general3A_121 {dimension_numbers = #tpu.dot_dimension_numbers<[1], [0], [0], [1], [0, 0, 1, 1], [], []>, precision = #tpu.contract_precision<fp32>, transpose_lhs_hint = false} : vector<32x32xf32>, vector<32x32xf32>, vector<32x32xf32> -> vector<32x32xf32>
    %mul3A_123 = arith.constant 0.0833333358 : f32
    %mul3A_124 = vector.broadcast %mul3A_123 : f32 to vector<32x32xf32>
    %mul3A_125 = arith.mulf %dot_general3A_122, %mul3A_124 : vector<32x32xf32>
    %add3A_126 = arith.addf %convert_element_type3A_1, %mul3A_125 : vector<32x32xf32>
    %dot_general3A_127 = arith.constant dense<0.000000e+00> : vector<32x32xf32>
    %dot_general3A_128 = tpu.matmul %mul3A_26, %add3A_120, %dot_general3A_127 {dimension_numbers = #tpu.dot_dimension_numbers<[1], [0], [0], [1], [0, 0, 1, 1], [], []>, precision = #tpu.contract_precision<fp32>, transpose_lhs_hint = false} : vector<32x32xf32>, vector<32x32xf32>, vector<32x32xf32> -> vector<32x32xf32>
    %mul3A_129 = arith.constant 0.0833333358 : f32
    %mul3A_130 = vector.broadcast %mul3A_129 : f32 to vector<32x32xf32>
    %mul3A_131 = arith.mulf %dot_general3A_128, %mul3A_130 : vector<32x32xf32>
    %add3A_132 = arith.addf %convert_element_type3A_1, %mul3A_131 : vector<32x32xf32>
    %dot_general3A_133 = arith.constant dense<0.000000e+00> : vector<32x32xf32>
    %dot_general3A_134 = tpu.matmul %mul3A_12, %add3A_126, %dot_general3A_133 {dimension_numbers = #tpu.dot_dimension_numbers<[1], [0], [0], [1], [0, 0, 1, 1], [], []>, precision = #tpu.contract_precision<fp32>, transpose_lhs_hint = false} : vector<32x32xf32>, vector<32x32xf32>, vector<32x32xf32> -> vector<32x32xf32>
    %mul3A_135 = arith.constant 0.0909090936 : f32
    %mul3A_136 = vector.broadcast %mul3A_135 : f32 to vector<32x32xf32>
    %mul3A_137 = arith.mulf %dot_general3A_134, %mul3A_136 : vector<32x32xf32>
    %add3A_138 = arith.addf %convert_element_type3A_1, %mul3A_137 : vector<32x32xf32>
    %dot_general3A_139 = arith.constant dense<0.000000e+00> : vector<32x32xf32>
    %dot_general3A_140 = tpu.matmul %mul3A_26, %add3A_132, %dot_general3A_139 {dimension_numbers = #tpu.dot_dimension_numbers<[1], [0], [0], [1], [0, 0, 1, 1], [], []>, precision = #tpu.contract_precision<fp32>, transpose_lhs_hint = false} : vector<32x32xf32>, vector<32x32xf32>, vector<32x32xf32> -> vector<32x32xf32>
    %mul3A_141 = arith.constant 0.0909090936 : f32
    %mul3A_142 = vector.broadcast %mul3A_141 : f32 to vector<32x32xf32>
    %mul3A_143 = arith.mulf %dot_general3A_140, %mul3A_142 : vector<32x32xf32>
    %add3A_144 = arith.addf %convert_element_type3A_1, %mul3A_143 : vector<32x32xf32>
    %dot_general3A_145 = arith.constant dense<0.000000e+00> : vector<32x32xf32>
    %dot_general3A_146 = tpu.matmul %mul3A_12, %add3A_138, %dot_general3A_145 {dimension_numbers = #tpu.dot_dimension_numbers<[1], [0], [0], [1], [0, 0, 1, 1], [], []>, precision = #tpu.contract_precision<fp32>, transpose_lhs_hint = false} : vector<32x32xf32>, vector<32x32xf32>, vector<32x32xf32> -> vector<32x32xf32>
    %mul3A_147 = arith.constant 1.000000e-01 : f32
    %mul3A_148 = vector.broadcast %mul3A_147 : f32 to vector<32x32xf32>
    %mul3A_149 = arith.mulf %dot_general3A_146, %mul3A_148 : vector<32x32xf32>
    %add3A_150 = arith.addf %convert_element_type3A_1, %mul3A_149 : vector<32x32xf32>
    %dot_general3A_151 = arith.constant dense<0.000000e+00> : vector<32x32xf32>
    %dot_general3A_152 = tpu.matmul %mul3A_26, %add3A_144, %dot_general3A_151 {dimension_numbers = #tpu.dot_dimension_numbers<[1], [0], [0], [1], [0, 0, 1, 1], [], []>, precision = #tpu.contract_precision<fp32>, transpose_lhs_hint = false} : vector<32x32xf32>, vector<32x32xf32>, vector<32x32xf32> -> vector<32x32xf32>
    %mul3A_153 = arith.constant 1.000000e-01 : f32
    %mul3A_154 = vector.broadcast %mul3A_153 : f32 to vector<32x32xf32>
    %mul3A_155 = arith.mulf %dot_general3A_152, %mul3A_154 : vector<32x32xf32>
    %add3A_156 = arith.addf %convert_element_type3A_1, %mul3A_155 : vector<32x32xf32>
    %dot_general3A_157 = arith.constant dense<0.000000e+00> : vector<32x32xf32>
    %dot_general3A_158 = tpu.matmul %mul3A_12, %add3A_150, %dot_general3A_157 {dimension_numbers = #tpu.dot_dimension_numbers<[1], [0], [0], [1], [0, 0, 1, 1], [], []>, precision = #tpu.contract_precision<fp32>, transpose_lhs_hint = false} : vector<32x32xf32>, vector<32x32xf32>, vector<32x32xf32> -> vector<32x32xf32>
    %mul3A_159 = arith.constant 0.111111112 : f32
    %mul3A_160 = vector.broadcast %mul3A_159 : f32 to vector<32x32xf32>
    %mul3A_161 = arith.mulf %dot_general3A_158, %mul3A_160 : vector<32x32xf32>
    %add3A_162 = arith.addf %convert_element_type3A_1, %mul3A_161 : vector<32x32xf32>
    %dot_general3A_163 = arith.constant dense<0.000000e+00> : vector<32x32xf32>
    %dot_general3A_164 = tpu.matmul %mul3A_26, %add3A_156, %dot_general3A_163 {dimension_numbers = #tpu.dot_dimension_numbers<[1], [0], [0], [1], [0, 0, 1, 1], [], []>, precision = #tpu.contract_precision<fp32>, transpose_lhs_hint = false} : vector<32x32xf32>, vector<32x32xf32>, vector<32x32xf32> -> vector<32x32xf32>
    %mul3A_165 = arith.constant 0.111111112 : f32
    %mul3A_166 = vector.broadcast %mul3A_165 : f32 to vector<32x32xf32>
    %mul3A_167 = arith.mulf %dot_general3A_164, %mul3A_166 : vector<32x32xf32>
    %add3A_168 = arith.addf %convert_element_type3A_1, %mul3A_167 : vector<32x32xf32>
    %dot_general3A_169 = arith.constant dense<0.000000e+00> : vector<32x32xf32>
    %dot_general3A_170 = tpu.matmul %mul3A_12, %add3A_162, %dot_general3A_169 {dimension_numbers = #tpu.dot_dimension_numbers<[1], [0], [0], [1], [0, 0, 1, 1], [], []>, precision = #tpu.contract_precision<fp32>, transpose_lhs_hint = false} : vector<32x32xf32>, vector<32x32xf32>, vector<32x32xf32> -> vector<32x32xf32>
    %mul3A_171 = arith.constant 1.250000e-01 : f32
    %mul3A_172 = vector.broadcast %mul3A_171 : f32 to vector<32x32xf32>
    %mul3A_173 = arith.mulf %dot_general3A_170, %mul3A_172 : vector<32x32xf32>
    %add3A_174 = arith.addf %convert_element_type3A_1, %mul3A_173 : vector<32x32xf32>
    %dot_general3A_175 = arith.constant dense<0.000000e+00> : vector<32x32xf32>
    %dot_general3A_176 = tpu.matmul %mul3A_26, %add3A_168, %dot_general3A_175 {dimension_numbers = #tpu.dot_dimension_numbers<[1], [0], [0], [1], [0, 0, 1, 1], [], []>, precision = #tpu.contract_precision<fp32>, transpose_lhs_hint = false} : vector<32x32xf32>, vector<32x32xf32>, vector<32x32xf32> -> vector<32x32xf32>
    %mul3A_177 = arith.constant 1.250000e-01 : f32
    %mul3A_178 = vector.broadcast %mul3A_177 : f32 to vector<32x32xf32>
    %mul3A_179 = arith.mulf %dot_general3A_176, %mul3A_178 : vector<32x32xf32>
    %add3A_180 = arith.addf %convert_element_type3A_1, %mul3A_179 : vector<32x32xf32>
    %dot_general3A_181 = arith.constant dense<0.000000e+00> : vector<32x32xf32>
    %dot_general3A_182 = tpu.matmul %mul3A_12, %add3A_174, %dot_general3A_181 {dimension_numbers = #tpu.dot_dimension_numbers<[1], [0], [0], [1], [0, 0, 1, 1], [], []>, precision = #tpu.contract_precision<fp32>, transpose_lhs_hint = false} : vector<32x32xf32>, vector<32x32xf32>, vector<32x32xf32> -> vector<32x32xf32>
    %mul3A_183 = arith.constant 0.142857149 : f32
    %mul3A_184 = vector.broadcast %mul3A_183 : f32 to vector<32x32xf32>
    %mul3A_185 = arith.mulf %dot_general3A_182, %mul3A_184 : vector<32x32xf32>
    %add3A_186 = arith.addf %convert_element_type3A_1, %mul3A_185 : vector<32x32xf32>
    %dot_general3A_187 = arith.constant dense<0.000000e+00> : vector<32x32xf32>
    %dot_general3A_188 = tpu.matmul %mul3A_26, %add3A_180, %dot_general3A_187 {dimension_numbers = #tpu.dot_dimension_numbers<[1], [0], [0], [1], [0, 0, 1, 1], [], []>, precision = #tpu.contract_precision<fp32>, transpose_lhs_hint = false} : vector<32x32xf32>, vector<32x32xf32>, vector<32x32xf32> -> vector<32x32xf32>
    %mul3A_189 = arith.constant 0.142857149 : f32
    %mul3A_190 = vector.broadcast %mul3A_189 : f32 to vector<32x32xf32>
    %mul3A_191 = arith.mulf %dot_general3A_188, %mul3A_190 : vector<32x32xf32>
    %add3A_192 = arith.addf %convert_element_type3A_1, %mul3A_191 : vector<32x32xf32>
    %dot_general3A_193 = arith.constant dense<0.000000e+00> : vector<32x32xf32>
    %dot_general3A_194 = tpu.matmul %mul3A_12, %add3A_186, %dot_general3A_193 {dimension_numbers = #tpu.dot_dimension_numbers<[1], [0], [0], [1], [0, 0, 1, 1], [], []>, precision = #tpu.contract_precision<fp32>, transpose_lhs_hint = false} : vector<32x32xf32>, vector<32x32xf32>, vector<32x32xf32> -> vector<32x32xf32>
    %mul3A_195 = arith.constant 0.166666672 : f32
    %mul3A_196 = vector.broadcast %mul3A_195 : f32 to vector<32x32xf32>
    %mul3A_197 = arith.mulf %dot_general3A_194, %mul3A_196 : vector<32x32xf32>
    %add3A_198 = arith.addf %convert_element_type3A_1, %mul3A_197 : vector<32x32xf32>
    %dot_general3A_199 = arith.constant dense<0.000000e+00> : vector<32x32xf32>
    %dot_general3A_200 = tpu.matmul %mul3A_26, %add3A_192, %dot_general3A_199 {dimension_numbers = #tpu.dot_dimension_numbers<[1], [0], [0], [1], [0, 0, 1, 1], [], []>, precision = #tpu.contract_precision<fp32>, transpose_lhs_hint = false} : vector<32x32xf32>, vector<32x32xf32>, vector<32x32xf32> -> vector<32x32xf32>
    %mul3A_201 = arith.constant 0.166666672 : f32
    %mul3A_202 = vector.broadcast %mul3A_201 : f32 to vector<32x32xf32>
    %mul3A_203 = arith.mulf %dot_general3A_200, %mul3A_202 : vector<32x32xf32>
    %add3A_204 = arith.addf %convert_element_type3A_1, %mul3A_203 : vector<32x32xf32>
    %dot_general3A_205 = arith.constant dense<0.000000e+00> : vector<32x32xf32>
    %dot_general3A_206 = tpu.matmul %mul3A_12, %add3A_198, %dot_general3A_205 {dimension_numbers = #tpu.dot_dimension_numbers<[1], [0], [0], [1], [0, 0, 1, 1], [], []>, precision = #tpu.contract_precision<fp32>, transpose_lhs_hint = false} : vector<32x32xf32>, vector<32x32xf32>, vector<32x32xf32> -> vector<32x32xf32>
    %mul3A_207 = arith.constant 2.000000e-01 : f32
    %mul3A_208 = vector.broadcast %mul3A_207 : f32 to vector<32x32xf32>
    %mul3A_209 = arith.mulf %dot_general3A_206, %mul3A_208 : vector<32x32xf32>
    %add3A_210 = arith.addf %convert_element_type3A_1, %mul3A_209 : vector<32x32xf32>
    %dot_general3A_211 = arith.constant dense<0.000000e+00> : vector<32x32xf32>
    %dot_general3A_212 = tpu.matmul %mul3A_26, %add3A_204, %dot_general3A_211 {dimension_numbers = #tpu.dot_dimension_numbers<[1], [0], [0], [1], [0, 0, 1, 1], [], []>, precision = #tpu.contract_precision<fp32>, transpose_lhs_hint = false} : vector<32x32xf32>, vector<32x32xf32>, vector<32x32xf32> -> vector<32x32xf32>
    %mul3A_213 = arith.constant 2.000000e-01 : f32
    %mul3A_214 = vector.broadcast %mul3A_213 : f32 to vector<32x32xf32>
    %mul3A_215 = arith.mulf %dot_general3A_212, %mul3A_214 : vector<32x32xf32>
    %add3A_216 = arith.addf %convert_element_type3A_1, %mul3A_215 : vector<32x32xf32>
    %dot_general3A_217 = arith.constant dense<0.000000e+00> : vector<32x32xf32>
    %dot_general3A_218 = tpu.matmul %mul3A_12, %add3A_210, %dot_general3A_217 {dimension_numbers = #tpu.dot_dimension_numbers<[1], [0], [0], [1], [0, 0, 1, 1], [], []>, precision = #tpu.contract_precision<fp32>, transpose_lhs_hint = false} : vector<32x32xf32>, vector<32x32xf32>, vector<32x32xf32> -> vector<32x32xf32>
    %mul3A_219 = arith.constant 2.500000e-01 : f32
    %mul3A_220 = vector.broadcast %mul3A_219 : f32 to vector<32x32xf32>
    %mul3A_221 = arith.mulf %dot_general3A_218, %mul3A_220 : vector<32x32xf32>
    %add3A_222 = arith.addf %convert_element_type3A_1, %mul3A_221 : vector<32x32xf32>
    %dot_general3A_223 = arith.constant dense<0.000000e+00> : vector<32x32xf32>
    %dot_general3A_224 = tpu.matmul %mul3A_26, %add3A_216, %dot_general3A_223 {dimension_numbers = #tpu.dot_dimension_numbers<[1], [0], [0], [1], [0, 0, 1, 1], [], []>, precision = #tpu.contract_precision<fp32>, transpose_lhs_hint = false} : vector<32x32xf32>, vector<32x32xf32>, vector<32x32xf32> -> vector<32x32xf32>
    %mul3A_225 = arith.constant 2.500000e-01 : f32
    %mul3A_226 = vector.broadcast %mul3A_225 : f32 to vector<32x32xf32>
    %mul3A_227 = arith.mulf %dot_general3A_224, %mul3A_226 : vector<32x32xf32>
    %add3A_228 = arith.addf %convert_element_type3A_1, %mul3A_227 : vector<32x32xf32>
    %dot_general3A_229 = arith.constant dense<0.000000e+00> : vector<32x32xf32>
    %dot_general3A_230 = tpu.matmul %mul3A_12, %add3A_222, %dot_general3A_229 {dimension_numbers = #tpu.dot_dimension_numbers<[1], [0], [0], [1], [0, 0, 1, 1], [], []>, precision = #tpu.contract_precision<fp32>, transpose_lhs_hint = false} : vector<32x32xf32>, vector<32x32xf32>, vector<32x32xf32> -> vector<32x32xf32>
    %mul3A_231 = arith.constant 0.333333343 : f32
    %mul3A_232 = vector.broadcast %mul3A_231 : f32 to vector<32x32xf32>
    %mul3A_233 = arith.mulf %dot_general3A_230, %mul3A_232 : vector<32x32xf32>
    %add3A_234 = arith.addf %convert_element_type3A_1, %mul3A_233 : vector<32x32xf32>
    %dot_general3A_235 = arith.constant dense<0.000000e+00> : vector<32x32xf32>
    %dot_general3A_236 = tpu.matmul %mul3A_26, %add3A_228, %dot_general3A_235 {dimension_numbers = #tpu.dot_dimension_numbers<[1], [0], [0], [1], [0, 0, 1, 1], [], []>, precision = #tpu.contract_precision<fp32>, transpose_lhs_hint = false} : vector<32x32xf32>, vector<32x32xf32>, vector<32x32xf32> -> vector<32x32xf32>
    %mul3A_237 = arith.constant 0.333333343 : f32
    %mul3A_238 = vector.broadcast %mul3A_237 : f32 to vector<32x32xf32>
    %mul3A_239 = arith.mulf %dot_general3A_236, %mul3A_238 : vector<32x32xf32>
    %add3A_240 = arith.addf %convert_element_type3A_1, %mul3A_239 : vector<32x32xf32>
    %dot_general3A_241 = arith.constant dense<0.000000e+00> : vector<32x32xf32>
    %dot_general3A_242 = tpu.matmul %mul3A_12, %add3A_234, %dot_general3A_241 {dimension_numbers = #tpu.dot_dimension_numbers<[1], [0], [0], [1], [0, 0, 1, 1], [], []>, precision = #tpu.contract_precision<fp32>, transpose_lhs_hint = false} : vector<32x32xf32>, vector<32x32xf32>, vector<32x32xf32> -> vector<32x32xf32>
    %mul3A_243 = arith.constant 5.000000e-01 : f32
    %mul3A_244 = vector.broadcast %mul3A_243 : f32 to vector<32x32xf32>
    %mul3A_245 = arith.mulf %dot_general3A_242, %mul3A_244 : vector<32x32xf32>
    %add3A_246 = arith.addf %convert_element_type3A_1, %mul3A_245 : vector<32x32xf32>
    %dot_general3A_247 = arith.constant dense<0.000000e+00> : vector<32x32xf32>
    %dot_general3A_248 = tpu.matmul %mul3A_26, %add3A_240, %dot_general3A_247 {dimension_numbers = #tpu.dot_dimension_numbers<[1], [0], [0], [1], [0, 0, 1, 1], [], []>, precision = #tpu.contract_precision<fp32>, transpose_lhs_hint = false} : vector<32x32xf32>, vector<32x32xf32>, vector<32x32xf32> -> vector<32x32xf32>
    %mul3A_249 = arith.constant 5.000000e-01 : f32
    %mul3A_250 = vector.broadcast %mul3A_249 : f32 to vector<32x32xf32>
    %mul3A_251 = arith.mulf %dot_general3A_248, %mul3A_250 : vector<32x32xf32>
    %add3A_252 = arith.addf %convert_element_type3A_1, %mul3A_251 : vector<32x32xf32>
    %dot_general3A_253 = arith.constant dense<0.000000e+00> : vector<32x32xf32>
    %dot_general3A_254 = tpu.matmul %mul3A_12, %add3A_246, %dot_general3A_253 {dimension_numbers = #tpu.dot_dimension_numbers<[1], [0], [0], [1], [0, 0, 1, 1], [], []>, precision = #tpu.contract_precision<fp32>, transpose_lhs_hint = false} : vector<32x32xf32>, vector<32x32xf32>, vector<32x32xf32> -> vector<32x32xf32>
    %mul3A_255 = arith.constant 1.000000e+00 : f32
    %mul3A_256 = vector.broadcast %mul3A_255 : f32 to vector<32x32xf32>
    %mul3A_257 = arith.mulf %dot_general3A_254, %mul3A_256 : vector<32x32xf32>
    %add3A_258 = arith.addf %convert_element_type3A_1, %mul3A_257 : vector<32x32xf32>
    %dot_general3A_259 = arith.constant dense<0.000000e+00> : vector<32x32xf32>
    %dot_general3A_260 = tpu.matmul %mul3A_26, %add3A_252, %dot_general3A_259 {dimension_numbers = #tpu.dot_dimension_numbers<[1], [0], [0], [1], [0, 0, 1, 1], [], []>, precision = #tpu.contract_precision<fp32>, transpose_lhs_hint = false} : vector<32x32xf32>, vector<32x32xf32>, vector<32x32xf32> -> vector<32x32xf32>
    %mul3A_261 = arith.constant 1.000000e+00 : f32
    %mul3A_262 = vector.broadcast %mul3A_261 : f32 to vector<32x32xf32>
    %mul3A_263 = arith.mulf %dot_general3A_260, %mul3A_262 : vector<32x32xf32>
    %add3A_264 = arith.addf %convert_element_type3A_1, %mul3A_263 : vector<32x32xf32>
    %dot_general3A_265 = arith.constant dense<0.000000e+00> : vector<32x32xf32>
    %dot_general3A_266 = tpu.matmul %add3A_258, %add3A_258, %dot_general3A_265 {dimension_numbers = #tpu.dot_dimension_numbers<[1], [0], [0], [1], [0, 0, 1, 1], [], []>, precision = #tpu.contract_precision<fp32>, transpose_lhs_hint = false} : vector<32x32xf32>, vector<32x32xf32>, vector<32x32xf32> -> vector<32x32xf32>
    %dot_general3A_267 = arith.constant dense<0.000000e+00> : vector<32x32xf32>
    %dot_general3A_268 = tpu.matmul %add3A_264, %add3A_264, %dot_general3A_267 {dimension_numbers = #tpu.dot_dimension_numbers<[1], [0], [0], [1], [0, 0, 1, 1], [], []>, precision = #tpu.contract_precision<fp32>, transpose_lhs_hint = false} : vector<32x32xf32>, vector<32x32xf32>, vector<32x32xf32> -> vector<32x32xf32>
    %dot_general3A_269 = arith.constant dense<0.000000e+00> : vector<32x32xf32>
    %dot_general3A_270 = tpu.matmul %dot_general3A_266, %dot_general3A_266, %dot_general3A_269 {dimension_numbers = #tpu.dot_dimension_numbers<[1], [0], [0], [1], [0, 0, 1, 1], [], []>, precision = #tpu.contract_precision<fp32>, transpose_lhs_hint = false} : vector<32x32xf32>, vector<32x32xf32>, vector<32x32xf32> -> vector<32x32xf32>
    %dot_general3A_271 = arith.constant dense<0.000000e+00> : vector<32x32xf32>
    %dot_general3A_272 = tpu.matmul %dot_general3A_268, %dot_general3A_268, %dot_general3A_271 {dimension_numbers = #tpu.dot_dimension_numbers<[1], [0], [0], [1], [0, 0, 1, 1], [], []>, precision = #tpu.contract_precision<fp32>, transpose_lhs_hint = false} : vector<32x32xf32>, vector<32x32xf32>, vector<32x32xf32> -> vector<32x32xf32>
    %dot_general3A_273 = arith.constant dense<0.000000e+00> : vector<32x32xf32>
    %dot_general3A_274 = tpu.matmul %dot_general3A_270, %dot_general3A_270, %dot_general3A_273 {dimension_numbers = #tpu.dot_dimension_numbers<[1], [0], [0], [1], [0, 0, 1, 1], [], []>, precision = #tpu.contract_precision<fp32>, transpose_lhs_hint = false} : vector<32x32xf32>, vector<32x32xf32>, vector<32x32xf32> -> vector<32x32xf32>
    %dot_general3A_275 = arith.constant dense<0.000000e+00> : vector<32x32xf32>
    %dot_general3A_276 = tpu.matmul %dot_general3A_272, %dot_general3A_272, %dot_general3A_275 {dimension_numbers = #tpu.dot_dimension_numbers<[1], [0], [0], [1], [0, 0, 1, 1], [], []>, precision = #tpu.contract_precision<fp32>, transpose_lhs_hint = false} : vector<32x32xf32>, vector<32x32xf32>, vector<32x32xf32> -> vector<32x32xf32>
    %dot_general3A_277 = arith.constant dense<0.000000e+00> : vector<32x32xf32>
    %dot_general3A_278 = tpu.matmul %dot_general3A_274, %dot_general3A_274, %dot_general3A_277 {dimension_numbers = #tpu.dot_dimension_numbers<[1], [0], [0], [1], [0, 0, 1, 1], [], []>, precision = #tpu.contract_precision<fp32>, transpose_lhs_hint = false} : vector<32x32xf32>, vector<32x32xf32>, vector<32x32xf32> -> vector<32x32xf32>
    %dot_general3A_279 = arith.constant dense<0.000000e+00> : vector<32x32xf32>
    %dot_general3A_280 = tpu.matmul %dot_general3A_276, %dot_general3A_276, %dot_general3A_279 {dimension_numbers = #tpu.dot_dimension_numbers<[1], [0], [0], [1], [0, 0, 1, 1], [], []>, precision = #tpu.contract_precision<fp32>, transpose_lhs_hint = false} : vector<32x32xf32>, vector<32x32xf32>, vector<32x32xf32> -> vector<32x32xf32>
    %swap3A = arith.constant 0 : index
    %swap3A_281 = arith.constant 0 : index
    %swap3A_282 = arith.constant 0 : index
    %swap3A_283 = vector.load %arg2[%swap3A, %swap3A_281, %swap3A_282] : memref<2x32x32xf32, #tpu.memory_space<vmem>>, vector<1x32x32xf32>
    %swap3A_284 = vector.shape_cast %swap3A_283 : vector<1x32x32xf32> to vector<32x32xf32>
    %swap3A_285 = vector.shape_cast %dot_general3A_278 : vector<32x32xf32> to vector<1x32x32xf32>
    tpu.vector_store %arg2[%swap3A, %swap3A_281, %swap3A_282], %swap3A_285 {strides = array<i32>} : memref<2x32x32xf32, #tpu.memory_space<vmem>>, vector<1x32x32xf32>,
    %swap3A_286 = arith.constant 1 : index
    %swap3A_287 = arith.constant 0 : index
    %swap3A_288 = arith.constant 0 : index
    %swap3A_289 = vector.load %arg2[%swap3A_286, %swap3A_287, %swap3A_288] : memref<2x32x32xf32, #tpu.memory_space<vmem>>, vector<1x32x32xf32>
    %swap3A_290 = vector.shape_cast %swap3A_289 : vector<1x32x32xf32> to vector<32x32xf32>
    %swap3A_291 = vector.shape_cast %dot_general3A_280 : vector<32x32xf32> to vector<1x32x32xf32>
    tpu.vector_store %arg2[%swap3A_286, %swap3A_287, %swap3A_288], %swap3A_291 {strides = array<i32>} : memref<2x32x32xf32, #tpu.memory_space<vmem>>, vector<1x32x32xf32>,
    return
  }
}

module attributes {stable_mosaic.version = 14 : i64} {
  func.func @_maps_kernel(%arg0: i32, %arg1: memref<1x1024xi32, #tpu.memory_space<vmem>>, %arg2: memref<2x32x32xf32, #tpu.memory_space<vmem>>, %arg3: memref<1x32x32x1024xf32, #tpu.memory_space<vmem>>) attributes {dimension_semantics = [#tpu.dimension_semantics<arbitrary>], iteration_bounds = array<i64: 2>, scalar_prefetch = 0 : i64, scratch_operands = 0 : i64, tpu.core_type = #tpu.core_type<tc>, window_params = [{transform_indices = @transform_0, window_bounds = array<i64: 1, 1024>}, {pipeline_mode = #tpu.pipeline_mode<synchronous>, transform_indices = @transform_1, window_bounds = array<i64: 2, 32, 32>}, {transform_indices = @transform_2, window_bounds = array<i64: 1, 32, 32, 1024>}]} {
    %get3A = arith.constant 0 : index
    %get3A_0 = arith.constant 0 : index
    %get3A_1 = vector.load %arg1[%get3A, %get3A_0] : memref<1x1024xi32, #tpu.memory_space<vmem>>, vector<1x1024xi32>
    %reshape3A = vector.shape_cast %get3A_1 : vector<1x1024xi32> to vector<1x1x1024xi32>
    %broadcast_in_dim3A = vector.shape_cast %reshape3A : vector<1x1x1024xi32> to vector<1x1x1024xi32>
    %broadcast_in_dim3A_2 = vector.broadcast %broadcast_in_dim3A : vector<1x1x1024xi32> to vector<1x32x1024xi32>
    %reshape3A_3 = vector.shape_cast %broadcast_in_dim3A_2 : vector<1x32x1024xi32> to vector<1x32768xi32>
    %add3A = arith.constant 1 : i32
    %add3A_4 = vector.broadcast %add3A : i32 to vector<1x32768xi32>
    %add3A_5 = arith.addi %reshape3A_3, %add3A_4 : vector<1x32768xi32>
    %convert_element_type3A = arith.sitofp %add3A_5 : vector<1x32768xi32> to vector<1x32768xf32>
    %bitcast_convert_type3A = tpu.bitcast %convert_element_type3A : vector<1x32768xf32> -> vector<1x32768xi32>
    %shift_right_arithmetic3A = arith.constant 23 : i32
    %shift_right_arithmetic3A_6 = vector.broadcast %shift_right_arithmetic3A : i32 to vector<1x32768xi32>
    %shift_right_arithmetic3A_7 = arith.shrsi %bitcast_convert_type3A, %shift_right_arithmetic3A_6 : vector<1x32768xi32>
    %and3A = arith.constant 255 : i32
    %and3A_8 = vector.broadcast %and3A : i32 to vector<1x32768xi32>
    %and3A_9 = arith.andi %shift_right_arithmetic3A_7, %and3A_8 : vector<1x32768xi32>
    %sub3A = arith.constant 127 : i32
    %sub3A_10 = vector.broadcast %sub3A : i32 to vector<1x32768xi32>
    %sub3A_11 = arith.subi %and3A_9, %sub3A_10 : vector<1x32768xi32>
    %iota3A = tpu.iota {dimensions = array<i32: 0>} : vector<16x32768xi32>
    %broadcast_in_dim3A_12 = vector.shape_cast %add3A_5 : vector<1x32768xi32> to vector<1x32768xi32>
    %broadcast_in_dim3A_13 = vector.broadcast %broadcast_in_dim3A_12 : vector<1x32768xi32> to vector<16x32768xi32>
    %broadcast_in_dim3A_14 = vector.shape_cast %sub3A_11 : vector<1x32768xi32> to vector<1x32768xi32>
    %broadcast_in_dim3A_15 = vector.broadcast %broadcast_in_dim3A_14 : vector<1x32768xi32> to vector<16x32768xi32>
    %sub3A_16 = arith.constant 1 : i32
    %sub3A_17 = vector.broadcast %sub3A_16 : i32 to vector<16x32768xi32>
    %sub3A_18 = arith.subi %broadcast_in_dim3A_15, %sub3A_17 : vector<16x32768xi32>
    %sub3A_19 = arith.subi %sub3A_18, %iota3A : vector<16x32768xi32>
    %max3A = arith.constant 0 : i32
    %max3A_20 = vector.broadcast %max3A : i32 to vector<16x32768xi32>
    %max3A_21 = arith.maxsi %sub3A_19, %max3A_20 : vector<16x32768xi32>
    %shift_right_arithmetic3A_22 = arith.shrsi %broadcast_in_dim3A_13, %max3A_21 : vector<16x32768xi32>
    %and3A_23 = arith.constant 1 : i32
    %and3A_24 = vector.broadcast %and3A_23 : i32 to vector<16x32768xi32>
    %and3A_25 = arith.andi %shift_right_arithmetic3A_22, %and3A_24 : vector<16x32768xi32>
    %lt3A = arith.cmpi slt, %iota3A, %broadcast_in_dim3A_15 : vector<16x32768xi32>
    %jit3A = arith.constant 2 : i32
    %broadcast_in_dim3A_26 = vector.broadcast %jit3A : i32 to vector<16x32768xi32>
    %select_n3A = arith.select %lt3A, %and3A_25, %broadcast_in_dim3A_26 : vector<16x32768xi1>, vector<16x32768xi32>
    %get3A_27 = arith.constant 0 : index
    %get3A_28 = arith.constant 0 : index
    %get3A_29 = arith.constant 0 : index
    %get3A_30 = vector.load %arg2[%get3A_27, %get3A_28, %get3A_29] : memref<2x32x32xf32, #tpu.memory_space<vmem>>, vector<2x32x32xf32>
    %reshape3A_31 = vector.shape_cast %get3A_30 : vector<2x32x32xf32> to vector<64x32xf32>
    %convert_element_type3A_32 = arith.truncf %reshape3A_31 : vector<64x32xf32> to vector<64x32xbf16>
    %iota3A_33 = tpu.iota {dimensions = array<i32: 0>} : vector<32x32768xi32>
    %iota3A_34 = tpu.iota {dimensions = array<i32: 1>} : vector<32x32768xi32>
    %shift_right_arithmetic3A_35 = arith.constant 10 : i32
    %shift_right_arithmetic3A_36 = vector.broadcast %shift_right_arithmetic3A_35 : i32 to vector<32x32768xi32>
    %shift_right_arithmetic3A_37 = arith.shrsi %iota3A_34, %shift_right_arithmetic3A_36 : vector<32x32768xi32>
    %eq3A = arith.cmpi eq, %iota3A_33, %shift_right_arithmetic3A_37 : vector<32x32768xi32>
    %convert_element_type3A_38 = arith.extui %eq3A : vector<32x32768xi1> to vector<32x32768xi32>
    %convert_element_type3A_39 = arith.sitofp %convert_element_type3A_38 : vector<32x32768xi32> to vector<32x32768xf32>
    %convert_element_type3A_40 = arith.truncf %convert_element_type3A_39 : vector<32x32768xf32> to vector<32x32768xbf16>
    %dot_general3A = arith.constant dense<0.000000e+00> : vector<64x32768xf32>
    %dot_general3A_41 = tpu.matmul %convert_element_type3A_32, %convert_element_type3A_40, %dot_general3A {dimension_numbers = #tpu.dot_dimension_numbers<[1], [0], [0], [1], [0, 0, 1, 1], [], []>, transpose_lhs_hint = false} : vector<64x32xbf16>, vector<32x32768xbf16>, vector<64x32768xf32> -> vector<64x32768xf32>
    %convert_element_type3A_42 = arith.truncf %dot_general3A_41 : vector<64x32768xf32> to vector<64x32768xbf16>
    %slice3A = vector.extract_strided_slice %select_n3A {offsets = [0, 0], sizes = [1, 32768], strides = [1, 1]} : vector<16x32768xi32> to vector<1x32768xi32>
    %eq3A_43 = arith.constant 0 : i32
    %eq3A_44 = vector.broadcast %eq3A_43 : i32 to vector<1x32768xi32>
    %eq3A_45 = arith.cmpi eq, %slice3A, %eq3A_44 : vector<1x32768xi32>
    %slice3A_46 = vector.extract_strided_slice %convert_element_type3A_42 {offsets = [0, 0], sizes = [32, 32768], strides = [1, 1]} : vector<64x32768xbf16> to vector<32x32768xbf16>
    %eq3A_47 = arith.constant 1 : i32
    %eq3A_48 = vector.broadcast %eq3A_47 : i32 to vector<1x32768xi32>
    %eq3A_49 = arith.cmpi eq, %slice3A, %eq3A_48 : vector<1x32768xi32>
    %slice3A_50 = vector.extract_strided_slice %convert_element_type3A_42 {offsets = [32, 0], sizes = [32, 32768], strides = [1, 1]} : vector<64x32768xbf16> to vector<32x32768xbf16>
    %broadcast_in_dim3A_51 = vector.shape_cast %eq3A_49 : vector<1x32768xi1> to vector<1x32768xi1>
    %broadcast_in_dim3A_52 = vector.broadcast %broadcast_in_dim3A_51 : vector<1x32768xi1> to vector<32x32768xi1>
    %select_n3A_53 = arith.select %broadcast_in_dim3A_52, %slice3A_50, %convert_element_type3A_40 : vector<32x32768xi1>, vector<32x32768xbf16>
    %broadcast_in_dim3A_54 = vector.shape_cast %eq3A_45 : vector<1x32768xi1> to vector<1x32768xi1>
    %broadcast_in_dim3A_55 = vector.broadcast %broadcast_in_dim3A_54 : vector<1x32768xi1> to vector<32x32768xi1>
    %select_n3A_56 = arith.select %broadcast_in_dim3A_55, %slice3A_46, %select_n3A_53 : vector<32x32768xi1>, vector<32x32768xbf16>
    %dot_general3A_57 = arith.constant dense<0.000000e+00> : vector<64x32768xf32>
    %dot_general3A_58 = tpu.matmul %convert_element_type3A_32, %select_n3A_56, %dot_general3A_57 {dimension_numbers = #tpu.dot_dimension_numbers<[1], [0], [0], [1], [0, 0, 1, 1], [], []>, transpose_lhs_hint = false} : vector<64x32xbf16>, vector<32x32768xbf16>, vector<64x32768xf32> -> vector<64x32768xf32>
    %convert_element_type3A_59 = arith.truncf %dot_general3A_58 : vector<64x32768xf32> to vector<64x32768xbf16>
    %slice3A_60 = vector.extract_strided_slice %select_n3A {offsets = [1, 0], sizes = [1, 32768], strides = [1, 1]} : vector<16x32768xi32> to vector<1x32768xi32>
    %eq3A_61 = arith.constant 0 : i32
    %eq3A_62 = vector.broadcast %eq3A_61 : i32 to vector<1x32768xi32>
    %eq3A_63 = arith.cmpi eq, %slice3A_60, %eq3A_62 : vector<1x32768xi32>
    %slice3A_64 = vector.extract_strided_slice %convert_element_type3A_59 {offsets = [0, 0], sizes = [32, 32768], strides = [1, 1]} : vector<64x32768xbf16> to vector<32x32768xbf16>
    %eq3A_65 = arith.constant 1 : i32
    %eq3A_66 = vector.broadcast %eq3A_65 : i32 to vector<1x32768xi32>
    %eq3A_67 = arith.cmpi eq, %slice3A_60, %eq3A_66 : vector<1x32768xi32>
    %slice3A_68 = vector.extract_strided_slice %convert_element_type3A_59 {offsets = [32, 0], sizes = [32, 32768], strides = [1, 1]} : vector<64x32768xbf16> to vector<32x32768xbf16>
    %broadcast_in_dim3A_69 = vector.shape_cast %eq3A_67 : vector<1x32768xi1> to vector<1x32768xi1>
    %broadcast_in_dim3A_70 = vector.broadcast %broadcast_in_dim3A_69 : vector<1x32768xi1> to vector<32x32768xi1>
    %select_n3A_71 = arith.select %broadcast_in_dim3A_70, %slice3A_68, %select_n3A_56 : vector<32x32768xi1>, vector<32x32768xbf16>
    %broadcast_in_dim3A_72 = vector.shape_cast %eq3A_63 : vector<1x32768xi1> to vector<1x32768xi1>
    %broadcast_in_dim3A_73 = vector.broadcast %broadcast_in_dim3A_72 : vector<1x32768xi1> to vector<32x32768xi1>
    %select_n3A_74 = arith.select %broadcast_in_dim3A_73, %slice3A_64, %select_n3A_71 : vector<32x32768xi1>, vector<32x32768xbf16>
    %dot_general3A_75 = arith.constant dense<0.000000e+00> : vector<64x32768xf32>
    %dot_general3A_76 = tpu.matmul %convert_element_type3A_32, %select_n3A_74, %dot_general3A_75 {dimension_numbers = #tpu.dot_dimension_numbers<[1], [0], [0], [1], [0, 0, 1, 1], [], []>, transpose_lhs_hint = false} : vector<64x32xbf16>, vector<32x32768xbf16>, vector<64x32768xf32> -> vector<64x32768xf32>
    %convert_element_type3A_77 = arith.truncf %dot_general3A_76 : vector<64x32768xf32> to vector<64x32768xbf16>
    %slice3A_78 = vector.extract_strided_slice %select_n3A {offsets = [2, 0], sizes = [1, 32768], strides = [1, 1]} : vector<16x32768xi32> to vector<1x32768xi32>
    %eq3A_79 = arith.constant 0 : i32
    %eq3A_80 = vector.broadcast %eq3A_79 : i32 to vector<1x32768xi32>
    %eq3A_81 = arith.cmpi eq, %slice3A_78, %eq3A_80 : vector<1x32768xi32>
    %slice3A_82 = vector.extract_strided_slice %convert_element_type3A_77 {offsets = [0, 0], sizes = [32, 32768], strides = [1, 1]} : vector<64x32768xbf16> to vector<32x32768xbf16>
    %eq3A_83 = arith.constant 1 : i32
    %eq3A_84 = vector.broadcast %eq3A_83 : i32 to vector<1x32768xi32>
    %eq3A_85 = arith.cmpi eq, %slice3A_78, %eq3A_84 : vector<1x32768xi32>
    %slice3A_86 = vector.extract_strided_slice %convert_element_type3A_77 {offsets = [32, 0], sizes = [32, 32768], strides = [1, 1]} : vector<64x32768xbf16> to vector<32x32768xbf16>
    %broadcast_in_dim3A_87 = vector.shape_cast %eq3A_85 : vector<1x32768xi1> to vector<1x32768xi1>
    %broadcast_in_dim3A_88 = vector.broadcast %broadcast_in_dim3A_87 : vector<1x32768xi1> to vector<32x32768xi1>
    %select_n3A_89 = arith.select %broadcast_in_dim3A_88, %slice3A_86, %select_n3A_74 : vector<32x32768xi1>, vector<32x32768xbf16>
    %broadcast_in_dim3A_90 = vector.shape_cast %eq3A_81 : vector<1x32768xi1> to vector<1x32768xi1>
    %broadcast_in_dim3A_91 = vector.broadcast %broadcast_in_dim3A_90 : vector<1x32768xi1> to vector<32x32768xi1>
    %select_n3A_92 = arith.select %broadcast_in_dim3A_91, %slice3A_82, %select_n3A_89 : vector<32x32768xi1>, vector<32x32768xbf16>
    %dot_general3A_93 = arith.constant dense<0.000000e+00> : vector<64x32768xf32>
    %dot_general3A_94 = tpu.matmul %convert_element_type3A_32, %select_n3A_92, %dot_general3A_93 {dimension_numbers = #tpu.dot_dimension_numbers<[1], [0], [0], [1], [0, 0, 1, 1], [], []>, transpose_lhs_hint = false} : vector<64x32xbf16>, vector<32x32768xbf16>, vector<64x32768xf32> -> vector<64x32768xf32>
    %convert_element_type3A_95 = arith.truncf %dot_general3A_94 : vector<64x32768xf32> to vector<64x32768xbf16>
    %slice3A_96 = vector.extract_strided_slice %select_n3A {offsets = [3, 0], sizes = [1, 32768], strides = [1, 1]} : vector<16x32768xi32> to vector<1x32768xi32>
    %eq3A_97 = arith.constant 0 : i32
    %eq3A_98 = vector.broadcast %eq3A_97 : i32 to vector<1x32768xi32>
    %eq3A_99 = arith.cmpi eq, %slice3A_96, %eq3A_98 : vector<1x32768xi32>
    %slice3A_100 = vector.extract_strided_slice %convert_element_type3A_95 {offsets = [0, 0], sizes = [32, 32768], strides = [1, 1]} : vector<64x32768xbf16> to vector<32x32768xbf16>
    %eq3A_101 = arith.constant 1 : i32
    %eq3A_102 = vector.broadcast %eq3A_101 : i32 to vector<1x32768xi32>
    %eq3A_103 = arith.cmpi eq, %slice3A_96, %eq3A_102 : vector<1x32768xi32>
    %slice3A_104 = vector.extract_strided_slice %convert_element_type3A_95 {offsets = [32, 0], sizes = [32, 32768], strides = [1, 1]} : vector<64x32768xbf16> to vector<32x32768xbf16>
    %broadcast_in_dim3A_105 = vector.shape_cast %eq3A_103 : vector<1x32768xi1> to vector<1x32768xi1>
    %broadcast_in_dim3A_106 = vector.broadcast %broadcast_in_dim3A_105 : vector<1x32768xi1> to vector<32x32768xi1>
    %select_n3A_107 = arith.select %broadcast_in_dim3A_106, %slice3A_104, %select_n3A_92 : vector<32x32768xi1>, vector<32x32768xbf16>
    %broadcast_in_dim3A_108 = vector.shape_cast %eq3A_99 : vector<1x32768xi1> to vector<1x32768xi1>
    %broadcast_in_dim3A_109 = vector.broadcast %broadcast_in_dim3A_108 : vector<1x32768xi1> to vector<32x32768xi1>
    %select_n3A_110 = arith.select %broadcast_in_dim3A_109, %slice3A_100, %select_n3A_107 : vector<32x32768xi1>, vector<32x32768xbf16>
    %dot_general3A_111 = arith.constant dense<0.000000e+00> : vector<64x32768xf32>
    %dot_general3A_112 = tpu.matmul %convert_element_type3A_32, %select_n3A_110, %dot_general3A_111 {dimension_numbers = #tpu.dot_dimension_numbers<[1], [0], [0], [1], [0, 0, 1, 1], [], []>, transpose_lhs_hint = false} : vector<64x32xbf16>, vector<32x32768xbf16>, vector<64x32768xf32> -> vector<64x32768xf32>
    %convert_element_type3A_113 = arith.truncf %dot_general3A_112 : vector<64x32768xf32> to vector<64x32768xbf16>
    %slice3A_114 = vector.extract_strided_slice %select_n3A {offsets = [4, 0], sizes = [1, 32768], strides = [1, 1]} : vector<16x32768xi32> to vector<1x32768xi32>
    %eq3A_115 = arith.constant 0 : i32
    %eq3A_116 = vector.broadcast %eq3A_115 : i32 to vector<1x32768xi32>
    %eq3A_117 = arith.cmpi eq, %slice3A_114, %eq3A_116 : vector<1x32768xi32>
    %slice3A_118 = vector.extract_strided_slice %convert_element_type3A_113 {offsets = [0, 0], sizes = [32, 32768], strides = [1, 1]} : vector<64x32768xbf16> to vector<32x32768xbf16>
    %eq3A_119 = arith.constant 1 : i32
    %eq3A_120 = vector.broadcast %eq3A_119 : i32 to vector<1x32768xi32>
    %eq3A_121 = arith.cmpi eq, %slice3A_114, %eq3A_120 : vector<1x32768xi32>
    %slice3A_122 = vector.extract_strided_slice %convert_element_type3A_113 {offsets = [32, 0], sizes = [32, 32768], strides = [1, 1]} : vector<64x32768xbf16> to vector<32x32768xbf16>
    %broadcast_in_dim3A_123 = vector.shape_cast %eq3A_121 : vector<1x32768xi1> to vector<1x32768xi1>
    %broadcast_in_dim3A_124 = vector.broadcast %broadcast_in_dim3A_123 : vector<1x32768xi1> to vector<32x32768xi1>
    %select_n3A_125 = arith.select %broadcast_in_dim3A_124, %slice3A_122, %select_n3A_110 : vector<32x32768xi1>, vector<32x32768xbf16>
    %broadcast_in_dim3A_126 = vector.shape_cast %eq3A_117 : vector<1x32768xi1> to vector<1x32768xi1>
    %broadcast_in_dim3A_127 = vector.broadcast %broadcast_in_dim3A_126 : vector<1x32768xi1> to vector<32x32768xi1>
    %select_n3A_128 = arith.select %broadcast_in_dim3A_127, %slice3A_118, %select_n3A_125 : vector<32x32768xi1>, vector<32x32768xbf16>
    %dot_general3A_129 = arith.constant dense<0.000000e+00> : vector<64x32768xf32>
    %dot_general3A_130 = tpu.matmul %convert_element_type3A_32, %select_n3A_128, %dot_general3A_129 {dimension_numbers = #tpu.dot_dimension_numbers<[1], [0], [0], [1], [0, 0, 1, 1], [], []>, transpose_lhs_hint = false} : vector<64x32xbf16>, vector<32x32768xbf16>, vector<64x32768xf32> -> vector<64x32768xf32>
    %convert_element_type3A_131 = arith.truncf %dot_general3A_130 : vector<64x32768xf32> to vector<64x32768xbf16>
    %slice3A_132 = vector.extract_strided_slice %select_n3A {offsets = [5, 0], sizes = [1, 32768], strides = [1, 1]} : vector<16x32768xi32> to vector<1x32768xi32>
    %eq3A_133 = arith.constant 0 : i32
    %eq3A_134 = vector.broadcast %eq3A_133 : i32 to vector<1x32768xi32>
    %eq3A_135 = arith.cmpi eq, %slice3A_132, %eq3A_134 : vector<1x32768xi32>
    %slice3A_136 = vector.extract_strided_slice %convert_element_type3A_131 {offsets = [0, 0], sizes = [32, 32768], strides = [1, 1]} : vector<64x32768xbf16> to vector<32x32768xbf16>
    %eq3A_137 = arith.constant 1 : i32
    %eq3A_138 = vector.broadcast %eq3A_137 : i32 to vector<1x32768xi32>
    %eq3A_139 = arith.cmpi eq, %slice3A_132, %eq3A_138 : vector<1x32768xi32>
    %slice3A_140 = vector.extract_strided_slice %convert_element_type3A_131 {offsets = [32, 0], sizes = [32, 32768], strides = [1, 1]} : vector<64x32768xbf16> to vector<32x32768xbf16>
    %broadcast_in_dim3A_141 = vector.shape_cast %eq3A_139 : vector<1x32768xi1> to vector<1x32768xi1>
    %broadcast_in_dim3A_142 = vector.broadcast %broadcast_in_dim3A_141 : vector<1x32768xi1> to vector<32x32768xi1>
    %select_n3A_143 = arith.select %broadcast_in_dim3A_142, %slice3A_140, %select_n3A_128 : vector<32x32768xi1>, vector<32x32768xbf16>
    %broadcast_in_dim3A_144 = vector.shape_cast %eq3A_135 : vector<1x32768xi1> to vector<1x32768xi1>
    %broadcast_in_dim3A_145 = vector.broadcast %broadcast_in_dim3A_144 : vector<1x32768xi1> to vector<32x32768xi1>
    %select_n3A_146 = arith.select %broadcast_in_dim3A_145, %slice3A_136, %select_n3A_143 : vector<32x32768xi1>, vector<32x32768xbf16>
    %dot_general3A_147 = arith.constant dense<0.000000e+00> : vector<64x32768xf32>
    %dot_general3A_148 = tpu.matmul %convert_element_type3A_32, %select_n3A_146, %dot_general3A_147 {dimension_numbers = #tpu.dot_dimension_numbers<[1], [0], [0], [1], [0, 0, 1, 1], [], []>, transpose_lhs_hint = false} : vector<64x32xbf16>, vector<32x32768xbf16>, vector<64x32768xf32> -> vector<64x32768xf32>
    %convert_element_type3A_149 = arith.truncf %dot_general3A_148 : vector<64x32768xf32> to vector<64x32768xbf16>
    %slice3A_150 = vector.extract_strided_slice %select_n3A {offsets = [6, 0], sizes = [1, 32768], strides = [1, 1]} : vector<16x32768xi32> to vector<1x32768xi32>
    %eq3A_151 = arith.constant 0 : i32
    %eq3A_152 = vector.broadcast %eq3A_151 : i32 to vector<1x32768xi32>
    %eq3A_153 = arith.cmpi eq, %slice3A_150, %eq3A_152 : vector<1x32768xi32>
    %slice3A_154 = vector.extract_strided_slice %convert_element_type3A_149 {offsets = [0, 0], sizes = [32, 32768], strides = [1, 1]} : vector<64x32768xbf16> to vector<32x32768xbf16>
    %eq3A_155 = arith.constant 1 : i32
    %eq3A_156 = vector.broadcast %eq3A_155 : i32 to vector<1x32768xi32>
    %eq3A_157 = arith.cmpi eq, %slice3A_150, %eq3A_156 : vector<1x32768xi32>
    %slice3A_158 = vector.extract_strided_slice %convert_element_type3A_149 {offsets = [32, 0], sizes = [32, 32768], strides = [1, 1]} : vector<64x32768xbf16> to vector<32x32768xbf16>
    %broadcast_in_dim3A_159 = vector.shape_cast %eq3A_157 : vector<1x32768xi1> to vector<1x32768xi1>
    %broadcast_in_dim3A_160 = vector.broadcast %broadcast_in_dim3A_159 : vector<1x32768xi1> to vector<32x32768xi1>
    %select_n3A_161 = arith.select %broadcast_in_dim3A_160, %slice3A_158, %select_n3A_146 : vector<32x32768xi1>, vector<32x32768xbf16>
    %broadcast_in_dim3A_162 = vector.shape_cast %eq3A_153 : vector<1x32768xi1> to vector<1x32768xi1>
    %broadcast_in_dim3A_163 = vector.broadcast %broadcast_in_dim3A_162 : vector<1x32768xi1> to vector<32x32768xi1>
    %select_n3A_164 = arith.select %broadcast_in_dim3A_163, %slice3A_154, %select_n3A_161 : vector<32x32768xi1>, vector<32x32768xbf16>
    %dot_general3A_165 = arith.constant dense<0.000000e+00> : vector<64x32768xf32>
    %dot_general3A_166 = tpu.matmul %convert_element_type3A_32, %select_n3A_164, %dot_general3A_165 {dimension_numbers = #tpu.dot_dimension_numbers<[1], [0], [0], [1], [0, 0, 1, 1], [], []>, transpose_lhs_hint = false} : vector<64x32xbf16>, vector<32x32768xbf16>, vector<64x32768xf32> -> vector<64x32768xf32>
    %convert_element_type3A_167 = arith.truncf %dot_general3A_166 : vector<64x32768xf32> to vector<64x32768xbf16>
    %slice3A_168 = vector.extract_strided_slice %select_n3A {offsets = [7, 0], sizes = [1, 32768], strides = [1, 1]} : vector<16x32768xi32> to vector<1x32768xi32>
    %eq3A_169 = arith.constant 0 : i32
    %eq3A_170 = vector.broadcast %eq3A_169 : i32 to vector<1x32768xi32>
    %eq3A_171 = arith.cmpi eq, %slice3A_168, %eq3A_170 : vector<1x32768xi32>
    %slice3A_172 = vector.extract_strided_slice %convert_element_type3A_167 {offsets = [0, 0], sizes = [32, 32768], strides = [1, 1]} : vector<64x32768xbf16> to vector<32x32768xbf16>
    %eq3A_173 = arith.constant 1 : i32
    %eq3A_174 = vector.broadcast %eq3A_173 : i32 to vector<1x32768xi32>
    %eq3A_175 = arith.cmpi eq, %slice3A_168, %eq3A_174 : vector<1x32768xi32>
    %slice3A_176 = vector.extract_strided_slice %convert_element_type3A_167 {offsets = [32, 0], sizes = [32, 32768], strides = [1, 1]} : vector<64x32768xbf16> to vector<32x32768xbf16>
    %broadcast_in_dim3A_177 = vector.shape_cast %eq3A_175 : vector<1x32768xi1> to vector<1x32768xi1>
    %broadcast_in_dim3A_178 = vector.broadcast %broadcast_in_dim3A_177 : vector<1x32768xi1> to vector<32x32768xi1>
    %select_n3A_179 = arith.select %broadcast_in_dim3A_178, %slice3A_176, %select_n3A_164 : vector<32x32768xi1>, vector<32x32768xbf16>
    %broadcast_in_dim3A_180 = vector.shape_cast %eq3A_171 : vector<1x32768xi1> to vector<1x32768xi1>
    %broadcast_in_dim3A_181 = vector.broadcast %broadcast_in_dim3A_180 : vector<1x32768xi1> to vector<32x32768xi1>
    %select_n3A_182 = arith.select %broadcast_in_dim3A_181, %slice3A_172, %select_n3A_179 : vector<32x32768xi1>, vector<32x32768xbf16>
    %dot_general3A_183 = arith.constant dense<0.000000e+00> : vector<64x32768xf32>
    %dot_general3A_184 = tpu.matmul %convert_element_type3A_32, %select_n3A_182, %dot_general3A_183 {dimension_numbers = #tpu.dot_dimension_numbers<[1], [0], [0], [1], [0, 0, 1, 1], [], []>, transpose_lhs_hint = false} : vector<64x32xbf16>, vector<32x32768xbf16>, vector<64x32768xf32> -> vector<64x32768xf32>
    %convert_element_type3A_185 = arith.truncf %dot_general3A_184 : vector<64x32768xf32> to vector<64x32768xbf16>
    %slice3A_186 = vector.extract_strided_slice %select_n3A {offsets = [8, 0], sizes = [1, 32768], strides = [1, 1]} : vector<16x32768xi32> to vector<1x32768xi32>
    %eq3A_187 = arith.constant 0 : i32
    %eq3A_188 = vector.broadcast %eq3A_187 : i32 to vector<1x32768xi32>
    %eq3A_189 = arith.cmpi eq, %slice3A_186, %eq3A_188 : vector<1x32768xi32>
    %slice3A_190 = vector.extract_strided_slice %convert_element_type3A_185 {offsets = [0, 0], sizes = [32, 32768], strides = [1, 1]} : vector<64x32768xbf16> to vector<32x32768xbf16>
    %eq3A_191 = arith.constant 1 : i32
    %eq3A_192 = vector.broadcast %eq3A_191 : i32 to vector<1x32768xi32>
    %eq3A_193 = arith.cmpi eq, %slice3A_186, %eq3A_192 : vector<1x32768xi32>
    %slice3A_194 = vector.extract_strided_slice %convert_element_type3A_185 {offsets = [32, 0], sizes = [32, 32768], strides = [1, 1]} : vector<64x32768xbf16> to vector<32x32768xbf16>
    %broadcast_in_dim3A_195 = vector.shape_cast %eq3A_193 : vector<1x32768xi1> to vector<1x32768xi1>
    %broadcast_in_dim3A_196 = vector.broadcast %broadcast_in_dim3A_195 : vector<1x32768xi1> to vector<32x32768xi1>
    %select_n3A_197 = arith.select %broadcast_in_dim3A_196, %slice3A_194, %select_n3A_182 : vector<32x32768xi1>, vector<32x32768xbf16>
    %broadcast_in_dim3A_198 = vector.shape_cast %eq3A_189 : vector<1x32768xi1> to vector<1x32768xi1>
    %broadcast_in_dim3A_199 = vector.broadcast %broadcast_in_dim3A_198 : vector<1x32768xi1> to vector<32x32768xi1>
    %select_n3A_200 = arith.select %broadcast_in_dim3A_199, %slice3A_190, %select_n3A_197 : vector<32x32768xi1>, vector<32x32768xbf16>
    %dot_general3A_201 = arith.constant dense<0.000000e+00> : vector<64x32768xf32>
    %dot_general3A_202 = tpu.matmul %convert_element_type3A_32, %select_n3A_200, %dot_general3A_201 {dimension_numbers = #tpu.dot_dimension_numbers<[1], [0], [0], [1], [0, 0, 1, 1], [], []>, transpose_lhs_hint = false} : vector<64x32xbf16>, vector<32x32768xbf16>, vector<64x32768xf32> -> vector<64x32768xf32>
    %convert_element_type3A_203 = arith.truncf %dot_general3A_202 : vector<64x32768xf32> to vector<64x32768xbf16>
    %slice3A_204 = vector.extract_strided_slice %select_n3A {offsets = [9, 0], sizes = [1, 32768], strides = [1, 1]} : vector<16x32768xi32> to vector<1x32768xi32>
    %eq3A_205 = arith.constant 0 : i32
    %eq3A_206 = vector.broadcast %eq3A_205 : i32 to vector<1x32768xi32>
    %eq3A_207 = arith.cmpi eq, %slice3A_204, %eq3A_206 : vector<1x32768xi32>
    %slice3A_208 = vector.extract_strided_slice %convert_element_type3A_203 {offsets = [0, 0], sizes = [32, 32768], strides = [1, 1]} : vector<64x32768xbf16> to vector<32x32768xbf16>
    %eq3A_209 = arith.constant 1 : i32
    %eq3A_210 = vector.broadcast %eq3A_209 : i32 to vector<1x32768xi32>
    %eq3A_211 = arith.cmpi eq, %slice3A_204, %eq3A_210 : vector<1x32768xi32>
    %slice3A_212 = vector.extract_strided_slice %convert_element_type3A_203 {offsets = [32, 0], sizes = [32, 32768], strides = [1, 1]} : vector<64x32768xbf16> to vector<32x32768xbf16>
    %broadcast_in_dim3A_213 = vector.shape_cast %eq3A_211 : vector<1x32768xi1> to vector<1x32768xi1>
    %broadcast_in_dim3A_214 = vector.broadcast %broadcast_in_dim3A_213 : vector<1x32768xi1> to vector<32x32768xi1>
    %select_n3A_215 = arith.select %broadcast_in_dim3A_214, %slice3A_212, %select_n3A_200 : vector<32x32768xi1>, vector<32x32768xbf16>
    %broadcast_in_dim3A_216 = vector.shape_cast %eq3A_207 : vector<1x32768xi1> to vector<1x32768xi1>
    %broadcast_in_dim3A_217 = vector.broadcast %broadcast_in_dim3A_216 : vector<1x32768xi1> to vector<32x32768xi1>
    %select_n3A_218 = arith.select %broadcast_in_dim3A_217, %slice3A_208, %select_n3A_215 : vector<32x32768xi1>, vector<32x32768xbf16>
    %dot_general3A_219 = arith.constant dense<0.000000e+00> : vector<64x32768xf32>
    %dot_general3A_220 = tpu.matmul %convert_element_type3A_32, %select_n3A_218, %dot_general3A_219 {dimension_numbers = #tpu.dot_dimension_numbers<[1], [0], [0], [1], [0, 0, 1, 1], [], []>, transpose_lhs_hint = false} : vector<64x32xbf16>, vector<32x32768xbf16>, vector<64x32768xf32> -> vector<64x32768xf32>
    %convert_element_type3A_221 = arith.truncf %dot_general3A_220 : vector<64x32768xf32> to vector<64x32768xbf16>
    %slice3A_222 = vector.extract_strided_slice %select_n3A {offsets = [10, 0], sizes = [1, 32768], strides = [1, 1]} : vector<16x32768xi32> to vector<1x32768xi32>
    %eq3A_223 = arith.constant 0 : i32
    %eq3A_224 = vector.broadcast %eq3A_223 : i32 to vector<1x32768xi32>
    %eq3A_225 = arith.cmpi eq, %slice3A_222, %eq3A_224 : vector<1x32768xi32>
    %slice3A_226 = vector.extract_strided_slice %convert_element_type3A_221 {offsets = [0, 0], sizes = [32, 32768], strides = [1, 1]} : vector<64x32768xbf16> to vector<32x32768xbf16>
    %eq3A_227 = arith.constant 1 : i32
    %eq3A_228 = vector.broadcast %eq3A_227 : i32 to vector<1x32768xi32>
    %eq3A_229 = arith.cmpi eq, %slice3A_222, %eq3A_228 : vector<1x32768xi32>
    %slice3A_230 = vector.extract_strided_slice %convert_element_type3A_221 {offsets = [32, 0], sizes = [32, 32768], strides = [1, 1]} : vector<64x32768xbf16> to vector<32x32768xbf16>
    %broadcast_in_dim3A_231 = vector.shape_cast %eq3A_229 : vector<1x32768xi1> to vector<1x32768xi1>
    %broadcast_in_dim3A_232 = vector.broadcast %broadcast_in_dim3A_231 : vector<1x32768xi1> to vector<32x32768xi1>
    %select_n3A_233 = arith.select %broadcast_in_dim3A_232, %slice3A_230, %select_n3A_218 : vector<32x32768xi1>, vector<32x32768xbf16>
    %broadcast_in_dim3A_234 = vector.shape_cast %eq3A_225 : vector<1x32768xi1> to vector<1x32768xi1>
    %broadcast_in_dim3A_235 = vector.broadcast %broadcast_in_dim3A_234 : vector<1x32768xi1> to vector<32x32768xi1>
    %select_n3A_236 = arith.select %broadcast_in_dim3A_235, %slice3A_226, %select_n3A_233 : vector<32x32768xi1>, vector<32x32768xbf16>
    %dot_general3A_237 = arith.constant dense<0.000000e+00> : vector<64x32768xf32>
    %dot_general3A_238 = tpu.matmul %convert_element_type3A_32, %select_n3A_236, %dot_general3A_237 {dimension_numbers = #tpu.dot_dimension_numbers<[1], [0], [0], [1], [0, 0, 1, 1], [], []>, transpose_lhs_hint = false} : vector<64x32xbf16>, vector<32x32768xbf16>, vector<64x32768xf32> -> vector<64x32768xf32>
    %convert_element_type3A_239 = arith.truncf %dot_general3A_238 : vector<64x32768xf32> to vector<64x32768xbf16>
    %slice3A_240 = vector.extract_strided_slice %select_n3A {offsets = [11, 0], sizes = [1, 32768], strides = [1, 1]} : vector<16x32768xi32> to vector<1x32768xi32>
    %eq3A_241 = arith.constant 0 : i32
    %eq3A_242 = vector.broadcast %eq3A_241 : i32 to vector<1x32768xi32>
    %eq3A_243 = arith.cmpi eq, %slice3A_240, %eq3A_242 : vector<1x32768xi32>
    %slice3A_244 = vector.extract_strided_slice %convert_element_type3A_239 {offsets = [0, 0], sizes = [32, 32768], strides = [1, 1]} : vector<64x32768xbf16> to vector<32x32768xbf16>
    %eq3A_245 = arith.constant 1 : i32
    %eq3A_246 = vector.broadcast %eq3A_245 : i32 to vector<1x32768xi32>
    %eq3A_247 = arith.cmpi eq, %slice3A_240, %eq3A_246 : vector<1x32768xi32>
    %slice3A_248 = vector.extract_strided_slice %convert_element_type3A_239 {offsets = [32, 0], sizes = [32, 32768], strides = [1, 1]} : vector<64x32768xbf16> to vector<32x32768xbf16>
    %broadcast_in_dim3A_249 = vector.shape_cast %eq3A_247 : vector<1x32768xi1> to vector<1x32768xi1>
    %broadcast_in_dim3A_250 = vector.broadcast %broadcast_in_dim3A_249 : vector<1x32768xi1> to vector<32x32768xi1>
    %select_n3A_251 = arith.select %broadcast_in_dim3A_250, %slice3A_248, %select_n3A_236 : vector<32x32768xi1>, vector<32x32768xbf16>
    %broadcast_in_dim3A_252 = vector.shape_cast %eq3A_243 : vector<1x32768xi1> to vector<1x32768xi1>
    %broadcast_in_dim3A_253 = vector.broadcast %broadcast_in_dim3A_252 : vector<1x32768xi1> to vector<32x32768xi1>
    %select_n3A_254 = arith.select %broadcast_in_dim3A_253, %slice3A_244, %select_n3A_251 : vector<32x32768xi1>, vector<32x32768xbf16>
    %dot_general3A_255 = arith.constant dense<0.000000e+00> : vector<64x32768xf32>
    %dot_general3A_256 = tpu.matmul %convert_element_type3A_32, %select_n3A_254, %dot_general3A_255 {dimension_numbers = #tpu.dot_dimension_numbers<[1], [0], [0], [1], [0, 0, 1, 1], [], []>, transpose_lhs_hint = false} : vector<64x32xbf16>, vector<32x32768xbf16>, vector<64x32768xf32> -> vector<64x32768xf32>
    %convert_element_type3A_257 = arith.truncf %dot_general3A_256 : vector<64x32768xf32> to vector<64x32768xbf16>
    %slice3A_258 = vector.extract_strided_slice %select_n3A {offsets = [12, 0], sizes = [1, 32768], strides = [1, 1]} : vector<16x32768xi32> to vector<1x32768xi32>
    %eq3A_259 = arith.constant 0 : i32
    %eq3A_260 = vector.broadcast %eq3A_259 : i32 to vector<1x32768xi32>
    %eq3A_261 = arith.cmpi eq, %slice3A_258, %eq3A_260 : vector<1x32768xi32>
    %slice3A_262 = vector.extract_strided_slice %convert_element_type3A_257 {offsets = [0, 0], sizes = [32, 32768], strides = [1, 1]} : vector<64x32768xbf16> to vector<32x32768xbf16>
    %eq3A_263 = arith.constant 1 : i32
    %eq3A_264 = vector.broadcast %eq3A_263 : i32 to vector<1x32768xi32>
    %eq3A_265 = arith.cmpi eq, %slice3A_258, %eq3A_264 : vector<1x32768xi32>
    %slice3A_266 = vector.extract_strided_slice %convert_element_type3A_257 {offsets = [32, 0], sizes = [32, 32768], strides = [1, 1]} : vector<64x32768xbf16> to vector<32x32768xbf16>
    %broadcast_in_dim3A_267 = vector.shape_cast %eq3A_265 : vector<1x32768xi1> to vector<1x32768xi1>
    %broadcast_in_dim3A_268 = vector.broadcast %broadcast_in_dim3A_267 : vector<1x32768xi1> to vector<32x32768xi1>
    %select_n3A_269 = arith.select %broadcast_in_dim3A_268, %slice3A_266, %select_n3A_254 : vector<32x32768xi1>, vector<32x32768xbf16>
    %broadcast_in_dim3A_270 = vector.shape_cast %eq3A_261 : vector<1x32768xi1> to vector<1x32768xi1>
    %broadcast_in_dim3A_271 = vector.broadcast %broadcast_in_dim3A_270 : vector<1x32768xi1> to vector<32x32768xi1>
    %select_n3A_272 = arith.select %broadcast_in_dim3A_271, %slice3A_262, %select_n3A_269 : vector<32x32768xi1>, vector<32x32768xbf16>
    %dot_general3A_273 = arith.constant dense<0.000000e+00> : vector<64x32768xf32>
    %dot_general3A_274 = tpu.matmul %convert_element_type3A_32, %select_n3A_272, %dot_general3A_273 {dimension_numbers = #tpu.dot_dimension_numbers<[1], [0], [0], [1], [0, 0, 1, 1], [], []>, transpose_lhs_hint = false} : vector<64x32xbf16>, vector<32x32768xbf16>, vector<64x32768xf32> -> vector<64x32768xf32>
    %convert_element_type3A_275 = arith.truncf %dot_general3A_274 : vector<64x32768xf32> to vector<64x32768xbf16>
    %slice3A_276 = vector.extract_strided_slice %select_n3A {offsets = [13, 0], sizes = [1, 32768], strides = [1, 1]} : vector<16x32768xi32> to vector<1x32768xi32>
    %eq3A_277 = arith.constant 0 : i32
    %eq3A_278 = vector.broadcast %eq3A_277 : i32 to vector<1x32768xi32>
    %eq3A_279 = arith.cmpi eq, %slice3A_276, %eq3A_278 : vector<1x32768xi32>
    %slice3A_280 = vector.extract_strided_slice %convert_element_type3A_275 {offsets = [0, 0], sizes = [32, 32768], strides = [1, 1]} : vector<64x32768xbf16> to vector<32x32768xbf16>
    %eq3A_281 = arith.constant 1 : i32
    %eq3A_282 = vector.broadcast %eq3A_281 : i32 to vector<1x32768xi32>
    %eq3A_283 = arith.cmpi eq, %slice3A_276, %eq3A_282 : vector<1x32768xi32>
    %slice3A_284 = vector.extract_strided_slice %convert_element_type3A_275 {offsets = [32, 0], sizes = [32, 32768], strides = [1, 1]} : vector<64x32768xbf16> to vector<32x32768xbf16>
    %broadcast_in_dim3A_285 = vector.shape_cast %eq3A_283 : vector<1x32768xi1> to vector<1x32768xi1>
    %broadcast_in_dim3A_286 = vector.broadcast %broadcast_in_dim3A_285 : vector<1x32768xi1> to vector<32x32768xi1>
    %select_n3A_287 = arith.select %broadcast_in_dim3A_286, %slice3A_284, %select_n3A_272 : vector<32x32768xi1>, vector<32x32768xbf16>
    %broadcast_in_dim3A_288 = vector.shape_cast %eq3A_279 : vector<1x32768xi1> to vector<1x32768xi1>
    %broadcast_in_dim3A_289 = vector.broadcast %broadcast_in_dim3A_288 : vector<1x32768xi1> to vector<32x32768xi1>
    %select_n3A_290 = arith.select %broadcast_in_dim3A_289, %slice3A_280, %select_n3A_287 : vector<32x32768xi1>, vector<32x32768xbf16>
    %dot_general3A_291 = arith.constant dense<0.000000e+00> : vector<64x32768xf32>
    %dot_general3A_292 = tpu.matmul %convert_element_type3A_32, %select_n3A_290, %dot_general3A_291 {dimension_numbers = #tpu.dot_dimension_numbers<[1], [0], [0], [1], [0, 0, 1, 1], [], []>, transpose_lhs_hint = false} : vector<64x32xbf16>, vector<32x32768xbf16>, vector<64x32768xf32> -> vector<64x32768xf32>
    %convert_element_type3A_293 = arith.truncf %dot_general3A_292 : vector<64x32768xf32> to vector<64x32768xbf16>
    %slice3A_294 = vector.extract_strided_slice %select_n3A {offsets = [14, 0], sizes = [1, 32768], strides = [1, 1]} : vector<16x32768xi32> to vector<1x32768xi32>
    %eq3A_295 = arith.constant 0 : i32
    %eq3A_296 = vector.broadcast %eq3A_295 : i32 to vector<1x32768xi32>
    %eq3A_297 = arith.cmpi eq, %slice3A_294, %eq3A_296 : vector<1x32768xi32>
    %slice3A_298 = vector.extract_strided_slice %convert_element_type3A_293 {offsets = [0, 0], sizes = [32, 32768], strides = [1, 1]} : vector<64x32768xbf16> to vector<32x32768xbf16>
    %eq3A_299 = arith.constant 1 : i32
    %eq3A_300 = vector.broadcast %eq3A_299 : i32 to vector<1x32768xi32>
    %eq3A_301 = arith.cmpi eq, %slice3A_294, %eq3A_300 : vector<1x32768xi32>
    %slice3A_302 = vector.extract_strided_slice %convert_element_type3A_293 {offsets = [32, 0], sizes = [32, 32768], strides = [1, 1]} : vector<64x32768xbf16> to vector<32x32768xbf16>
    %broadcast_in_dim3A_303 = vector.shape_cast %eq3A_301 : vector<1x32768xi1> to vector<1x32768xi1>
    %broadcast_in_dim3A_304 = vector.broadcast %broadcast_in_dim3A_303 : vector<1x32768xi1> to vector<32x32768xi1>
    %select_n3A_305 = arith.select %broadcast_in_dim3A_304, %slice3A_302, %select_n3A_290 : vector<32x32768xi1>, vector<32x32768xbf16>
    %broadcast_in_dim3A_306 = vector.shape_cast %eq3A_297 : vector<1x32768xi1> to vector<1x32768xi1>
    %broadcast_in_dim3A_307 = vector.broadcast %broadcast_in_dim3A_306 : vector<1x32768xi1> to vector<32x32768xi1>
    %select_n3A_308 = arith.select %broadcast_in_dim3A_307, %slice3A_298, %select_n3A_305 : vector<32x32768xi1>, vector<32x32768xbf16>
    %dot_general3A_309 = arith.constant dense<0.000000e+00> : vector<64x32768xf32>
    %dot_general3A_310 = tpu.matmul %convert_element_type3A_32, %select_n3A_308, %dot_general3A_309 {dimension_numbers = #tpu.dot_dimension_numbers<[1], [0], [0], [1], [0, 0, 1, 1], [], []>, transpose_lhs_hint = false} : vector<64x32xbf16>, vector<32x32768xbf16>, vector<64x32768xf32> -> vector<64x32768xf32>
    %convert_element_type3A_311 = arith.truncf %dot_general3A_310 : vector<64x32768xf32> to vector<64x32768xbf16>
    %slice3A_312 = vector.extract_strided_slice %select_n3A {offsets = [15, 0], sizes = [1, 32768], strides = [1, 1]} : vector<16x32768xi32> to vector<1x32768xi32>
    %eq3A_313 = arith.constant 0 : i32
    %eq3A_314 = vector.broadcast %eq3A_313 : i32 to vector<1x32768xi32>
    %eq3A_315 = arith.cmpi eq, %slice3A_312, %eq3A_314 : vector<1x32768xi32>
    %slice3A_316 = vector.extract_strided_slice %convert_element_type3A_311 {offsets = [0, 0], sizes = [32, 32768], strides = [1, 1]} : vector<64x32768xbf16> to vector<32x32768xbf16>
    %eq3A_317 = arith.constant 1 : i32
    %eq3A_318 = vector.broadcast %eq3A_317 : i32 to vector<1x32768xi32>
    %eq3A_319 = arith.cmpi eq, %slice3A_312, %eq3A_318 : vector<1x32768xi32>
    %slice3A_320 = vector.extract_strided_slice %convert_element_type3A_311 {offsets = [32, 0], sizes = [32, 32768], strides = [1, 1]} : vector<64x32768xbf16> to vector<32x32768xbf16>
    %broadcast_in_dim3A_321 = vector.shape_cast %eq3A_319 : vector<1x32768xi1> to vector<1x32768xi1>
    %broadcast_in_dim3A_322 = vector.broadcast %broadcast_in_dim3A_321 : vector<1x32768xi1> to vector<32x32768xi1>
    %select_n3A_323 = arith.select %broadcast_in_dim3A_322, %slice3A_320, %select_n3A_308 : vector<32x32768xi1>, vector<32x32768xbf16>
    %broadcast_in_dim3A_324 = vector.shape_cast %eq3A_315 : vector<1x32768xi1> to vector<1x32768xi1>
    %broadcast_in_dim3A_325 = vector.broadcast %broadcast_in_dim3A_324 : vector<1x32768xi1> to vector<32x32768xi1>
    %select_n3A_326 = arith.select %broadcast_in_dim3A_325, %slice3A_316, %select_n3A_323 : vector<32x32768xi1>, vector<32x32768xbf16>
    %convert_element_type3A_327 = arith.extf %select_n3A_326 : vector<32x32768xbf16> to vector<32x32768xf32>
    %reshape3A_328 = vector.shape_cast %convert_element_type3A_327 : vector<32x32768xf32> to vector<32x32x1024xf32>
    %transpose3A = tpu.transpose %reshape3A_328, [1, 0, 2] : vector<32x32x1024xf32> -> vector<32x32x1024xf32>
    %reshape3A_329 = vector.shape_cast %transpose3A : vector<32x32x1024xf32> to vector<1x32x32x1024xf32>
    %swap3A = arith.constant 0 : index
    %swap3A_330 = arith.constant 0 : index
    %swap3A_331 = arith.constant 0 : index
    %swap3A_332 = arith.constant 0 : index
    %swap3A_333 = vector.load %arg3[%swap3A, %swap3A_330, %swap3A_331, %swap3A_332] : memref<1x32x32x1024xf32, #tpu.memory_space<vmem>>, vector<1x32x32x1024xf32>
    tpu.vector_store %arg3[%swap3A, %swap3A_330, %swap3A_331, %swap3A_332], %reshape3A_329 {strides = array<i32>} : memref<1x32x32x1024xf32, #tpu.memory_space<vmem>>, vector<1x32x32x1024xf32>,
    return
  }
  func.func @transform_0(%arg0: i32) -> (i32, i32) {
    %c0_i32 = arith.constant 0 : i32
    %c0_i32_0 = arith.constant 0 : i32
    return %c0_i32, %arg0 : i32, i32
  }
  func.func @transform_1(%arg0: i32) -> (i32, i32, i32) {
    %c0_i32 = arith.constant 0 : i32
    %c0_i32_0 = arith.constant 0 : i32
    %c0_i32_1 = arith.constant 0 : i32
    %c0_i32_2 = arith.constant 0 : i32
    return %c0_i32, %c0_i32_0, %c0_i32_1 : i32, i32, i32
  }
  func.func @transform_2(%arg0: i32) -> (i32, i32, i32, i32) {
    %c0_i32 = arith.constant 0 : i32
    %c0_i32_0 = arith.constant 0 : i32
    %c0_i32_1 = arith.constant 0 : i32
    %c0_i32_2 = arith.constant 0 : i32
    return %c0_i32, %c0_i32_0, %c0_i32_1, %arg0 : i32, i32, i32, i32
  }
}

</mosaic_0001>

<sc_bundles>
// kernel: kernel.5.cloned.1.call-start
scs
__scs_entry_jumppad:
0x0: {  	(pc) =	sbr.rel $0x88, $3  }
0x1: {  	(tag) =	ssettag $0x0;
	lr =	simm.s32 $0x1  }
0x2: {  	[smem:$0x3F9F] =	sst lr;
	_ =	strace $0xD0000000  }
0x3: {  	_ = 	snop  }
0x4: {  	_ = 	snop  }
0x5: {  	_ = 	snop  }
0x6: {  	_ = 	snop  }
0x7: {  	_ = 	snop  }
__scs_overlays_trampoline_lowered:
0x8: {  	[smem:$0x3FAE] =	sst s0  }
0x9: {  	[smem:$0x3FAF] =	sst s1  }
0xa: {  	[smem:$0x3FB0] =	sst s2  }
0xb: {  	[smem:$0x3FB1] =	sst s3  }
0xc: {  	[smem:$0x3FB2] =	sst s4  }
0xd: {  	[smem:$0x3FB3] =	sst s5  }
0xe: {  	[smem:$0x3FB4] =	sst s6  }
0xf: {  	[smem:$0x3FB5] =	sst s7  }
0x10: {  	[smem:$0x3FB6] =	sst s8  }
0x11: {  	[smem:$0x3FB7] =	sst s9;
	s0 =	simm.s32 @!p0 $0x0  }
0x12: {  	s1 =	sld [smem:$0x3F9D];
	s0 =	simm.s32 @p0 $0x1  }
0x13: {  	[smem:$0x3FB8] =	sst s0;
	s0 =	simm.s32 @!p1 $0x0  }
0x14: {  	s2 =	sld [smem:$0x3F9C];
	s0 =	simm.s32 @p1 $0x1  }
0x15: {  	[smem:$0x3FB9] =	sst s0;
	s0 =	simm.s32 @!p2 $0x0  }
0x16: {  	s3 =	sld [smem:$0x3FDB];
	s0 =	simm.s32 @p2 $0x1  }
0x17: {  	s4 =	simm.s32 $0x1BF5;
	[smem:$0x3FBB] =	sst s0  }
0x18: {  	s0 =	sld [smem:$0x3F9E];
	_ =	swait.ge [sflag:s4], $0x0  }
0x19: {  	s7 =	sld [smem:$0x3F9F]  }
0x1a: {  	s8 =	sadd.s32 $0xFFFFE003, lr  }
0x1b: {  	s9 =	sadd.s32 $0xFFFFFEF7, lr;
	s5 =	simm.s32 $0xFFFFFFFF;
	p2 =	slt.u32 s8, $0xFFFFF086  }
0x1c: {  	p1 =	slt.u32 s9, $0xF7A;
	s5 =	simm.s32 @!p2 $0x0  }
0x1d: {  	s5 =	simm.s32 @p1 $0x1;
	p0 =	seq.s32 s7, s2  }
0x1e: {  	s7 =	smul.u32 @!p0 $0xF7A, s2;
	p2 =	seq.s32 @!p0 s5, $0x0  }
0x1f: {  	s9 =	smul.u32 $0xF7A, s1;
	s8 =	simm.s32 @!p0 $0x1BF5;
	p2 =	por !p2, p0  }
0x20: {  	[sflag:s8] =	ssyncset.s32 @!p0 $0xFFFFF086;
	s6 =	sadd.s32 @!p0 s3, s7;
	s7 =	simm.s32 @!p0 $0x108  }
0x21: {  	s3 =	sadd.s32 s3, s9;
	s6 =	sadd.s32 @!p0 $0x88, s6;
	s7 =	simm.s32 @p2 $0x1082  }
0x22: {  	[simem:s7], [sflag:s8] =	dma.local @!p0 [hbm:s6], $0xF7A  }
0x23: {  	s9 =	sor.u32 $0xD0000000, s2;
	s6 =	simm.s32 $0x108;
	_ =	swait.ge @!p0 [sflag:s8], $0x0  }
0x24: {  	s3 =	sadd.s32 $0x88, s3;
	s6 =	simm.s32 @!p1 $0x1082;
	[sflag:s4] =	ssyncset.s32 $0xFFFFF086  }
0x25: {  	[simem:s6], [sflag:s4] =	dma.local [hbm:s3], $0xF7A  }
0x26: {  	[smem:$0x3F9F] =	sst s1;
	(tag) =	ssettag s2;
	_ =	strace s9  }
0x27: {  	s1 =	sld [smem:$0x3FAF]  }
0x28: {  	s2 =	sld [smem:$0x3FB0]  }
0x29: {  	s4 =	sld [smem:$0x3FB2]  }
0x2a: {  	p0 =	seq.s32 s5, $0x0;
	s5 =	sld [smem:$0x3FB3]  }
0x2b: {  	s6 =	sld [smem:$0x3FB4]  }
0x2c: {  	s7 =	sld [smem:$0x3FB5]  }
0x2d: {  	s3 =	simm.s32 $0x108;
	s8 =	sld [smem:$0x3FB6]  }
0x2e: {  	s3 =	simm.s32 @!p0 $0x1082;
	s9 =	sld [smem:$0x3FB7]  }
0x2f: {  	lr =	sadd.s32 s0, s3;
	s0 =	sld [smem:$0x3FAE]  }
0x30: {  	s3 =	sld [smem:$0x3FB1]  }
0x31: {  	[smem:$0x3FBA] =	sst s10  }
0x32: {  	s10 =	sld [smem:$0x3FB8];
	_ =	sdelay $0x3  }
0x33: {  	p0 =	seq.s32 s10, $0x1;
	s10 =	sld [smem:$0x3FBA];
	_ =	sdelay $0x3  }
0x34: {  	[smem:$0x3FBA] =	sst s10  }
0x35: {  	s10 =	sld [smem:$0x3FB9];
	_ =	sdelay $0x3  }
0x36: {  	p1 =	seq.s32 s10, $0x1;
	s10 =	sld [smem:$0x3FBA];
	_ =	sdelay $0x3  }
0x37: {  	[smem:$0x3FBA] =	sst s10  }
0x38: {  	s10 =	sld [smem:$0x3FBB]  }
0x39: {  	_ = 	snop;
	(pc) =	sbr.ind lr, $3  }
0x3a: {  	_ = 	snop  }
0x3b: {  	_ = 	snop  }
0x3c: {  	p2 =	seq.s32 s10, $0x1;
	s10 =	sld [smem:$0x3FBA]  }
0x3d: {  	_ =	shalt  }
0x3e: {  	_ =	shalt  }
0x3f: {  	_ =	shalt  }
0x40: {  	_ =	shalt  }
0x41: {  	_ =	shalt  }
0x42: {  	_ =	shalt  }
0x43: {  	_ =	shalt  }
0x44: {  	_ =	shalt  }
0x45: {  	_ =	shalt  }
0x46: {  	_ =	shalt  }
0x47: {  	_ =	shalt  }
0x48: {  	_ =	shalt  }
0x49: {  	_ =	shalt  }
0x4a: {  	_ =	shalt  }
0x4b: {  	_ =	shalt  }
0x4c: {  	_ =	shalt  }
0x4d: {  	_ =	shalt  }
0x4e: {  	_ =	shalt  }
0x4f: {  	_ =	shalt  }
0x50: {  	_ =	shalt  }
0x51: {  	_ =	shalt  }
0x52: {  	_ =	shalt  }
0x53: {  	_ =	shalt  }
0x54: {  	_ =	shalt  }
0x55: {  	_ =	shalt  }
0x56: {  	_ =	shalt  }
0x57: {  	_ =	shalt  }
0x58: {  	_ =	shalt  }
0x59: {  	_ =	shalt  }
0x5a: {  	_ =	shalt  }
0x5b: {  	_ =	shalt  }
0x5c: {  	_ =	shalt  }
0x5d: {  	_ =	shalt  }
0x5e: {  	_ =	shalt  }
0x5f: {  	_ =	shalt  }
0x60: {  	_ =	shalt  }
0x61: {  	_ =	shalt  }
0x62: {  	_ =	shalt  }
0x63: {  	_ =	shalt  }
0x64: {  	_ =	shalt  }
0x65: {  	_ =	shalt  }
0x66: {  	_ =	shalt  }
0x67: {  	_ =	shalt  }
0x68: {  	_ =	shalt  }
0x69: {  	_ =	shalt  }
0x6a: {  	_ =	shalt  }
0x6b: {  	_ =	shalt  }
0x6c: {  	_ =	shalt  }
0x6d: {  	_ =	shalt  }
0x6e: {  	_ =	shalt  }
0x6f: {  	_ =	shalt  }
0x70: {  	_ =	shalt  }
0x71: {  	_ =	shalt  }
0x72: {  	_ =	shalt  }
0x73: {  	_ =	shalt  }
0x74: {  	_ =	shalt  }
0x75: {  	_ =	shalt  }
0x76: {  	_ =	shalt  }
0x77: {  	_ =	shalt  }
0x78: {  	_ =	shalt  }
0x79: {  	_ =	shalt  }
0x7a: {  	_ =	shalt  }
0x7b: {  	_ =	shalt  }
0x7c: {  	_ =	shalt  }
0x7d: {  	_ =	shalt  }
0x7e: {  	_ =	shalt  }
0x7f: {  	_ =	shalt  }
0x80: {  	_ =	shalt  }
0x81: {  	_ =	shalt  }
0x82: {  	_ =	shalt  }
0x83: {  	_ =	shalt  }
0x84: {  	_ =	shalt  }
0x85: {  	_ =	shalt  }
0x86: {  	_ =	shalt  }
0x87: {  	_ =	shalt  }
.Lfunc_end0:
.L_simem_size_0:
called_computation_lowered:
.L_overlay_start_0:
0x88: {  	s2 =	sld [smem:$0x3FD9]  }
0x89: {  	s3 =	sld [smem:$0x3FFE];
	_ =	sdelay $0x1  }
0x8a: {  	s1 =	srdreg.scid  }
0x8b: {  	s0 =	sand.u32 $0x1, s1  }
0x8c: {  	s15 =	sshll.u32 s0, $0xA;
	s2 =	sadd.s32 s3, s2  }
0x8d: {  	s2 =	sadd.s32 s2, s15  }
0x8e: {  	[smem:$0x3FC6] =	sst s2  }
0x8f: {  	_ = 	snop  }
0x90: {  	s2 =	sld [smem:$0x3FD0];
	_ =	sdelay $0x2  }
0x91: {  	s4 =	simm.s32 $0xA;
	s5 =	simm.s32 $0x10;
	s16 =	sld [smem:$0x3FC8]  }
0x92: {  	[smem:s5], [sflag:s4] =	dma.local [hbm:s2], $0x1  }
0x93: {  	_ =	swait.eq [sflag:s4], $0x1  }
0x94: {  	[sflag:s4] =	ssyncset.done $0x0  }
0x95: {  	[sflag:s4] =	ssyncadd.s32 $0xFFFFFFFF  }
0x96: {  	s17 =	sld [smem:$0x11];
	(tm) =	ssettm $0x1  }
0x97: {  	s18 =	sld [smem:$0x3FFB];
	_ =	sdelay $0x3  }
0x98: {  	_ =	strace s18  }
0x99: {  	s4 =	sld [smem:$0x3FFC];
	_ =	sdelay $0x3  }
0x9a: {  	_ =	strace s4  }
0x9b: {  	s4 =	sld [smem:$0x3FFD];
	_ =	sdelay $0x3  }
0x9c: {  	_ =	strace s4  }
0x9d: {  	_ =	strace $0x8FFFFFFF  }
0x9e: {  	s19 =	sld [smem:$0x3FDB];
	_ =	sdelay $0x1  }
0x9f: {  	s20 =	simm.s32 $_scs_section_size  }
0xa0: {  	s6 =	simm.s32 $_size__tile_overlayer_lowered;
	s7 =	simm.s32 $_tile_overlayer_lowered  }
0xa1: {  	s23 =	simm.s32 $0x1BFF;
	s22 =	sshll.u32 s7, $0x1;
	s4 =	sadd.s32 s20, s19  }
0xa2: {  	s8 =	simm.s32 $0x0;
	s21 =	sshll.u32 s6, $0x1;
	s6 =	sadd.s32 s22, s4  }
0xa3: {  	[timem:s8], [sflag:s23] =	dma.local [hbm:s6], s21  }
0xa4: {  	_ =	swait.ge [sflag:s23], s21  }
0xa5: {  	s5 =	ssub.s32 $0x0, s21;
	[sflag:s23] =	ssyncset.done $0x0  }
0xa6: {  	[sflag:s23] =	ssyncadd.s32 s5;
	_ =	sdelay $0x1  }
0xa7: {  	s24 =	simm.s32 $0x1B8B  }
0xa8: {  	_ =	swait.ge [sflag:s24], $0x1  }
0xa9: {  	[sflag:s24] =	ssyncset.done $0x0  }
0xaa: {  	s25 =	simm.s32 $0x1B8E;
	[sflag:s24] =	ssyncadd.s32 $0xFFFFFFFF  }
0xab: {  	s26 =	simm.s32 $execute0_lowered;
	[smem:$0x3FD2] =	sst s25  }
0xac: {  	s5 =	sshll.u32 s26, $0x1;
	_ =	strace $0x80000046;
	[dreg:$0x1] =	wrdreg $0xFFFFFFFF  }
0xad: {  	s28 =	simm.s32 $_size_execute0_lowered;
	s4 =	sadd.s32 s4, s5;
	[dreg:$0x0] =	wrdreg $0x0  }
0xae: {  	s5 =	sshll.u32 s28, $0x1;
	[dreg:$0x2] =	wrdreg s4  }
0xaf: {  	[dreg:$0x3] =	wrdreg s5  }
0xb0: {  	[dreg:$0x4] =	wrdreg $0xC0  }
0xb1: {  	_ =	task [dreg:s8], $0x5FFFF  }
0xb2: {  	[dreg:$0x1] =	wrdreg $0xFFFFFFFF  }
0xb3: {  	[dreg:$0x0] =	wrdreg $0x60  }
0xb4: {  	[dreg:$0x2] =	wrdreg s16  }
0xb5: {  	[dreg:$0x3] =	wrdreg s17  }
0xb6: {  	[dreg:$0x4] =	wrdreg $0x9  }
0xb7: {  	_ =	task.clear_ibuf [dreg:s8], $0x5FFFF;
	_ =	strace $0x90000046  }
0xb8: {  	s29 =	simm.s32 $0x9;
	_ =	strace $0x80000048  }
0xb9: {  	_ =	swait.ge [sflag:s29], $0x1  }
0xba: {  	[sflag:s29] =	ssyncadd.s32 $0xFFFFFFFF  }
0xbb: {  	_ =	strace $0x90000048  }
0xbc: {  	_ =	sfence  }
0xbd: {  	s30 =	sld [smem:$0x0];
	_ =	sdelay $0x2  }
0xbe: {  	s31 =	sshll.u32 s1, $0xD;
	s1 =	sshrl.u32 s1, $0x2  }
0xbf: {  	s3 =	sand.u32 $0x4000, s31;
	s1 =	sadd.s32 s1, s30  }
0xc0: {  	s0 =	sor.u32 s3, s0;
	s1 =	sshll.u32 s1, $0x11  }
0xc1: {  	s0 =	sor.u32 s1, s0  }
0xc2: {  	s0 =	sadd.s32 $0x8F2B, s0  }
0xc3: {  	[sflag:s0] =	ssyncadd.remote.s32 $0x1  }
0xc4: {  	_ =	sfence.sel $0xFFFF  }
0xc5: {  	[dreg:$0x0] =	wrdreg $0xFFFFFFFF;
	(pc) =	sbr.abs _section_cstart, $3  }
0xc6: {  	[dreg:$0x1] =	wrdreg $0xFFFFFFFF  }
0xc7: {  	_ =	task.clear_ibuf [dreg:s8], $0x2FFFF;
	_ =	strace $0x9FFFFFFF  }
0xc8: {  	(tm) =	ssettm $0x7FFFFFFF  }
0xc9: {  	_ =	shalt  }
tec
execute0_lowered:
.L_overlay_start_1:
0x0: {  	(tag) =	ssettag $0x1  }
0x1: {  	v0 =	vimm.s32 $0xFEDCBA98  }
0x2: {  	v1 =	vimm.s32 $0x76543210;
	v2 =	vimm.s32 $0x3210FEDC;
	v3 =	vimm.s32 $0xBA987654  }
0x3: {  	v4 =	vimm.s32 $0x10FEDCBA;
	v5 =	vimm.s32 $0x98765432;
	v6 =	vimm.s32 $0xFEDCBA9  }
0x4: {  	v7 =	vimm.s32 $0x87654321;
	v0 =	vunpack.c.l.s4.s8 v0;
	v1 =	vunpack.c.l.s4.s8 v1  }
0x5: {  	s0 =	rddreg [dreg:$0x0];
	v2 =	vunpack.c.l.s4.s8 v2;
	v3 =	vunpack.c.l.s4.s8 v3;
	v4 =	vunpack.c.l.s4.s8 v4  }
0x6: {  	s1 =	srdreg.scid;
	s2 =	rddreg [dreg:$0x1];
	s3 =	simm.s32 $0x0;
	v5 =	vunpack.c.l.s4.s8 v5;
	v6 =	vunpack.c.l.s4.s8 v6;
	v7 =	vunpack.c.l.s4.s8 v7  }
0x7: {  	s4 =	stileid.u32;
	s8 =	simm.s32 $0x2000;
	s5 =	sand.u32 $0x1, s1;
	v0 =	vunpack.c.0.s8.s32 v0;
	v1 =	vunpack.c.0.s8.s32 v1;
	v2 =	vunpack.c.0.s8.s32 v2  }
0x8: {  	s9 =	simm.s32 $0x0;
	s1 =	rddreg [dreg:$0x2];
	s6 =	ssub.s32 $0x2, s5;
	v3 =	vunpack.c.0.s8.s32 v3;
	v4 =	vunpack.c.0.s8.s32 v4;
	v5 =	vunpack.c.0.s8.s32 v5  }
0x9: {  	s31 =	sshll.u32 s4, $0x7;
	s5 =	sshll.u32 s5, $0x6;
	s7 =	sshrl.u32 s6, $0x1;
	v6 =	vunpack.c.0.s8.s32 v6;
	v7 =	vunpack.c.0.s8.s32 v7;
	v0 =	vand.u32 $0xF, v0  }
0xa: {  	[smem:$0x7FF] =	sst s3;
	s5 =	sor.u32 s5, s31;
	s6 =	ssub.s32 s6, s7;
	v0 =	vcombine.low v0, v1;
	v1 =	vcombine.low v3, v2  }
0xb: {  	_ =	strace $0x80000047;
	s7 =	simm.s32 $0x1;
	s6 =	smax.u32 s6, $0x1;
	v2 =	vcombine.low v5, v4;
	v3 =	vcombine.low v7, v6;
	v4 =	vmov s5  }
.LBB2_1:
0xc: {  	[tilespmem:s3], [sflag:$0x1] =	stream.linear.gather [hbm4b:s0+s3], $0x800, $0x38;
	[tilespmem:$0xA000] =	vst v63  }
0xd: {  	_ =	swait.ge [sflag:s7], $0x800  }
0xe: {  	[sflag:s7] =	ssyncset.done $0x0  }
0xf: {  	s11 =	simm.s32 $0x0;
	[sflag:s7] =	ssyncadd.s32 $0xFFFFF800  }
0x10: {  	v5 =	vld [tilespmem:s11+$0x0];
	_ =	sdelay $0x4  }
0x11: {  	v6 =	vadd.s32 $0x1, v5  }
0x12: {  	s10 =	simm.s32 $0x10;
	[tilespmem:s11+$0x0] =	vst v6;
	v8 =	vcvt.s32.f32 v6  }
0x13: {  	s12 =	simm.s32 $0x80;
	s13 =	simm.s32 $0xC0;
	v5 =	vimm.s32 $0x0;
	v7 =	vld [tilespmem:s10+$0x0]  }
.LBB2_2:
0x14: {  	p0 =	sne.s32 s13, $0x1FC0;
	v8 =	vshrl.u32 v8, $0x17  }
0x15: {  	v8 =	vand.u32 $0xFF, v8  }
.Ltmp0:
0x16: {  	v9 =	vadd.s32 $0xFFFFFF81, v8;
	v8 =	vsub.s32 $0x8F, v8;
	(pc) =	sbr.rel @p0 .LBB2_2-.Ltmp0, $4  }
0x17: {  	v8 =	vshll.u32 v6, v8;
	[tilespmem:s11+$0x1000] =	vst v9;
	vm0 =	vgt.s32 v5, v9  }
0x18: {  	v6 =	vadd.s32 $0x1, v7;
	[tilespmem:s11+$0x800] =	vst v8;
	v5 =	vsel vm0, v5, v9;
	s11 =	smov.u32 s10  }
0x19: {  	s10 =	sshra.s32 s12, $0x2;
	s12 =	smov.u32 s13;
	v8 =	vcvt.s32.f32 v6;
	[tilespmem:s11+$0x0] =	vst v6  }
0x1a: {  	s13 =	sadd.s32 $0x40, s13;
	v7 =	vld [tilespmem:s10+$0x0]  }
0x1b: {  	v8 =	vshrl.u32 v8, $0x17  }
0x1c: {  	v8 =	vand.u32 $0xFF, v8  }
0x1d: {  	v9 =	vadd.s32 $0xFFFFFF81, v8;
	v8 =	vsub.s32 $0x8F, v8  }
0x1e: {  	v6 =	vshll.u32 v6, v8;
	[tilespmem:s11+$0x1000] =	vst v9  }
0x1f: {  	v7 =	vadd.s32 $0x1, v7;
	[tilespmem:s11+$0x800] =	vst v6  }
0x20: {  	s31 =	sshra.s32 s12, $0x2;
	[tilespmem:s10+$0x0] =	vst v7  }
0x21: {  	v6 =	vld [tilespmem:s31+$0x0];
	_ =	sdelay $0x3  }
0x22: {  	v8 =	vcvt.s32.f32 v7  }
0x23: {  	v6 =	vadd.s32 $0x1, v6  }
0x24: {  	v8 =	vshrl.u32 v8, $0x17;
	v10 =	vcvt.s32.f32 v6  }
0x25: {  	vm0 =	vgt.s32 v5, v9;
	v8 =	vand.u32 $0xFF, v8  }
0x26: {  	v5 =	vsel vm0, v5, v9;
	v63 =	vadd.s32 $0xFFFFFF81, v8;
	v10 =	vshrl.u32 v10, $0x17  }
0x27: {  	vm0 =	vgt.s32 v5, v63;
	v10 =	vand.u32 $0xFF, v10  }
0x28: {  	v5 =	vsel vm0, v5, v63;
	v11 =	vadd.s32 $0xFFFFFF81, v10  }
0x29: {  	vm0 =	vgt.s32 v5, v11  }
0x2a: {  	v5 =	vsel vm0, v5, v11  }
0x2b: {  	v12 =	vperm.xlane v5, v0;
	_ =	sdelay $0x1  }
0x2c: {  	vm0 =	vgt.s32 v5, v12  }
0x2d: {  	v5 =	vsel vm0, v5, v12  }
0x2e: {  	v12 =	vperm.xlane v5, v1;
	_ =	sdelay $0x1  }
0x2f: {  	vm0 =	vgt.s32 v5, v12  }
0x30: {  	v5 =	vsel vm0, v5, v12  }
0x31: {  	v12 =	vperm.xlane v5, v2;
	_ =	sdelay $0x1  }
0x32: {  	v8 =	vsub.s32 $0x8F, v8;
	vm0 =	vgt.s32 v5, v12  }
0x33: {  	v7 =	vshll.u32 v7, v8;
	[tilespmem:s10+$0x1000] =	vst v63;
	v5 =	vsel vm0, v5, v12  }
0x34: {  	[tilespmem:s10+$0x800] =	vst v7;
	v8 =	vperm.xlane v5, v3  }
0x35: {  	[tilespmem:s31+$0x0] =	vst v6;
	v7 =	vsub.s32 $0x8F, v10  }
0x36: {  	v6 =	vshll.u32 v6, v7;
	[tilespmem:s31+$0x1000] =	vst v11;
	vm0 =	vgt.s32 v5, v8  }
0x37: {  	s11 =	simm.s32 $0x0;
	[tilespmem:s31+$0x800] =	vst v6;
	v5 =	vsel vm0, v5, v8  }
0x38: {  	v6 =	vld [tilespmem:s11+$0x1000];
	vm0 =	vgt.s32 v5, $0x1  }
0x39: {  	s12 =	simm.s32 $0x40;
	s10 =	simm.s32 $0x0;
	v5 =	vnsel vm0, $0x1, v5  }
.LBB2_4:
0x3a: {  	p0 =	sne.s32 s12, $0x1FC0  }
.Ltmp1:
0x3b: {  	_ = 	snop;
	(pc) =	sbr.rel @p0 .LBB2_4-.Ltmp1, $4  }
0x3c: {  	_ = 	snop  }
0x3d: {  	s13 =	sshra.s32 s12, $0x2;
	s12 =	sadd.s32 $0x40, s12;
	vm0 =	vlt.s32 v6, v5  }
0x3e: {  	v7 =	vsel vm0, v6, v5;
	v6 =	vld [tilespmem:s13+$0x1000]  }
0x3f: {  	[tilespmem:s11+$0x1800] =	vst v7;
	s11 =	smov.u32 s13  }
0x40: {  	_ =	sdelay $0x2  }
0x41: {  	vm0 =	vlt.s32 v6, v5  }
0x42: {  	v6 =	vsel vm0, v6, v5  }
0x43: {  	[tilespmem:s11+$0x1800] =	vst v6  }
.LBB2_6:
0x44: {  	_ =	sdelay $0x2  }
0x45: {  	s11 =	sshll.u32 s10, $0x4  }
0x46: {  	v6 =	vld.idx.msk [tilespmem:v4+s11+$0x0 ss:$0x1], $0xffff  }
0x47: {  	v7 =	vld.idx.msk [tilespmem:v4+s11+$0x800 ss:$0x1], $0xffff  }
0x48: {  	v8 =	vld.idx.msk [tilespmem:v4+s11+$0x1800 ss:$0x1], $0xffff;
	_ =	sdelay $0x3  }
0x49: {  	v9 =	vbroadcast v6, $0x0  }
0x4a: {  	v10 =	vbroadcast v7, $0x0;
	v11 =	vbroadcast v8, $0x0  }
0x4b: {  	v12 =	vbroadcast v6, $0x1;
	v13 =	vbroadcast v7, $0x1  }
0x4c: {  	v16 =	vbroadcast v8, $0x1;
	v17 =	vbroadcast v6, $0x2  }
0x4d: {  	v18 =	vbroadcast v7, $0x2;
	v19 =	vbroadcast v8, $0x2  }
0x4e: {  	v20 =	vbroadcast v6, $0x3;
	v21 =	vbroadcast v7, $0x3  }
0x4f: {  	s12 =	simm.s32 $0x0;
	v22 =	vbroadcast v8, $0x3;
	v23 =	vbroadcast v6, $0x4  }
0x50: {  	s13 =	simm.s32 $0x800;
	v14 =	vld [tilespmem:s12+$0x0];
	v24 =	vbroadcast v7, $0x4;
	v25 =	vbroadcast v8, $0x4  }
0x51: {  	v34 =	vld [tilespmem:s13+$0x0];
	v26 =	vbroadcast v6, $0x5;
	v27 =	vbroadcast v7, $0x5  }
0x52: {  	v28 =	vbroadcast v8, $0x5;
	v29 =	vbroadcast v6, $0x6  }
0x53: {  	s16 =	sand.u32 $0x60, s12;
	v30 =	vbroadcast v7, $0x6;
	v31 =	vbroadcast v8, $0x6  }
0x54: {  	s17 =	sand.u32 $0x780, s12;
	s15 =	sor.u32 $0x10, s16;
	v15 =	vbroadcast v6, $0x7;
	v32 =	vbroadcast v7, $0x7  }
0x55: {  	s17 =	sor.u32 s17, s15;
	v33 =	vbroadcast v8, $0x7;
	vm3 =	veq.s32 v14, v9;
	vm4 =	veq.s32 v14, v12  }
0x56: {  	v45 =	vld [tilespmem:s17+$0x800];
	v35 =	vxor.u32 v10, v34;
	v36 =	vxor.u32 v13, v34;
	v37 =	vxor.u32 v18, v34  }
0x57: {  	v38 =	vxor.u32 v21, v34;
	v39 =	vxor.u32 v24, v34;
	v35 =	vcvt.s32.f32 v35  }
0x58: {  	v40 =	vxor.u32 v27, v34;
	v36 =	vcvt.s32.f32 v36;
	v37 =	vcvt.s32.f32 v37  }
0x59: {  	v41 =	vxor.u32 v30, v34;
	v38 =	vcvt.s32.f32 v38;
	v39 =	vcvt.s32.f32 v39  }
0x5a: {  	v34 =	vxor.u32 v32, v34;
	v40 =	vcvt.s32.f32 v40;
	v41 =	vcvt.s32.f32 v41  }
0x5b: {  	v34 =	vcvt.s32.f32 v34;
	v54 =	vxor.u32 v10, v45;
	v55 =	vxor.u32 v13, v45  }
0x5c: {  	v56 =	vxor.u32 v18, v45;
	v57 =	vxor.u32 v21, v45;
	v48 =	vxor.u32 v24, v45  }
0x5d: {  	v58 =	vxor.u32 v27, v45;
	v50 =	vxor.u32 v30, v45;
	v49 =	vcvt.s32.f32 v54  }
0x5e: {  	v45 =	vxor.u32 v32, v45;
	v48 =	vcvt.s32.f32 v48;
	v51 =	vcvt.s32.f32 v58  }
0x5f: {  	vm0 =	veq.s32 v14, v17;
	v59 =	vcvt.s32.f32 v50;
	v60 =	vcvt.s32.f32 v45  }
0x60: {  	v35 =	vshra.s32 v35, $0x17;
	v36 =	vshra.s32 v36, $0x17;
	v37 =	vshra.s32 v37, $0x17  }
0x61: {  	v38 =	vshra.s32 v38, $0x17;
	v39 =	vshra.s32 v39, $0x17;
	v40 =	vshra.s32 v40, $0x17  }
0x62: {  	v41 =	vshra.s32 v41, $0x17;
	v34 =	vshra.s32 v34, $0x17;
	v35 =	vsub.s32 $0x8E, v35  }
0x63: {  	v36 =	vsub.s32 $0x8E, v36;
	v37 =	vsub.s32 $0x8E, v37;
	v38 =	vsub.s32 $0x8E, v38  }
0x64: {  	v39 =	vsub.s32 $0x8E, v39;
	v40 =	vsub.s32 $0x8E, v40;
	v41 =	vsub.s32 $0x8E, v41  }
0x65: {  	v34 =	vsub.s32 $0x8E, v34;
	v61 =	vshra.s32 v49, $0x17;
	v48 =	vshra.s32 v48, $0x17  }
0x66: {  	s14 =	simm.s32 $0x1800;
	v62 =	vshra.s32 v51, $0x17;
	vm1 =	vlt.s32 v35, v11;
	vm2 =	vlt.s32 v36, v16  }
0x67: {  	v42 =	vld [tilespmem:s14+$0x0];
	v45 =	vsub.s32 $0x8E, v61;
	v48 =	vsub.s32 $0x8E, v48;
	v49 =	vsub.s32 $0x8E, v62  }
0x68: {  	v35 =	vsel vm1, v35, v11;
	vm1 =	vlt.s32 v37, v19;
	v36 =	vsel vm2, v36, v16  }
0x69: {  	vm2 =	vlt.s32 v38, v22;
	v37 =	vsel vm1, v37, v19;
	vm1 =	vlt.s32 v39, v25  }
0x6a: {  	v38 =	vsel vm2, v38, v22;
	vm2 =	vlt.s32 v40, v28;
	v43 =	vsel vm1, v39, v25  }
0x6b: {  	vm1 =	vlt.s32 v41, v31;
	v40 =	vsel vm2, v40, v28;
	vm2 =	vlt.s32 v34, v33  }
0x6c: {  	v41 =	vsel vm1, v41, v31;
	vm1 =	vlt.s32 v35, v42;
	v44 =	vsel vm2, v34, v33  }
0x6d: {  	vm2 =	vlt.s32 v36, v42;
	v46 =	vsel vm1, v35, v42;
	vm1 =	vlt.s32 v37, v42  }
0x6e: {  	v47 =	vsel vm2, v36, v42;
	vm2 =	vlt.s32 v38, v42;
	v39 =	vsel vm1, v37, v42  }
0x6f: {  	vm1 =	vlt.s32 v43, v42;
	v38 =	vsel vm2, v38, v42;
	vm2 =	vlt.s32 v40, v42  }
0x70: {  	v46 =	vsub.s32 v5, v46;
	v61 =	vsub.s32 v5, v47;
	v37 =	vsel vm1, v43, v42  }
0x71: {  	vm1 =	vlt.s32 v41, v42;
	v36 =	vsel vm2, v40, v42;
	vm2 =	vlt.s32 v44, v42  }
0x72: {  	v40 =	vcvt.s32.f32 v55;
	v43 =	vcvt.s32.f32 v57;
	v62 =	vshll.u32 v61, $0x1  }
0x73: {  	v38 =	vsub.s32 v5, v38;
	v34 =	vsel vm1, v41, v42;
	v41 =	vcvt.s32.f32 v56  }
0x74: {  	v35 =	vsel vm2, v44, v42;
	v42 =	vshra.s32 v59, $0x17;
	v44 =	vshra.s32 v60, $0x17  }
0x75: {  	vm1 =	vlt.s32 v45, v11;
	v60 =	vshll.u32 v46, $0x1;
	v40 =	vshra.s32 v40, $0x17  }
0x76: {  	v43 =	vshra.s32 v43, $0x17;
	v42 =	vsub.s32 $0x8E, v42;
	v44 =	vsub.s32 $0x8E, v44  }
0x77: {  	v45 =	vsel vm1, v45, v11;
	v41 =	vshra.s32 v41, $0x17;
	v40 =	vsub.s32 $0x8E, v40  }
0x78: {  	v63 =	vld [tilespmem:s17+$0x1800];
	v43 =	vsub.s32 $0x8E, v43;
	v41 =	vsub.s32 $0x8E, v41;
	vm2 =	vlt.s32 v40, v16  }
0x79: {  	vm1 =	vlt.s32 v41, v19;
	v40 =	vsel vm2, v40, v16;
	vm2 =	vlt.s32 v43, v22  }
0x7a: {  	v41 =	vsel vm1, v41, v19;
	vm1 =	vlt.s32 v48, v25;
	v43 =	vsel vm2, v43, v22  }
0x7b: {  	vm2 =	vlt.s32 v49, v28;
	v48 =	vsel vm1, v48, v25;
	vm1 =	vlt.s32 v42, v31  }
0x7c: {  	v49 =	vsel vm2, v49, v28;
	vm2 =	vlt.s32 v44, v33;
	v42 =	vsel vm1, v42, v31  }
0x7d: {  	vm1 =	vlt.s32 v45, v63;
	v44 =	vsel vm2, v44, v33;
	vm2 =	vlt.s32 v40, v63  }
0x7e: {  	v45 =	vsel vm1, v45, v63;
	vm1 =	vlt.s32 v41, v63;
	v40 =	vsel vm2, v40, v63  }
0x7f: {  	v54 =	vld [tilespmem:s17+$0x0];
	vm2 =	vlt.s32 v43, v63;
	v41 =	vsel vm1, v41, v63;
	vm1 =	vlt.s32 v48, v63  }
0x80: {  	v43 =	vsel vm2, v43, v63;
	vm2 =	vlt.s32 v49, v63;
	v45 =	vsub.s32 v5, v45  }
0x81: {  	v40 =	vsub.s32 v5, v40;
	v48 =	vsel vm1, v48, v63;
	vm1 =	vlt.s32 v42, v63  }
0x82: {  	v49 =	vsel vm2, v49, v63;
	vm2 =	vlt.s32 v44, v63;
	v45 =	vshll.u32 v45, $0x1  }
0x83: {  	v40 =	vshll.u32 v40, $0x1;
	v41 =	vsub.s32 v5, v41;
	v43 =	vsub.s32 v5, v43  }
0x84: {  	s31 =	sand.u32 $0x3C00, s12;
	v42 =	vsel vm1, v42, v63;
	vm1 =	veq.s32 v54, v9;
	v44 =	vsel vm2, v44, v63  }
0x85: {  	s17 =	sadd.s32 $0x2000, s31;
	vm2 =	veq.s32 v54, v12;
	v41 =	vshll.u32 v41, $0x1;
	v43 =	vshll.u32 v43, $0x1  }
0x86: {  	s15 =	sor.u32 s15, s17;
	v48 =	vsub.s32 v5, v48;
	v56 =	vsub.s32 v5, v49;
	v45 =	vsel vm1, $0x0, v45  }
0x87: {  	v63 =	vsub.s32 v5, v39;
	vm1 =	veq.s32 v54, v17;
	v40 =	vsel vm2, $0x0, v40;
	[tilespmem:s15+$0x0] =	vst v45  }
0x88: {  	s18 =	sand.u32 $0x3, s12;
	vm2 =	veq.s32 v54, v20;
	v55 =	vshll.u32 v48, $0x1;
	v41 =	vsel vm1, $0x0, v41;
	[tilespmem:s15+$0x80] =	vst v40  }
0x89: {  	s18 =	sshll.u32 s18, $0x5;
	v57 =	vshll.u32 v56, $0x1;
	v43 =	vsel vm2, $0x0, v43;
	vm2 =	veq.s32 v54, v23;
	[tilespmem:s15+$0x100] =	vst v41  }
0x8a: {  	s18 =	sadd.s32 $0x0, s18;
	v58 =	vsub.s32 v5, v42;
	v45 =	vsel vm2, $0x0, v55;
	vm2 =	veq.s32 v54, v26;
	[tilespmem:s15+$0x180] =	vst v43  }
0x8b: {  	s19 =	sadd.s32 $0x10, s18;
	v41 =	vshll.u32 v58, $0x1;
	v40 =	vsel vm2, $0x0, v57;
	vm2 =	veq.s32 v54, v29;
	[tilespmem:s15+$0x200] =	vst v45  }
0x8c: {  	s20 =	sor.u32 $0x300, s19;
	v39 =	vsel vm4, $0x0, v62;
	v59 =	vsub.s32 v5, v44;
	v41 =	vsel vm2, $0x0, v41;
	[tilespmem:s15+$0x280] =	vst v40  }
0x8d: {  	s11 =	sadd.s32 s5, s11;
	s22 =	sor.u32 $0x380, s19;
	s19 =	sor.u32 s16, s17;
	v42 =	vshll.u32 v59, $0x1;
	vm2 =	veq.s32 v54, v15;
	v40 =	vsel vm3, $0x0, v60;
	[tilespmem:s20+$0x2000] =	vst v41  }
0x8e: {  	s21 =	sor.u32 $0x300, s18;
	s16 =	simm.s32 $0x20;
	s17 =	simm.s32 $0x0;
	vm4 =	veq.s32 v14, v29;
	vm1 =	veq.s32 v14, v20;
	v42 =	vsel vm2, $0x0, v42;
	[tilespmem:s19+$0x0] =	vst v40  }
0x8f: {  	s15 =	simm.s32 $0x0;
	vm3 =	veq.s32 v14, v26;
	vm2 =	veq.s32 v14, v23;
	s20 =	sor.u32 $0x380, s18;
	v40 =	vshll.u32 v63, $0x1;
	s18 =	simm.s32 $0x0;
	[tilespmem:s22+$0x2000] =	vst v42  }
.LBB2_7:
0x90: {  	v63 =	vsel vm0, $0x0, v40;
	v38 =	vshll.u32 v38, $0x1;
	v37 =	vsub.s32 v5, v37  }
0x91: {  	v41 =	vld [tilespmem:s16+$0x0];
	v36 =	vsub.s32 v5, v36;
	v34 =	vsub.s32 v5, v34;
	v35 =	vsub.s32 v5, v35  }
0x92: {  	[tilespmem:s19+$0x80] =	vst v39;
	vm0 =	veq.s32 v14, v15;
	v43 =	vimm.s32 $0x0;
	v44 =	vimm.s32 $0x0  }
0x93: {  	s13 =	sadd.s32 $0x20, s13;
	v46 =	vimm.s32 $0x0;
	v47 =	vimm.s32 $0x0;
	v48 =	vimm.s32 $0x0;
	[tilespmem:s19+$0x100] =	vst v63  }
0x94: {  	v51 =	vimm.s32 $0x0;
	v38 =	vsel vm1, $0x0, v38;
	v37 =	vshll.u32 v37, $0x1;
	v39 =	vld [tilespmem:s13+$0x0]  }
0x95: {  	v36 =	vshll.u32 v36, $0x1;
	v34 =	vshll.u32 v34, $0x1;
	v42 =	vshll.u32 v35, $0x1  }
0x96: {  	v37 =	vsel vm2, $0x0, v37;
	v36 =	vsel vm3, $0x0, v36;
	vm1 =	veq.s32 v41, v9  }
0x97: {  	[tilespmem:s19+$0x180] =	vst v38;
	v34 =	vsel vm4, $0x0, v34;
	v45 =	vsel vm0, $0x0, v42;
	v14 =	vmovc v41;
	v35 =	vsel vm1, $0xFFFFFFFF, v43  }
0x98: {  	[tilespmem:s19+$0x200] =	vst v37;
	vm1 =	veq.s32 v41, v12;
	vm0 =	veq.s32 v14, v17;
	vm4 =	veq.s32 v14, v29  }
0x99: {  	[tilespmem:$0x1FFE0] =	vst v35;
	v35 =	vsel vm1, $0xFFFFFFFF, v44;
	v49 =	vxor.u32 v10, v39;
	v50 =	vxor.u32 v13, v39  }
0x9a: {  	[tilespmem:s19+$0x280] =	vst v36;
	v52 =	vxor.u32 v18, v39;
	v53 =	vxor.u32 v21, v39;
	v54 =	vxor.u32 v24, v39  }
0x9b: {  	[tilespmem:s21+$0x2000] =	vst v34;
	v55 =	vxor.u32 v27, v39;
	v56 =	vxor.u32 v30, v39;
	v39 =	vxor.u32 v32, v39  }
0x9c: {  	[tilespmem:$0x1FFF0] =	vst v35;
	v35 =	vsel vm0, $0xFFFFFFFF, v46;
	v34 =	vcvt.s32.f32 v49;
	v37 =	vcvt.s32.f32 v53  }
0x9d: {  	vm0 =	veq.s32 v14, v20;
	v38 =	vcvt.s32.f32 v54;
	v40 =	vcvt.s32.f32 v55  }
0x9e: {  	v41 =	vcvt.s32.f32 v56;
	[tilespmem:$0x1FFD0] =	vst v35;
	v35 =	vsel vm0, $0xFFFFFFFF, v47;
	vm0 =	veq.s32 v14, v23  }
0x9f: {  	v39 =	vcvt.s32.f32 v39;
	[tilespmem:$0x1FFA0] =	vst v35;
	v35 =	vsel vm0, $0xFFFFFFFF, v48;
	vm0 =	veq.s32 v14, v26  }
0xa0: {  	v34 =	vshra.s32 v34, $0x17;
	v37 =	vshra.s32 v37, $0x17;
	v38 =	vshra.s32 v38, $0x17  }
0xa1: {  	v40 =	vshra.s32 v40, $0x17;
	v41 =	vshra.s32 v41, $0x17;
	v39 =	vshra.s32 v39, $0x17  }
0xa2: {  	[tilespmem:$0x1FFB0] =	vst v35;
	v36 =	vsel vm0, $0xFFFFFFFF, v51;
	v35 =	vcvt.s32.f32 v50;
	v34 =	vsub.s32 $0x8E, v34  }
0xa3: {  	[tilespmem:s20+$0x2000] =	vst v45;
	v37 =	vsub.s32 $0x8E, v37;
	v38 =	vsub.s32 $0x8E, v38;
	v40 =	vsub.s32 $0x8E, v40  }
0xa4: {  	s14 =	sadd.s32 $0x20, s14;
	v41 =	vsub.s32 $0x8E, v41;
	v39 =	vsub.s32 $0x8E, v39;
	[tilespmem:$0x1FFC0] =	vst v36;
	v36 =	vcvt.s32.f32 v52  }
0xa5: {  	s12 =	sadd.s32 $0x20, s12;
	v42 =	vld [tilespmem:s14+$0x0];
	vm7 =	vlt.s32 v34, v11;
	vm10 =	vlt.s32 v37, v22;
	vm11 =	vlt.s32 v38, v25  }
0xa6: {  	s24 =	sand.u32 $0x60, s12;
	vm12 =	vlt.s32 v40, v28;
	vm13 =	vlt.s32 v41, v31;
	vm14 =	vlt.s32 v39, v33  }
0xa7: {  	s26 =	sand.u32 $0x780, s12;
	s25 =	sor.u32 $0x10, s24;
	v35 =	vshra.s32 v35, $0x17;
	v34 =	vsel vm7, v34, v11;
	v37 =	vsel vm10, v37, v22  }
0xa8: {  	s21 =	sor.u32 s26, s25;
	v43 =	vsel vm11, v38, v25;
	v44 =	vsel vm12, v40, v28;
	v45 =	vsel vm13, v41, v31  }
0xa9: {  	v48 =	vld [tilespmem:s21+$0x800];
	v46 =	vsel vm14, v39, v33;
	v36 =	vshra.s32 v36, $0x17;
	v35 =	vsub.s32 $0x8E, v35  }
0xaa: {  	vm7 =	vlt.s32 v34, v42;
	vm10 =	vlt.s32 v37, v42;
	vm11 =	vlt.s32 v43, v42  }
0xab: {  	vm12 =	vlt.s32 v44, v42;
	vm13 =	vlt.s32 v45, v42;
	v36 =	vsub.s32 $0x8E, v36  }
0xac: {  	vm8 =	vlt.s32 v35, v16;
	v47 =	vsel vm7, v34, v42;
	vm7 =	vlt.s32 v46, v42  }
0xad: {  	v38 =	vsel vm10, v37, v42;
	v37 =	vsel vm11, v43, v42;
	v34 =	vsel vm13, v45, v42  }
0xae: {  	v57 =	vxor.u32 v10, v48;
	v58 =	vxor.u32 v13, v48;
	v59 =	vxor.u32 v18, v48  }
0xaf: {  	v60 =	vxor.u32 v21, v48;
	v61 =	vxor.u32 v24, v48;
	v49 =	vxor.u32 v27, v48  }
0xb0: {  	v40 =	vld [tilespmem:s21+$0x0];
	v50 =	vxor.u32 v30, v48;
	v48 =	vxor.u32 v32, v48;
	v43 =	vcvt.s32.f32 v57  }
0xb1: {  	vm9 =	vlt.s32 v36, v19;
	v45 =	vcvt.s32.f32 v59;
	v49 =	vcvt.s32.f32 v49  }
0xb2: {  	v35 =	vsel vm8, v35, v16;
	v50 =	vcvt.s32.f32 v50;
	v48 =	vcvt.s32.f32 v48  }
0xb3: {  	v38 =	vsub.s32 v5, v38;
	v36 =	vsel vm9, v36, v19;
	vm8 =	vlt.s32 v35, v42  }
0xb4: {  	vm9 =	vlt.s32 v36, v42;
	v41 =	vsel vm8, v35, v42;
	v35 =	vsel vm7, v46, v42  }
0xb5: {  	vm13 =	veq.s32 v40, v9;
	vm10 =	veq.s32 v40, v17;
	vm8 =	veq.s32 v40, v23  }
0xb6: {  	vm7 =	veq.s32 v40, v26;
	v46 =	vcvt.s32.f32 v60;
	vm11 =	veq.s32 v40, v29  }
0xb7: {  	v43 =	vshra.s32 v43, $0x17;
	v45 =	vshra.s32 v45, $0x17;
	v49 =	vshra.s32 v49, $0x17  }
0xb8: {  	v50 =	vshra.s32 v50, $0x17;
	v48 =	vshra.s32 v48, $0x17;
	v39 =	vsel vm9, v36, v42  }
0xb9: {  	v36 =	vsel vm12, v44, v42;
	v42 =	vsub.s32 v5, v47;
	vm12 =	veq.s32 v40, v12  }
0xba: {  	vm9 =	veq.s32 v40, v20;
	v44 =	vcvt.s32.f32 v58;
	v47 =	vcvt.s32.f32 v61  }
0xbb: {  	v43 =	vsub.s32 $0x8E, v43;
	v45 =	vsub.s32 $0x8E, v45;
	v49 =	vsub.s32 $0x8E, v49  }
0xbc: {  	v50 =	vsub.s32 $0x8E, v50;
	v48 =	vsub.s32 $0x8E, v48;
	v46 =	vshra.s32 v46, $0x17  }
0xbd: {  	v51 =	vld [tilespmem:s21+$0x1800];
	vm14 =	vlt.s32 v43, v11;
	vm0 =	vlt.s32 v45, v19;
	vm1 =	vlt.s32 v49, v28  }
0xbe: {  	vm2 =	vlt.s32 v50, v31;
	vm3 =	vlt.s32 v48, v33;
	v44 =	vshra.s32 v44, $0x17  }
0xbf: {  	v47 =	vshra.s32 v47, $0x17;
	v46 =	vsub.s32 $0x8E, v46;
	v43 =	vsel vm14, v43, v11  }
0xc0: {  	v62 =	vld [tilespmem:$0x1FFB0];
	v45 =	vsel vm0, v45, v19;
	v49 =	vsel vm1, v49, v28;
	v50 =	vsel vm2, v50, v31  }
0xc1: {  	v48 =	vsel vm3, v48, v33;
	v44 =	vsub.s32 $0x8E, v44;
	v47 =	vsub.s32 $0x8E, v47  }
0xc2: {  	vm5 =	vlt.s32 v46, v22;
	vm0 =	vlt.s32 v43, v51;
	vm2 =	vlt.s32 v45, v51  }
0xc3: {  	vm14 =	vlt.s32 v50, v51;
	vm15 =	vlt.s32 v44, v16;
	vm6 =	vlt.s32 v47, v25  }
0xc4: {  	v63 =	vld [tilespmem:$0x1FFC0];
	v46 =	vsel vm5, v46, v22;
	v43 =	vsel vm0, v43, v51;
	vm0 =	vlt.s32 v48, v51  }
0xc5: {  	v45 =	vsel vm2, v45, v51;
	vm2 =	vnez.u8 v62;
	v50 =	vsel vm14, v50, v51  }
0xc6: {  	v52 =	vld [tilespmem:$0x1FFA0];
	v44 =	vsel vm15, v44, v16;
	v47 =	vsel vm6, v47, v25;
	vm3 =	vlt.s32 v46, v51  }
0xc7: {  	vm6 =	vlt.s32 v49, v51;
	v43 =	vsub.s32 v5, v43;
	v48 =	vsel vm0, v48, v51  }
0xc8: {  	v45 =	vsub.s32 v5, v45;
	vm1 =	vlt.s32 v44, v51;
	vm5 =	vlt.s32 v47, v51  }
0xc9: {  	s17 =	sadd.s32 $0x100, s17;
	v46 =	vsel vm3, v46, v51;
	vm3 =	vnez.u8 v63;
	v49 =	vsel vm6, v49, v51  }
0xca: {  	s28 =	sand.u32 $0x3C00, s17;
	v43 =	vshll.u32 v43, $0x1;
	v57 =	vshll.u32 v45, $0x1;
	v44 =	vsel vm1, v44, v51  }
0xcb: {  	s21 =	sadd.s32 $0x2000, s28;
	vm1 =	vnez.u8 v52;
	v47 =	vsel vm5, v47, v51;
	v43 =	vsel vm13, $0x0, v43  }
0xcc: {  	s18 =	sadd.s32 $0x1, s18;
	s22 =	sor.u32 s25, s21;
	v58 =	vsub.s32 v5, v46;
	v59 =	vsel vm10, $0x0, v57;
	v51 =	vsub.s32 v5, v49  }
0xcd: {  	s29 =	sand.u32 $0x3, s18;
	v44 =	vsub.s32 v5, v44;
	[tilespmem:s22+$0x0] =	vst v43;
	v60 =	vshll.u32 v58, $0x1;
	v61 =	vsub.s32 v5, v47  }
0xce: {  	s20 =	sshll.u32 s29, $0x5;
	[tilespmem:s22+$0x100] =	vst v59;
	v53 =	vshll.u32 v51, $0x1;
	v62 =	vsel vm9, $0x0, v60;
	v63 =	vshll.u32 v61, $0x1;
	v61 =	vld [tilespmem:$0x1FFE0]  }
0xcf: {  	s15 =	sadd.s32 $0x2, s15;
	s23 =	sadd.s32 s20, s17;
	v44 =	vshll.u32 v44, $0x1;
	v55 =	vsel vm7, $0x0, v53;
	[tilespmem:s22+$0x180] =	vst v62;
	v52 =	vsel vm8, $0x0, v63;
	v63 =	vld [tilespmem:$0x1FFF0]  }
0xd0: {  	p0 =	slt.u32 s15, $0x7E;
	s20 =	sor.u32 $0x380, s23;
	s19 =	sor.u32 s24, s21;
	v41 =	vsub.s32 v5, v41;
	v54 =	vsub.s32 v5, v50;
	v60 =	vld [tilespmem:$0x1FFD0];
	v56 =	vsel vm12, $0x0, v44;
	[tilespmem:s22+$0x280] =	vst v55  }
.Ltmp2:
0xd1: {  	s21 =	sor.u32 $0x300, s23;
	s23 =	sadd.s32 $0x10, s23;
	v42 =	vshll.u32 v42, $0x1;
	v57 =	vsub.s32 v5, v48;
	[tilespmem:s22+$0x80] =	vst v56;
	v56 =	vshll.u32 v54, $0x1;
	(pc) =	sbr.rel @p0 .LBB2_7-.Ltmp2, $4  }
0xd2: {  	s30 =	sor.u32 $0x300, s23;
	vm0 =	veq.s32 v40, v15;
	v59 =	vshll.u32 v57, $0x1;
	[tilespmem:s22+$0x200] =	vst v52;
	v58 =	vsel vm11, $0x0, v56  }
0xd3: {  	s31 =	sor.u32 $0x380, s23;
	v41 =	vshll.u32 v41, $0x1;
	v40 =	vsel vm0, $0x0, v59;
	[tilespmem:s30+$0x2000] =	vst v58;
	vm5 =	vnez.u8 v61  }
0xd4: {  	v62 =	vsub.s32 v5, v39;
	[tilespmem:s31+$0x2000] =	vst v40;
	v42 =	vsel vm5, $0x0, v42;
	vm5 =	vnez.u8 v63  }
0xd5: {  	s16 =	sadd.s32 $0x20, s16;
	vm0 =	vnez.u8 v60;
	v40 =	vshll.u32 v62, $0x1;
	[tilespmem:s19+$0x0] =	vst v42;
	v39 =	vsel vm5, $0x0, v41  }
0xd6: {  	v10 =	vsel vm0, $0x0, v40;
	vm0 =	veq.s32 v14, v15;
	v14 =	vbroadcast v8, $0x9  }
0xd7: {  	v9 =	vshll.u32 v38, $0x1;
	v15 =	vbroadcast v6, $0xA;
	v20 =	vbroadcast v7, $0xB  }
0xd8: {  	v11 =	vsub.s32 v5, v37;
	v21 =	vbroadcast v8, $0xB;
	v22 =	vbroadcast v6, $0xC  }
0xd9: {  	[tilespmem:s19+$0x80] =	vst v39;
	v18 =	vsub.s32 v5, v35;
	v23 =	vbroadcast v7, $0xC;
	v24 =	vbroadcast v8, $0xC  }
0xda: {  	v12 =	vsel vm1, $0x0, v9;
	v9 =	vshll.u32 v11, $0x1;
	v11 =	vsub.s32 v5, v36;
	[tilespmem:s19+$0x100] =	vst v10  }
0xdb: {  	v16 =	vsel vm2, $0x0, v9;
	v9 =	vshll.u32 v11, $0x1;
	v11 =	vsub.s32 v5, v34;
	[tilespmem:s19+$0x180] =	vst v12  }
0xdc: {  	v25 =	vbroadcast v6, $0xD;
	v17 =	vsel vm3, $0x0, v9;
	v13 =	vshll.u32 v11, $0x1;
	[tilespmem:s19+$0x200] =	vst v16  }
0xdd: {  	v26 =	vbroadcast v7, $0xD;
	v19 =	vsel vm4, $0x0, v13;
	[tilespmem:s19+$0x280] =	vst v17;
	v17 =	vshll.u32 v18, $0x1  }
0xde: {  	v27 =	vbroadcast v8, $0xD;
	v28 =	vbroadcast v6, $0xE;
	[tilespmem:s21+$0x2000] =	vst v19;
	v17 =	vsel vm0, $0x0, v17  }
0xdf: {  	s12 =	simm.s32 $0x0;
	v29 =	vbroadcast v7, $0xE;
	v30 =	vbroadcast v8, $0xE;
	[tilespmem:s20+$0x2000] =	vst v17  }
0xe0: {  	s13 =	simm.s32 $0x800;
	v10 =	vbroadcast v7, $0x8;
	s16 =	sand.u32 $0x60, s12;
	v12 =	vbroadcast v6, $0x9;
	v17 =	vld [tilespmem:s12+$0x0]  }
0xe1: {  	s15 =	sand.u32 $0x780, s12;
	s17 =	sor.u32 $0x10, s16;
	v9 =	vbroadcast v6, $0x8;
	v11 =	vbroadcast v8, $0x8;
	v31 =	vld [tilespmem:s13+$0x0]  }
0xe2: {  	v16 =	vbroadcast v7, $0xA;
	s15 =	sor.u32 s15, s17;
	v13 =	vbroadcast v7, $0x9  }
0xe3: {  	v18 =	vbroadcast v8, $0xA;
	v7 =	vbroadcast v7, $0xF;
	v43 =	vld [tilespmem:s15+$0x800]  }
0xe4: {  	v8 =	vbroadcast v8, $0xF;
	v19 =	vbroadcast v6, $0xB  }
0xe5: {  	v6 =	vbroadcast v6, $0xF;
	vm3 =	veq.s32 v17, v9;
	vm4 =	veq.s32 v17, v12  }
0xe6: {  	v32 =	vxor.u32 v10, v31;
	v33 =	vxor.u32 v13, v31;
	v57 =	vxor.u32 v16, v31  }
0xe7: {  	v58 =	vxor.u32 v20, v31;
	v59 =	vxor.u32 v23, v31;
	v60 =	vxor.u32 v26, v31  }
0xe8: {  	v61 =	vxor.u32 v29, v31;
	v31 =	vxor.u32 v7, v31;
	v63 =	vxor.u32 v10, v43  }
0xe9: {  	v48 =	vxor.u32 v13, v43;
	v49 =	vxor.u32 v16, v43;
	v32 =	vcvt.s32.f32 v32  }
0xea: {  	v50 =	vxor.u32 v20, v43;
	v33 =	vcvt.s32.f32 v33;
	v34 =	vcvt.s32.f32 v57  }
0xeb: {  	v45 =	vxor.u32 v23, v43;
	v35 =	vcvt.s32.f32 v58;
	v36 =	vcvt.s32.f32 v59  }
0xec: {  	v51 =	vxor.u32 v26, v43;
	v37 =	vcvt.s32.f32 v60;
	v38 =	vcvt.s32.f32 v61  }
0xed: {  	v47 =	vxor.u32 v29, v43;
	v31 =	vcvt.s32.f32 v31;
	v46 =	vcvt.s32.f32 v63  }
0xee: {  	v43 =	vxor.u32 v7, v43;
	v40 =	vcvt.s32.f32 v49;
	v45 =	vcvt.s32.f32 v45  }
0xef: {  	vm0 =	veq.s32 v17, v15;
	v52 =	vcvt.s32.f32 v47;
	v53 =	vcvt.s32.f32 v43  }
0xf0: {  	v32 =	vshra.s32 v32, $0x17;
	v33 =	vshra.s32 v33, $0x17;
	v34 =	vshra.s32 v34, $0x17  }
0xf1: {  	v35 =	vshra.s32 v35, $0x17;
	v36 =	vshra.s32 v36, $0x17;
	v37 =	vshra.s32 v37, $0x17  }
0xf2: {  	v38 =	vshra.s32 v38, $0x17;
	v31 =	vshra.s32 v31, $0x17;
	v54 =	vshra.s32 v46, $0x17  }
0xf3: {  	v40 =	vshra.s32 v40, $0x17;
	v45 =	vshra.s32 v45, $0x17;
	v32 =	vsub.s32 $0x8E, v32  }
0xf4: {  	v33 =	vsub.s32 $0x8E, v33;
	v34 =	vsub.s32 $0x8E, v34;
	v35 =	vsub.s32 $0x8E, v35  }
0xf5: {  	v36 =	vsub.s32 $0x8E, v36;
	v37 =	vsub.s32 $0x8E, v37;
	v38 =	vsub.s32 $0x8E, v38  }
0xf6: {  	s14 =	simm.s32 $0x1800;
	v31 =	vsub.s32 $0x8E, v31;
	v43 =	vsub.s32 $0x8E, v54;
	v40 =	vsub.s32 $0x8E, v40  }
0xf7: {  	v39 =	vld [tilespmem:s14+$0x0];
	v45 =	vsub.s32 $0x8E, v45;
	vm1 =	vlt.s32 v32, v11;
	vm2 =	vlt.s32 v33, v14  }
0xf8: {  	v32 =	vsel vm1, v32, v11;
	vm1 =	vlt.s32 v34, v18;
	v33 =	vsel vm2, v33, v14  }
0xf9: {  	vm2 =	vlt.s32 v35, v21;
	v34 =	vsel vm1, v34, v18;
	vm1 =	vlt.s32 v36, v24  }
0xfa: {  	v35 =	vsel vm2, v35, v21;
	vm2 =	vlt.s32 v37, v27;
	v62 =	vsel vm1, v36, v24  }
0xfb: {  	vm1 =	vlt.s32 v38, v30;
	v41 =	vsel vm2, v37, v27;
	vm2 =	vlt.s32 v31, v8  }
0xfc: {  	v38 =	vsel vm1, v38, v30;
	vm1 =	vlt.s32 v32, v39;
	v42 =	vsel vm2, v31, v8  }
0xfd: {  	vm2 =	vlt.s32 v33, v39;
	v44 =	vsel vm1, v32, v39;
	vm1 =	vlt.s32 v34, v39  }
0xfe: {  	v37 =	vsel vm2, v33, v39;
	vm2 =	vlt.s32 v35, v39;
	v36 =	vsel vm1, v34, v39  }
0xff: {  	vm1 =	vlt.s32 v62, v39;
	v35 =	vsel vm2, v35, v39;
	vm2 =	vlt.s32 v41, v39  }
0x100: {  	v44 =	vsub.s32 v5, v44;
	v37 =	vsub.s32 v5, v37;
	v34 =	vsel vm1, v62, v39  }
0x101: {  	vm1 =	vlt.s32 v38, v39;
	v33 =	vsel vm2, v41, v39;
	vm2 =	vlt.s32 v42, v39  }
0x102: {  	v41 =	vcvt.s32.f32 v50;
	v62 =	vshll.u32 v44, $0x1;
	v37 =	vshll.u32 v37, $0x1  }
0x103: {  	v63 =	vsub.s32 v5, v36;
	v35 =	vsub.s32 v5, v35;
	v31 =	vsel vm1, v38, v39  }
0x104: {  	v38 =	vcvt.s32.f32 v48;
	v48 =	vcvt.s32.f32 v51;
	v32 =	vsel vm2, v42, v39  }
0x105: {  	v39 =	vshra.s32 v52, $0x17;
	v42 =	vshra.s32 v53, $0x17;
	vm1 =	vlt.s32 v43, v11  }
0x106: {  	v56 =	vld [tilespmem:s15+$0x1800];
	v41 =	vshra.s32 v41, $0x17;
	v39 =	vsub.s32 $0x8E, v39;
	v42 =	vsub.s32 $0x8E, v42  }
0x107: {  	v43 =	vsel vm1, v43, v11;
	vm1 =	vlt.s32 v40, v18;
	v38 =	vshra.s32 v38, $0x17  }
0x108: {  	v55 =	vshra.s32 v48, $0x17;
	v41 =	vsub.s32 $0x8E, v41;
	v40 =	vsel vm1, v40, v18  }
0x109: {  	vm1 =	vlt.s32 v45, v24;
	v38 =	vsub.s32 $0x8E, v38;
	v46 =	vsub.s32 $0x8E, v55  }
0x10a: {  	v45 =	vsel vm1, v45, v24;
	vm1 =	vlt.s32 v39, v30;
	vm2 =	vlt.s32 v38, v14  }
0x10b: {  	v39 =	vsel vm1, v39, v30;
	vm1 =	vlt.s32 v43, v56;
	v38 =	vsel vm2, v38, v14  }
0x10c: {  	v57 =	vld [tilespmem:s15+$0x0];
	vm2 =	vlt.s32 v41, v21;
	v43 =	vsel vm1, v43, v56;
	vm1 =	vlt.s32 v40, v56  }
0x10d: {  	v41 =	vsel vm2, v41, v21;
	vm2 =	vlt.s32 v46, v27;
	v40 =	vsel vm1, v40, v56  }
0x10e: {  	vm1 =	vlt.s32 v45, v56;
	v43 =	vsub.s32 v5, v43;
	v46 =	vsel vm2, v46, v27  }
0x10f: {  	vm2 =	vlt.s32 v42, v8;
	v45 =	vsel vm1, v45, v56;
	vm1 =	vlt.s32 v39, v56  }
0x110: {  	v43 =	vshll.u32 v43, $0x1;
	v40 =	vsub.s32 v5, v40;
	v42 =	vsel vm2, v42, v8  }
0x111: {  	vm2 =	vlt.s32 v38, v56;
	v39 =	vsel vm1, v39, v56;
	vm1 =	veq.s32 v57, v9  }
0x112: {  	v40 =	vshll.u32 v40, $0x1;
	v45 =	vsub.s32 v5, v45;
	v38 =	vsel vm2, v38, v56  }
0x113: {  	vm2 =	vlt.s32 v41, v56;
	v43 =	vsel vm1, $0x0, v43;
	vm1 =	veq.s32 v57, v15  }
0x114: {  	s18 =	sand.u32 $0x3C00, s12;
	v58 =	vshll.u32 v45, $0x1;
	v41 =	vsel vm2, v41, v56;
	vm2 =	vlt.s32 v46, v56  }
0x115: {  	s31 =	sadd.s32 $0x6000, s18;
	v38 =	vsub.s32 v5, v38;
	v46 =	vsel vm2, v46, v56;
	vm2 =	vlt.s32 v42, v56  }
0x116: {  	s26 =	sor.u32 s17, s31;
	s20 =	sadd.s32 $0x6080, s18;
	v38 =	vshll.u32 v38, $0x1;
	v42 =	vsel vm2, v42, v56;
	vm2 =	veq.s32 v57, v12  }
0x117: {  	s21 =	sadd.s32 $0x6100, s18;
	s28 =	sor.u32 s17, s20;
	v39 =	vsub.s32 v5, v39;
	[tilespmem:s26+$0x0] =	vst v43;
	v41 =	vsub.s32 v5, v41;
	v38 =	vsel vm2, $0x0, v38  }
0x118: {  	s23 =	sadd.s32 $0x6180, s18;
	s29 =	sor.u32 s17, s21;
	v40 =	vsel vm1, $0x0, v40;
	v41 =	vshll.u32 v41, $0x1;
	vm2 =	veq.s32 v57, v19;
	[tilespmem:s28+$0x0] =	vst v38  }
0x119: {  	s24 =	sadd.s32 $0x6200, s18;
	s22 =	sor.u32 s17, s23;
	v59 =	vsub.s32 v5, v46;
	v41 =	vsel vm2, $0x0, v41;
	vm2 =	veq.s32 v57, v22;
	[tilespmem:s29+$0x0] =	vst v40  }
0x11a: {  	s25 =	sadd.s32 $0x6280, s18;
	s30 =	sor.u32 s17, s24;
	s24 =	sor.u32 s16, s24;
	v60 =	vshll.u32 v59, $0x1;
	v43 =	vsel vm2, $0x0, v58;
	vm2 =	veq.s32 v57, v25;
	[tilespmem:s22+$0x0] =	vst v41  }
0x11b: {  	s19 =	sor.u32 s16, s31;
	s31 =	sor.u32 s17, s25;
	v39 =	vshll.u32 v39, $0x1;
	s26 =	sadd.s32 $0x6300, s18;
	v38 =	vsel vm2, $0x0, v60;
	vm2 =	veq.s32 v57, v28;
	[tilespmem:s30+$0x0] =	vst v43  }
0x11c: {  	s25 =	sor.u32 s16, s25;
	v36 =	vsel vm4, $0x0, v37;
	s18 =	sadd.s32 $0x6380, s18;
	v61 =	vsub.s32 v5, v42;
	s28 =	sor.u32 s17, s26;
	v39 =	vsel vm2, $0x0, v39;
	[tilespmem:s31+$0x0] =	vst v38  }
0x11d: {  	s20 =	sor.u32 s16, s20;
	s15 =	simm.s32 $0x0;
	s17 =	sor.u32 s17, s18;
	v40 =	vshll.u32 v61, $0x1;
	vm2 =	veq.s32 v57, v6;
	v38 =	vsel vm3, $0x0, v62;
	[tilespmem:s28+$0x0] =	vst v39  }
0x11e: {  	vm4 =	veq.s32 v17, v28;
	v37 =	vshll.u32 v63, $0x1;
	s18 =	sor.u32 s16, s18;
	s22 =	sor.u32 s16, s21;
	s21 =	sor.u32 s16, s23;
	v40 =	vsel vm2, $0x0, v40;
	[tilespmem:s19+$0x0] =	vst v38  }
0x11f: {  	vm1 =	veq.s32 v17, v19;
	s23 =	sor.u32 s16, s26;
	s16 =	simm.s32 $0x20;
	vm2 =	veq.s32 v17, v22;
	vm3 =	veq.s32 v17, v25;
	[tilespmem:s17+$0x0] =	vst v40;
	s17 =	simm.s32 $0x0  }
.LBB2_9:
0x120: {  	v63 =	vsel vm0, $0x0, v37;
	v35 =	vshll.u32 v35, $0x1;
	v34 =	vsub.s32 v5, v34  }
0x121: {  	v38 =	vld [tilespmem:s16+$0x0];
	v33 =	vsub.s32 v5, v33;
	v31 =	vsub.s32 v5, v31;
	v32 =	vsub.s32 v5, v32  }
0x122: {  	[tilespmem:s20+$0x0] =	vst v36;
	vm0 =	veq.s32 v17, v6;
	v40 =	vimm.s32 $0x0;
	v41 =	vimm.s32 $0x0  }
0x123: {  	s13 =	sadd.s32 $0x20, s13;
	v42 =	vimm.s32 $0x0;
	[tilespmem:s22+$0x0] =	vst v63;
	v35 =	vsel vm1, $0x0, v35;
	v34 =	vshll.u32 v34, $0x1  }
0x124: {  	v43 =	vimm.s32 $0x0;
	v33 =	vshll.u32 v33, $0x1;
	v36 =	vld [tilespmem:s13+$0x0];
	[tilespmem:s21+$0x0] =	vst v35;
	v34 =	vsel vm2, $0x0, v34  }
0x125: {  	v44 =	vimm.s32 $0x0;
	v31 =	vshll.u32 v31, $0x1;
	v33 =	vsel vm3, $0x0, v33;
	[tilespmem:s24+$0x0] =	vst v34  }
0x126: {  	v39 =	vshll.u32 v32, $0x1;
	v31 =	vsel vm4, $0x0, v31;
	[tilespmem:s25+$0x0] =	vst v33;
	vm1 =	veq.s32 v38, v9  }
0x127: {  	v46 =	vimm.s32 $0x0;
	[tilespmem:s23+$0x0] =	vst v31;
	v31 =	vsel vm0, $0x0, v39;
	v17 =	vmovc v38;
	v32 =	vsel vm1, $0xFFFFFFFF, v40  }
0x128: {  	vm1 =	veq.s32 v38, v12;
	vm0 =	veq.s32 v17, v15;
	[tilespmem:s18+$0x0] =	vst v31;
	vm4 =	veq.s32 v17, v28  }
0x129: {  	[tilespmem:$0x1FF80] =	vst v32;
	v32 =	vsel vm1, $0xFFFFFFFF, v41;
	v31 =	vxor.u32 v10, v36;
	v45 =	vxor.u32 v13, v36  }
0x12a: {  	v47 =	vxor.u32 v16, v36;
	v48 =	vxor.u32 v20, v36;
	v49 =	vxor.u32 v23, v36  }
0x12b: {  	v50 =	vxor.u32 v26, v36;
	v51 =	vxor.u32 v29, v36;
	v36 =	vxor.u32 v7, v36  }
0x12c: {  	[tilespmem:$0x1FF90] =	vst v32;
	v32 =	vsel vm0, $0xFFFFFFFF, v42;
	v31 =	vcvt.s32.f32 v31;
	v34 =	vcvt.s32.f32 v48  }
0x12d: {  	vm0 =	veq.s32 v17, v19;
	v35 =	vcvt.s32.f32 v49;
	v37 =	vcvt.s32.f32 v50  }
0x12e: {  	v38 =	vcvt.s32.f32 v51;
	[tilespmem:$0x1FF70] =	vst v32;
	v32 =	vsel vm0, $0xFFFFFFFF, v43;
	vm0 =	veq.s32 v17, v22  }
0x12f: {  	v36 =	vcvt.s32.f32 v36;
	[tilespmem:$0x1FF40] =	vst v32;
	v32 =	vsel vm0, $0xFFFFFFFF, v44;
	vm0 =	veq.s32 v17, v25  }
0x130: {  	v31 =	vshra.s32 v31, $0x17;
	v34 =	vshra.s32 v34, $0x17;
	v35 =	vshra.s32 v35, $0x17  }
0x131: {  	v37 =	vshra.s32 v37, $0x17;
	v38 =	vshra.s32 v38, $0x17;
	v36 =	vshra.s32 v36, $0x17  }
0x132: {  	[tilespmem:$0x1FF50] =	vst v32;
	v33 =	vsel vm0, $0xFFFFFFFF, v46;
	v32 =	vcvt.s32.f32 v45;
	v31 =	vsub.s32 $0x8E, v31  }
0x133: {  	v34 =	vsub.s32 $0x8E, v34;
	v35 =	vsub.s32 $0x8E, v35;
	v37 =	vsub.s32 $0x8E, v37  }
0x134: {  	s14 =	sadd.s32 $0x20, s14;
	v38 =	vsub.s32 $0x8E, v38;
	v36 =	vsub.s32 $0x8E, v36;
	[tilespmem:$0x1FF60] =	vst v33;
	v33 =	vcvt.s32.f32 v47  }
0x135: {  	s12 =	sadd.s32 $0x20, s12;
	v39 =	vld [tilespmem:s14+$0x0];
	vm7 =	vlt.s32 v31, v11;
	vm10 =	vlt.s32 v34, v21;
	vm11 =	vlt.s32 v35, v24  }
0x136: {  	s18 =	sand.u32 $0x60, s12;
	vm12 =	vlt.s32 v37, v27;
	vm13 =	vlt.s32 v38, v30;
	vm14 =	vlt.s32 v36, v8  }
0x137: {  	s22 =	sand.u32 $0x780, s12;
	s19 =	sor.u32 $0x10, s18;
	v32 =	vshra.s32 v32, $0x17;
	v31 =	vsel vm7, v31, v11;
	v34 =	vsel vm10, v34, v21  }
0x138: {  	s20 =	sor.u32 s22, s19;
	v40 =	vsel vm11, v35, v24;
	v41 =	vsel vm12, v37, v27;
	v42 =	vsel vm13, v38, v30  }
0x139: {  	v45 =	vld [tilespmem:s20+$0x800];
	v43 =	vsel vm14, v36, v8;
	v33 =	vshra.s32 v33, $0x17;
	v32 =	vsub.s32 $0x8E, v32  }
0x13a: {  	vm7 =	vlt.s32 v31, v39;
	vm10 =	vlt.s32 v34, v39;
	vm11 =	vlt.s32 v40, v39  }
0x13b: {  	vm12 =	vlt.s32 v41, v39;
	vm13 =	vlt.s32 v42, v39;
	v33 =	vsub.s32 $0x8E, v33  }
0x13c: {  	vm8 =	vlt.s32 v32, v14;
	v44 =	vsel vm7, v31, v39;
	vm7 =	vlt.s32 v43, v39  }
0x13d: {  	v35 =	vsel vm10, v34, v39;
	v34 =	vsel vm11, v40, v39;
	v31 =	vsel vm13, v42, v39  }
0x13e: {  	vm9 =	vlt.s32 v33, v18;
	v32 =	vsel vm8, v32, v14;
	v52 =	vxor.u32 v10, v45  }
0x13f: {  	v53 =	vxor.u32 v13, v45;
	v54 =	vxor.u32 v16, v45;
	v55 =	vxor.u32 v20, v45  }
0x140: {  	v37 =	vld [tilespmem:s20+$0x0];
	v56 =	vxor.u32 v23, v45;
	v46 =	vxor.u32 v26, v45;
	v47 =	vxor.u32 v29, v45  }
0x141: {  	v45 =	vxor.u32 v7, v45;
	v35 =	vsub.s32 v5, v35;
	v40 =	vcvt.s32.f32 v52  }
0x142: {  	v33 =	vsel vm9, v33, v18;
	v42 =	vcvt.s32.f32 v54;
	v46 =	vcvt.s32.f32 v46  }
0x143: {  	vm8 =	vlt.s32 v32, v39;
	v47 =	vcvt.s32.f32 v47;
	v45 =	vcvt.s32.f32 v45  }
0x144: {  	vm9 =	vlt.s32 v33, v39;
	v38 =	vsel vm8, v32, v39;
	v32 =	vsel vm7, v43, v39  }
0x145: {  	vm13 =	veq.s32 v37, v9;
	vm11 =	veq.s32 v37, v15;
	vm8 =	veq.s32 v37, v22  }
0x146: {  	vm7 =	veq.s32 v37, v25;
	v43 =	vcvt.s32.f32 v55;
	vm10 =	veq.s32 v37, v28  }
0x147: {  	v36 =	vsel vm9, v33, v39;
	v33 =	vsel vm12, v41, v39;
	v39 =	vsub.s32 v5, v44  }
0x148: {  	vm12 =	veq.s32 v37, v12;
	vm9 =	veq.s32 v37, v19;
	v41 =	vcvt.s32.f32 v53  }
0x149: {  	v44 =	vcvt.s32.f32 v56;
	v40 =	vshra.s32 v40, $0x17;
	v42 =	vshra.s32 v42, $0x17  }
0x14a: {  	v46 =	vshra.s32 v46, $0x17;
	v47 =	vshra.s32 v47, $0x17;
	v45 =	vshra.s32 v45, $0x17  }
0x14b: {  	v38 =	vsub.s32 v5, v38;
	v43 =	vshra.s32 v43, $0x17;
	v40 =	vsub.s32 $0x8E, v40  }
0x14c: {  	v42 =	vsub.s32 $0x8E, v42;
	v46 =	vsub.s32 $0x8E, v46;
	v47 =	vsub.s32 $0x8E, v47  }
0x14d: {  	v45 =	vsub.s32 $0x8E, v45;
	v39 =	vshll.u32 v39, $0x1;
	v38 =	vshll.u32 v38, $0x1  }
0x14e: {  	v41 =	vshra.s32 v41, $0x17;
	v44 =	vshra.s32 v44, $0x17;
	v43 =	vsub.s32 $0x8E, v43  }
0x14f: {  	v48 =	vld [tilespmem:s20+$0x1800];
	vm14 =	vlt.s32 v40, v11;
	vm0 =	vlt.s32 v42, v18;
	vm1 =	vlt.s32 v46, v27  }
0x150: {  	vm2 =	vlt.s32 v47, v30;
	vm3 =	vlt.s32 v45, v8;
	v41 =	vsub.s32 $0x8E, v41  }
0x151: {  	v44 =	vsub.s32 $0x8E, v44;
	vm5 =	vlt.s32 v43, v21;
	v40 =	vsel vm14, v40, v11  }
0x152: {  	v57 =	vld [tilespmem:$0x1FF50];
	v42 =	vsel vm0, v42, v18;
	v46 =	vsel vm1, v46, v27;
	v47 =	vsel vm2, v47, v30  }
0x153: {  	v45 =	vsel vm3, v45, v8;
	vm15 =	vlt.s32 v41, v14;
	vm6 =	vlt.s32 v44, v24  }
0x154: {  	v43 =	vsel vm5, v43, v21;
	vm0 =	vlt.s32 v40, v48;
	vm2 =	vlt.s32 v42, v48  }
0x155: {  	vm14 =	vlt.s32 v47, v48;
	v41 =	vsel vm15, v41, v14;
	v44 =	vsel vm6, v44, v24  }
0x156: {  	vm3 =	vlt.s32 v43, v48;
	vm6 =	vlt.s32 v46, v48;
	v40 =	vsel vm0, v40, v48  }
0x157: {  	vm0 =	vlt.s32 v45, v48;
	v42 =	vsel vm2, v42, v48;
	vm2 =	vnez.u8 v57  }
0x158: {  	v47 =	vsel vm14, v47, v48;
	vm1 =	vlt.s32 v41, v48;
	vm5 =	vlt.s32 v44, v48  }
0x159: {  	s17 =	sadd.s32 $0x100, s17;
	v49 =	vld [tilespmem:$0x1FF40];
	v43 =	vsel vm3, v43, v48;
	v40 =	vsub.s32 v5, v40;
	v46 =	vsel vm6, v46, v48  }
0x15a: {  	s15 =	sadd.s32 $0x2, s15;
	s28 =	sand.u32 $0x3C00, s17;
	v45 =	vsel vm0, v45, v48;
	v42 =	vsub.s32 v5, v42;
	v41 =	vsel vm1, v41, v48  }
0x15b: {  	p0 =	slt.u32 s15, $0x7E;
	s23 =	sadd.s32 $0x6000, s28;
	v58 =	vld [tilespmem:$0x1FF60];
	v40 =	vshll.u32 v40, $0x1;
	v61 =	vsub.s32 v5, v43;
	v41 =	vsub.s32 v5, v41  }
0x15c: {  	s29 =	sadd.s32 $0x6100, s28;
	s24 =	sadd.s32 $0x6080, s28;
	s25 =	sor.u32 s19, s23;
	v40 =	vsel vm13, $0x0, v40;
	v63 =	vshll.u32 v61, $0x1;
	v61 =	vld [tilespmem:$0x1FF80];
	v41 =	vshll.u32 v41, $0x1  }
0x15d: {  	s30 =	sadd.s32 $0x6180, s28;
	s31 =	sadd.s32 $0x6200, s28;
	s21 =	sor.u32 s19, s24;
	v44 =	vsel vm5, v44, v48;
	v60 =	vshll.u32 v42, $0x1;
	[tilespmem:s25+$0x0] =	vst v40;
	v59 =	vsel vm12, $0x0, v41  }
0x15e: {  	s26 =	sor.u32 s18, s23;
	s22 =	sor.u32 s18, s29;
	s23 =	sor.u32 s19, s29;
	vm1 =	vnez.u8 v49;
	v62 =	vsel vm11, $0x0, v60;
	v48 =	vsub.s32 v5, v44;
	[tilespmem:s21+$0x0] =	vst v59  }
0x15f: {  	s29 =	sadd.s32 $0x6280, s28;
	v51 =	vsub.s32 v5, v46;
	v49 =	vsel vm9, $0x0, v63;
	v50 =	vshll.u32 v48, $0x1;
	v63 =	vld [tilespmem:$0x1FF90];
	s21 =	sor.u32 s18, s30;
	s30 =	sor.u32 s19, s30;
	[tilespmem:s23+$0x0] =	vst v62  }
0x160: {  	s20 =	sor.u32 s18, s24;
	s24 =	sor.u32 s18, s31;
	s31 =	sor.u32 s19, s31;
	vm3 =	vnez.u8 v58;
	v53 =	vshll.u32 v51, $0x1;
	v60 =	vld [tilespmem:$0x1FF70];
	v52 =	vsel vm8, $0x0, v50;
	[tilespmem:s30+$0x0] =	vst v49  }
.Ltmp3:
0x161: {  	v54 =	vsub.s32 v5, v47;
	s25 =	sor.u32 s18, s29;
	v55 =	vsel vm7, $0x0, v53;
	s29 =	sor.u32 s19, s29;
	vm5 =	vnez.u8 v61;
	[tilespmem:s31+$0x0] =	vst v52;
	(pc) =	sbr.rel @p0 .LBB2_9-.Ltmp3, $4  }
0x162: {  	v56 =	vshll.u32 v54, $0x1;
	v57 =	vsub.s32 v5, v45;
	s30 =	sadd.s32 $0x6300, s28;
	v39 =	vsel vm5, $0x0, v39;
	[tilespmem:s29+$0x0] =	vst v55  }
0x163: {  	vm0 =	veq.s32 v37, v6;
	v58 =	vsel vm10, $0x0, v56;
	v59 =	vshll.u32 v57, $0x1;
	s28 =	sadd.s32 $0x6380, s28;
	s31 =	sor.u32 s19, s30;
	[tilespmem:s26+$0x0] =	vst v39  }
0x164: {  	v37 =	vsel vm0, $0x0, v59;
	v62 =	vsub.s32 v5, v36;
	s19 =	sor.u32 s19, s28;
	vm5 =	vnez.u8 v63;
	[tilespmem:s31+$0x0] =	vst v58  }
0x165: {  	s16 =	sadd.s32 $0x20, s16;
	vm0 =	vnez.u8 v60;
	s23 =	sor.u32 s18, s30;
	s18 =	sor.u32 s18, s28;
	v36 =	vsel vm5, $0x0, v38;
	[tilespmem:s19+$0x0] =	vst v37;
	v37 =	vshll.u32 v62, $0x1  }
0x166: {  	[tilespmem:s20+$0x0] =	vst v36;
	v7 =	vsel vm0, $0x0, v37;
	v8 =	vshll.u32 v35, $0x1;
	v9 =	vsub.s32 v5, v34  }
0x167: {  	v59 =	vsub.s32 v5, v33;
	[tilespmem:s22+$0x0] =	vst v7;
	v7 =	vsel vm1, $0x0, v8;
	v58 =	vshll.u32 v9, $0x1  }
0x168: {  	v61 =	vsub.s32 v5, v31;
	v60 =	vshll.u32 v59, $0x1;
	[tilespmem:s21+$0x0] =	vst v7;
	v7 =	vsel vm2, $0x0, v58  }
0x169: {  	v63 =	vsub.s32 v5, v32;
	v62 =	vshll.u32 v61, $0x1;
	[tilespmem:s24+$0x0] =	vst v7;
	v7 =	vsel vm3, $0x0, v60  }
0x16a: {  	vm15 =	veq.s32 v17, v6;
	s10 =	sadd.s32 $0x1, s10;
	v6 =	vshll.u32 v63, $0x1;
	[tilespmem:s25+$0x0] =	vst v7;
	v7 =	vsel vm4, $0x0, v62  }
0x16b: {  	s11 =	sshll.u32 s11, $0x8;
	p0 =	sne.s32 s10, $0x4;
	v6 =	vsel vm15, $0x0, v6;
	[tilespmem:s23+$0x0] =	vst v7  }
.Ltmp4:
0x16c: {  	s11 =	sadd.s32 s2, s11;
	[tilespmem:s18+$0x0] =	vst v6;
	(pc) =	sbr.rel @p0 .LBB2_6-.Ltmp4, $4  }
0x16d: {  	[hbm4b:s11+s3] =	stream.linear.scatter [tilespmem:s8], [sflag:$0x1], $0x8000, $0x38;
	[tilespmem:$0xA000] =	vst v63  }
0x16e: {  	_ =	swait.ge [sflag:s7], $0x8000  }
0x16f: {  	[sflag:s7] =	ssyncset.done $0x0  }
0x170: {  	[sflag:s7] =	ssyncadd.s32 $0xFFFF8000  }
0x171: {  	s9 =	sadd.s32 $0x1, s9  }
0x172: {  	p0 =	sne.s32 s9, s6  }
.Ltmp5:
0x173: {  	_ = 	snop;
	(pc) =	sbr.rel @p0 .LBB2_1-.Ltmp5, $1  }
0x174: {  	_ =	sdelay $0x3  }
0x175: {  	_ =	sfence.sel $0x180000  }
0x176: {  	[bflag:$0x0] =	sbarrier.arrive $0xFFFF  }
0x177: {  	p0 =	sne.s32 s4, $0x0;
	_ =	strace $0x90000047  }
0x178: {  	s0 =	sadd.s32 @!p0 $0x100000, s1;
	[bflag:$0x2] =	sbarrier.arrive $0xFFFF  }
0x179: {  	[sflag:s0] =	ssyncadd.tile.s32 @!p0 $0x1;
	_ =	shalt  }
.Lfunc_end2:
_tile_overlayer_lowered:
.L_overlay_start_2:
0x17a: {  	(tag) =	ssettag $0x2  }
0x17b: {  	s0 =	rddreg [dreg:$0x0];
	s2 =	stileid.u32  }
0x17c: {  	s1 =	rddreg [dreg:$0x1];
	p0 =	sne.s32 s2, $0x0  }
0x17d: {  	s3 =	rddreg [dreg:$0x2];
	[bflag:$0x3] =	sbarrier.arrive $0xFFFF;
	s2 =	simm.s32 @!p0 $0x1C01  }
0x17e: {  	[timem:s3], [sflag:s2] =	dma.local @!p0 [hbm:s0], s1  }
0x17f: {  	s0 =	simm.s32 @!p0 $0x1  }
0x180: {  	_ =	swait.ge @!p0 [sflag:s0], s1  }
0x181: {  	s1 =	ssub.s32 @!p0 $0x0, s1;
	[sflag:s0] =	ssyncset.done @!p0 $0x0  }
0x182: {  	[sflag:s0] =	ssyncadd.s32 @!p0 s1  }
0x183: {  	[bflag:$0x3] =	sbarrier.arrive $0xFFFF  }
0x184: {  	_ =	shalt  }

</sc_bundles>
